<compile_context>
chip_gen: v7x
topology: tpu7x:2x2x1
jax: 0.10.2.dev20260603
libtpu: 0.0.44.dev20260713+nightly
codegen_flags: <defaults>
</compile_context>

<pallas_src>
import functools

import jax
import jax.numpy as jnp
from jax import lax
from jax.experimental import pallas as pl
from jax.experimental.pallas import tpu as pltpu
from jax.experimental.pallas import tpu_sc as plsc

F32 = jnp.float32
BF16 = jnp.bfloat16
I32 = jnp.int32

NC, NS, L = 2, 16, 16
NW = NC * NS



def _conv_body(x_ref, w_ref, b_ref, o_ref):
    s_out = o_ref.shape[0]
    xs = x_ref[...].T
    cols = [xs[dy * 130 + dx: dy * 130 + dx + s_out, :]
            for dy in range(3) for dx in range(3)]
    x = jnp.concatenate(cols, axis=1)
    y = jnp.dot(x, w_ref[...], preferred_element_type=F32) + b_ref[...]
    y = jnp.maximum(y, 0.0)
    o_ref[...] = jnp.concatenate([y, x, jnp.zeros((s_out, 37), F32)], axis=1)


def _conv_table(xstrips, wr, b, B, nstrip, s_in, s_out, D):
    return pl.pallas_call(
        _conv_body,
        grid=(B, nstrip),
        in_specs=[
            pl.BlockSpec((None, None, 3, s_in), lambda b_, s_: (b_, s_, 0, 0)),
            pl.BlockSpec((27, D), lambda b_, s_: (0, 0)),
            pl.BlockSpec((1, D), lambda b_, s_: (0, 0)),
        ],
        out_specs=pl.BlockSpec((None, s_out, 128), lambda b_, s_: (b_, s_, 0)),
        out_shape=jax.ShapeDtypeStruct((B, nstrip * s_out, 128), F32),
    )(xstrips, wr, b)



def _sc_gather(cx, cy, ftab, N, f_stride, q_per_b, goff):
    chunk = N // NW
    nsub = chunk // L
    njc = chunk // 128

    mesh = plsc.VectorSubcoreMesh(core_axis_name="c", subcore_axis_name="s",
                                  num_cores=NC, num_subcores=NS)

    @functools.partial(
        pl.kernel, mesh=mesh,
        out_type=jax.ShapeDtypeStruct((N, 128), F32),
        scratch_types=[
            pltpu.VMEM((chunk,), F32),
            pltpu.VMEM((chunk,), F32),
            pltpu.VMEM((chunk,), I32),
            pltpu.VMEM((2, 128, 128), F32),
            pltpu.SemaphoreType.DMA,
            pltpu.SemaphoreType.DMA,
        ],
    )
    def k(cx_h, cy_h, ftab_h, fs_h, cxv, cyv, niv, fbuf, sema, semb):
        wid = lax.axis_index("s") * NC + lax.axis_index("c")
        base = wid * chunk
        pltpu.sync_copy(cx_h.at[pl.ds(base, chunk)], cxv)
        pltpu.sync_copy(cy_h.at[pl.ds(base, chunk)], cyv)
        b = (goff + base) // q_per_b
        f_off = b * f_stride

        def idx_body(i, _):
            s = i * L
            cx16 = cxv[pl.ds(s, L)]
            cy16 = cyv[pl.ds(s, L)]
            fx = (cx16 + 1.0) * 64.0 - 0.5
            fy = (cy16 + 1.0) * 64.0 - 0.5
            gx = jnp.maximum(fx + 0.5, 0.0)
            gy = jnp.maximum(fy + 0.5, 0.0)
            xi = jnp.minimum(gx.astype(I32), 127)
            yi = jnp.minimum(gy.astype(I32), 127)
            niv[pl.ds(s, L)] = f_off + yi * 130 + xi
            return 0

        lax.fori_loop(0, nsub, idx_body, 0)

        def start_g(j, par, sm):
            pltpu.make_async_copy(
                ftab_h.at[niv.at[pl.ds(j * 128, 128)]],
                fbuf.at[par], sm).start()

        def wait_g(par, sm):
            pltpu.make_async_copy(
                ftab_h.at[niv.at[pl.ds(0, 128)]], fbuf.at[par], sm).wait()

        start_g(0, 0, sema)
        start_g(1, 1, semb)

        def g_body(j2, _):
            for par in range(2):
                j = j2 * 2 + par
                sm = sema if par == 0 else semb
                wait_g(par, sm)
                pltpu.sync_copy(fbuf.at[par],
                                fs_h.at[pl.ds(base + j * 128, 128)])

                @pl.when(j + 2 < njc)
                def _():
                    start_g(j + 2, par, sm)
            return 0

        lax.fori_loop(0, njc // 2, g_body, 0)

    return k(cx, cy, ftab)



def _mlp_body(fs_ref, qm_ref,
              cw1, cb1, cw2, cb2, lw1, lb1, lw2, lb2,
              hw1, hb1, hw2, hb2, hw3, hb3,
              pred_ref, diff_ref):
    ft = fs_ref[...].T
    qm = qm_ref[...]
    inp = jnp.concatenate([ft[0:64], qm[2:4]], axis=0)

    def dot(a, x):
        return jnp.dot(a[...], x, preferred_element_type=F32)

    h = jnp.maximum(dot(cw1, inp) + cb1[...], 0.0)
    d = dot(cw2, h) + cb2[...]
    m = jnp.max(d, axis=0, keepdims=True)
    e = jnp.exp(d - m)
    diff = e / jnp.sum(e, axis=0, keepdims=True)

    hl = jnp.maximum(dot(lw1, inp) + lb1[...], 0.0)
    light = dot(lw2, hl) + lb2[...]

    hh = jnp.maximum(dot(hw1, inp) + hb1[...], 0.0)
    hh = jnp.maximum(dot(hw2, hh) + hb2[...], 0.0)
    heavy = dot(hw3, hh) + hb3[...]

    cy = qm[0:1]
    cx = qm[1:2]
    fx = (cx + 1.0) * 64.0 - 0.5
    fy = (cy + 1.0) * 64.0 - 0.5
    xi = jnp.minimum(jnp.maximum(fx + 0.5, 0.0).astype(I32), 127)
    yi = jnp.minimum(jnp.maximum(fy + 0.5, 0.0).astype(I32), 127)
    x0 = jnp.minimum(jnp.maximum(fx, 0.0).astype(I32), 127)
    y0 = jnp.minimum(jnp.maximum(fy, 0.0).astype(I32), 127)
    wx = fx - jnp.floor(fx)
    wy = fy - jnp.floor(fy)

    def tap(oy, ox):
        c0 = 64 + ((oy + 1) * 3 + (ox + 1)) * 3
        return ft[c0:c0 + 3]

    ym = y0 < yi
    yp = jnp.logical_and(y0 == yi, y0 < 127)
    xm = x0 < xi
    xp = jnp.logical_and(x0 == xi, x0 < 127)

    def pick(rc, t1, t0):
        return jnp.where(rc, t1, t0)

    v00 = pick(ym, pick(xm, tap(-1, -1), tap(-1, 0)),
               pick(xm, tap(0, -1), tap(0, 0)))
    v01 = pick(ym, pick(xp, tap(-1, 1), tap(-1, 0)),
               pick(xp, tap(0, 1), tap(0, 0)))
    v10 = pick(yp, pick(xm, tap(1, -1), tap(1, 0)),
               pick(xm, tap(0, -1), tap(0, 0)))
    v11 = pick(yp, pick(xp, tap(1, 1), tap(1, 0)),
               pick(xp, tap(0, 1), tap(0, 0)))

    bil = (v00 * (1.0 - wx) * (1.0 - wy) + v01 * wx * (1.0 - wy)
           + v10 * (1.0 - wx) * wy + v11 * wx * wy)

    pred_ref[...] = diff[0:1] * light + diff[1:2] * heavy + bil
    diff_ref[...] = diff


def _mlp_call(fs, qmeta, wts, N, bk):
    grid = (N // bk,)
    row = lambda i: (i, 0)
    col = lambda i: (0, i)
    cst = lambda i: (0, 0)
    w_specs = [pl.BlockSpec(w.shape, cst) for w in wts]
    return pl.pallas_call(
        _mlp_body,
        grid=grid,
        in_specs=[
            pl.BlockSpec((bk, 128), row),
            pl.BlockSpec((4, bk), col),
        ] + w_specs,
        out_specs=[pl.BlockSpec((3, bk), col), pl.BlockSpec((2, bk), col)],
        out_shape=[jax.ShapeDtypeStruct((3, N), F32),
                   jax.ShapeDtypeStruct((2, N), F32)],
    )(fs, qmeta, *wts)



def kernel(lr, coord, cell, enc_w, enc_b, cls_w1, cls_b1, cls_w2, cls_b2,
           lt_w1, lt_b1, lt_w2, lt_b2, hv_w1, hv_b1, hv_w2, hv_b2,
           hv_w3, hv_b3):
    B, C, H, W = lr.shape
    _, Hq, Wq, _ = coord.shape
    D = enc_w.shape[0]
    N = B * Hq * Wq
    q_per_b = Hq * Wq

    lrp = jnp.pad(lr, ((0, 0), (0, 0), (1, 1), (1, 1)))
    xflat = lrp.reshape(B, 3, 130 * 130)
    xflat = jnp.pad(xflat, ((0, 0), (0, 0), (0, 4)))
    nstrip, s_out = 8, 2080
    s_in = 2344
    xstrips = jnp.stack(
        [xflat[:, :, s * s_out: s * s_out + s_in] for s in range(nstrip)],
        axis=1)
    wr = jnp.transpose(enc_w, (2, 3, 1, 0)).reshape(27, D)
    f_stride = nstrip * s_out

    ftab = _conv_table(xstrips, wr, enc_b.reshape(1, D),
                       B, nstrip, s_in, s_out, D)
    ftab = ftab.reshape(B * f_stride, 128)

    cx = coord[..., 1].reshape(N)
    cy = coord[..., 0].reshape(N)

    qmeta = jnp.stack([cy, cx,
                       cell[..., 0].reshape(N), cell[..., 1].reshape(N)],
                      axis=0)
    wts = (
        cls_w1, cls_b1.reshape(-1, 1), cls_w2, cls_b2.reshape(-1, 1),
        lt_w1, lt_b1.reshape(-1, 1), lt_w2, lt_b2.reshape(-1, 1),
        hv_w1, hv_b1.reshape(-1, 1), hv_w2, hv_b2.reshape(-1, 1),
        hv_w3, hv_b3.reshape(-1, 1),
    )

    K = 4
    nk = N // K
    preds, diffs = [], []
    for k in range(K):
        sl = slice(k * nk, (k + 1) * nk)
        fs_k = _sc_gather(cx[sl], cy[sl], ftab, nk, f_stride, q_per_b, k * nk)
        pt, dt = _mlp_call(fs_k, qmeta[:, sl], wts, nk, bk=2048)
        preds.append(pt)
        diffs.append(dt)
    predt = jnp.concatenate(preds, axis=1)
    difft = jnp.concatenate(diffs, axis=1)

    pred = predt.reshape(3, B, Hq, Wq).transpose(1, 0, 2, 3)
    diff = difft.reshape(2, B, Hq, Wq).transpose(1, 0, 2, 3)
    return (pred, diff)

# --- scband reference (transcript-rebuilt; emitter-appended) ---
"""Pipeline reference for scband-pcsr-48009144435070 (READ-ONLY COPY).

The authoritative reference and input builder live on the scoring server;
editing this copy changes nothing except your own understanding.
"""

import jax, jax.numpy as jnp
import numpy as np


def _conv3x3(x, w, b):
    y = jax.lax.conv_general_dilated(x, w, (1, 1), 'SAME', dimension_numbers=('NCHW', 'OIHW', 'NCHW'))
    return y + b[None, :, None, None]


def _grid_sample(img, grid, mode):
    # img: [B,C,H,W]; grid: [B,Hg,Wg,2] with (x,y) in [-1,1]; padding_mode='border', align_corners=False
    B, C, H, W = img.shape
    fx = (grid[..., 0] + 1.0) * (W * 0.5) - 0.5
    fy = (grid[..., 1] + 1.0) * (H * 0.5) - 0.5

    def gather(imgb, yi, xi):
        return imgb[:, yi, xi]  # [C,Hg,Wg]

    if mode == 'nearest':
        xi = jnp.clip(jnp.floor(fx + 0.5).astype(jnp.int32), 0, W - 1)
        yi = jnp.clip(jnp.floor(fy + 0.5).astype(jnp.int32), 0, H - 1)
        return jax.vmap(gather)(img, yi, xi)

    x0 = jnp.floor(fx)
    y0 = jnp.floor(fy)
    wx = (fx - x0)[:, None, :, :]
    wy = (fy - y0)[:, None, :, :]
    x0i = jnp.clip(x0.astype(jnp.int32), 0, W - 1)
    x1i = jnp.clip(x0.astype(jnp.int32) + 1, 0, W - 1)
    y0i = jnp.clip(y0.astype(jnp.int32), 0, H - 1)
    y1i = jnp.clip(y0.astype(jnp.int32) + 1, 0, H - 1)
    v00 = jax.vmap(gather)(img, y0i, x0i)
    v01 = jax.vmap(gather)(img, y0i, x1i)
    v10 = jax.vmap(gather)(img, y1i, x0i)
    v11 = jax.vmap(gather)(img, y1i, x1i)
    return v00 * (1 - wx) * (1 - wy) + v01 * wx * (1 - wy) + v10 * (1 - wx) * wy + v11 * wx * wy


def _lin(x, w, b):
    # 1x1 conv / per-pixel linear: x [B,Cin,H,W], w [Cout,Cin]
    return jnp.einsum('oc,bchw->bohw', w, x) + b[None, :, None, None]


def setup_inputs(seed: int = 0) -> dict:
    key = jax.random.key(seed)
    ks = jax.random.split(key, 20)
    B, Hlr, Wlr = 4, 128, 128
    Hq, Wq = 256, 256
    D = 64  # encoder out_dim
    IN = D + 2  # feat + cell
    inp = {
        'lr': jax.random.uniform(ks[0], (B, 3, Hlr, Wlr), dtype=jnp.float32),
        'coord': jax.random.uniform(ks[1], (B, Hq, Wq, 2), dtype=jnp.float32),
        'cell': jax.random.uniform(ks[2], (B, Hq, Wq, 2), dtype=jnp.float32),
        # encoder conv 3->64
        'enc_w': jax.random.normal(ks[3], (D, 3, 3, 3), dtype=jnp.float32) * 0.05,
        'enc_b': jnp.zeros((D,), dtype=jnp.float32),
        # classifier MLP 66->32->2
        'cls_w1': jax.random.normal(ks[4], (32, IN), dtype=jnp.float32) * 0.05,
        'cls_b1': jnp.zeros((32,), dtype=jnp.float32),
        'cls_w2': jax.random.normal(ks[5], (2, 32), dtype=jnp.float32) * 0.05,
        'cls_b2': jnp.zeros((2,), dtype=jnp.float32),
        # light sampler MLP 66->16->3
        'lt_w1': jax.random.normal(ks[6], (16, IN), dtype=jnp.float32) * 0.05,
        'lt_b1': jnp.zeros((16,), dtype=jnp.float32),
        'lt_w2': jax.random.normal(ks[7], (3, 16), dtype=jnp.float32) * 0.05,
        'lt_b2': jnp.zeros((3,), dtype=jnp.float32),
        # heavy sampler MLP 66->64->64->3
        'hv_w1': jax.random.normal(ks[8], (64, IN), dtype=jnp.float32) * 0.05,
        'hv_b1': jnp.zeros((64,), dtype=jnp.float32),
        'hv_w2': jax.random.normal(ks[9], (64, 64), dtype=jnp.float32) * 0.05,
        'hv_b2': jnp.zeros((64,), dtype=jnp.float32),
        'hv_w3': jax.random.normal(ks[10], (3, 64), dtype=jnp.float32) * 0.05,
        'hv_b3': jnp.zeros((3,), dtype=jnp.float32),
    }
    return inp


def reference(lr, coord, cell, enc_w, enc_b, cls_w1, cls_b1, cls_w2, cls_b2,
              lt_w1, lt_b1, lt_w2, lt_b2, hv_w1, hv_b1, hv_w2, hv_b2, hv_w3, hv_b3):
    # forward_train path of PCSR
    feat = jax.nn.relu(_conv3x3(lr, enc_w, enc_b))            # encoder
    grid = coord[..., ::-1]                                    # coord.flip(-1) -> (x,y)
    feat_s = _grid_sample(feat, grid, 'nearest')               # sample features at HR queries
    inp = jnp.concatenate([feat_s, jnp.transpose(cell, (0, 3, 1, 2))], axis=1)  # [B,66,H,W]
    # classifier -> 2-way routing probabilities
    d = _lin(jax.nn.relu(_lin(inp, cls_w1, cls_b1)), cls_w2, cls_b2)
    diff = jax.nn.softmax(d, axis=1)
    # light expert
    pred_light = _lin(jax.nn.relu(_lin(inp, lt_w1, lt_b1)), lt_w2, lt_b2)
    # heavy expert
    h = jax.nn.relu(_lin(inp, hv_w1, hv_b1))
    h = jax.nn.relu(_lin(h, hv_w2, hv_b2))
    pred_heavy = _lin(h, hv_w3, hv_b3)
    pred = diff[:, 0:1, :, :] * pred_light + diff[:, 1:2, :, :] * pred_heavy
    pred = pred + _grid_sample(lr, grid, 'bilinear')
    return (pred, diff)

if __name__ == "__main__":
    import jax
    _d = setup_inputs()
    print(jax.jit(kernel)(*tuple(_d.values())))

</pallas_src>

<mosaic_0001>
#map = affine_map<(d0, d1) -> (0)>
#map1 = affine_map<(d0, d1) -> (0, 0)>
module attributes {stable_mosaic.version = 14 : i64} {
  func.func @k(%arg0: i32, %arg1: i32, %arg2: memref<65536xf32, #tpu.memory_space<hbm>>, %arg3: memref<65536xf32, #tpu.memory_space<hbm>>, %arg4: memref<66560x128xf32, #tpu.memory_space<hbm>>, %arg5: memref<65536x128xf32, #tpu.memory_space<hbm>>, %arg6: memref<2048xf32, #tpu.memory_space<vmem>>, %arg7: memref<2048xf32, #tpu.memory_space<vmem>>, %arg8: memref<2048xi32, #tpu.memory_space<vmem>>, %arg9: memref<2x128x128xf32, #tpu.memory_space<vmem>>, %arg10: memref<!tpu.dma_semaphore, #tpu.memory_space<semaphore_mem>>, %arg11: memref<!tpu.dma_semaphore, #tpu.memory_space<semaphore_mem>>) attributes {dimension_semantics = [#tpu.dimension_semantics<core_parallel>, #tpu.dimension_semantics<subcore_parallel>], iteration_bounds = array<i64: 2, 16>, scalar_prefetch = 0 : i64, scratch_operands = 6 : i64, tpu.core_type = #tpu.core_type<sc_vector_subcore>, window_params = [{transform_indices = #map}, {transform_indices = #map}, {transform_indices = #map1}, {transform_indices = #map1}]} {
    %mul3A = arith.constant 2 : i32
    %mul3A_0 = arith.muli %arg1, %mul3A : i32
    %add3A = arith.addi %mul3A_0, %arg0 : i32
    %mul3A_1 = arith.constant 2048 : i32
    %mul3A_2 = arith.muli %add3A, %mul3A_1 : i32
    "tpu.region"() ({
      %run_scoped3A = tpu.sem_alloc : memref<!tpu.dma_semaphore, #tpu.memory_space<semaphore_mem>>
      %dma_start3A_55 = tpu.memref_slice %arg2[%mul3A_2] : memref<65536xf32, #tpu.memory_space<hbm>> -> memref<2048xf32, #tpu.memory_space<hbm>>
      %dma_start3A_56 = tpu.memref_slice %arg2[%mul3A_2] : memref<65536xf32, #tpu.memory_space<hbm>> -> memref<2048xf32, #tpu.memory_space<hbm>>
      tpu.enqueue_dma source(%dma_start3A_56 : memref<2048xf32, #tpu.memory_space<hbm>>) target(%arg6 : memref<2048xf32, #tpu.memory_space<vmem>>) target_semaphore(%run_scoped3A : memref<!tpu.dma_semaphore, #tpu.memory_space<semaphore_mem>>)
      %dma_wait3A = tpu.memref_slice %arg2[%mul3A_2] : memref<65536xf32, #tpu.memory_space<hbm>> -> memref<2048xf32, #tpu.memory_space<hbm>>
      %dma_wait3A_57 = tpu.memref_slice %arg2[%mul3A_2] : memref<65536xf32, #tpu.memory_space<hbm>> -> memref<2048xf32, #tpu.memory_space<hbm>>
      tpu.wait_dma2 semaphore(%run_scoped3A : memref<!tpu.dma_semaphore, #tpu.memory_space<semaphore_mem>>) src(%dma_wait3A_57 : memref<2048xf32, #tpu.memory_space<hbm>>) dst(%arg6 : memref<2048xf32, #tpu.memory_space<vmem>>)
      tpu.yield
    }) : () -> ()
    "tpu.region"() ({
      %run_scoped3A = tpu.sem_alloc : memref<!tpu.dma_semaphore, #tpu.memory_space<semaphore_mem>>
      %dma_start3A_55 = tpu.memref_slice %arg3[%mul3A_2] : memref<65536xf32, #tpu.memory_space<hbm>> -> memref<2048xf32, #tpu.memory_space<hbm>>
      %dma_start3A_56 = tpu.memref_slice %arg3[%mul3A_2] : memref<65536xf32, #tpu.memory_space<hbm>> -> memref<2048xf32, #tpu.memory_space<hbm>>
      tpu.enqueue_dma source(%dma_start3A_56 : memref<2048xf32, #tpu.memory_space<hbm>>) target(%arg7 : memref<2048xf32, #tpu.memory_space<vmem>>) target_semaphore(%run_scoped3A : memref<!tpu.dma_semaphore, #tpu.memory_space<semaphore_mem>>)
      %dma_wait3A = tpu.memref_slice %arg3[%mul3A_2] : memref<65536xf32, #tpu.memory_space<hbm>> -> memref<2048xf32, #tpu.memory_space<hbm>>
      %dma_wait3A_57 = tpu.memref_slice %arg3[%mul3A_2] : memref<65536xf32, #tpu.memory_space<hbm>> -> memref<2048xf32, #tpu.memory_space<hbm>>
      tpu.wait_dma2 semaphore(%run_scoped3A : memref<!tpu.dma_semaphore, #tpu.memory_space<semaphore_mem>>) src(%dma_wait3A_57 : memref<2048xf32, #tpu.memory_space<hbm>>) dst(%arg7 : memref<2048xf32, #tpu.memory_space<vmem>>)
      tpu.yield
    }) : () -> ()
    %add3A_3 = arith.constant 196608 : i32
    %add3A_4 = arith.addi %add3A_3, %mul3A_2 : i32
    %jit3A = arith.constant 65536 : i32
    %div3A = arith.divsi %add3A_4, %jit3A : i32
    %sign3A = arith.constant 0 : i32
    %sign3A_5 = arith.cmpi sgt, %add3A_4, %sign3A : i32
    %sign3A_6 = arith.extui %sign3A_5 : i1 to i32
    %sign3A_7 = arith.constant 0 : i32
    %sign3A_8 = arith.cmpi slt, %add3A_4, %sign3A_7 : i32
    %sign3A_9 = arith.extui %sign3A_8 : i1 to i32
    %sign3A_10 = arith.subi %sign3A_6, %sign3A_9 : i32
    %sign3A_11 = arith.constant 0 : i32
    %sign3A_12 = arith.cmpi sgt, %jit3A, %sign3A_11 : i32
    %sign3A_13 = arith.extui %sign3A_12 : i1 to i32
    %sign3A_14 = arith.constant 0 : i32
    %sign3A_15 = arith.cmpi slt, %jit3A, %sign3A_14 : i32
    %sign3A_16 = arith.extui %sign3A_15 : i1 to i32
    %sign3A_17 = arith.subi %sign3A_13, %sign3A_16 : i32
    %ne3A = arith.cmpi ne, %sign3A_10, %sign3A_17 : i32
    %rem3A = arith.remsi %add3A_4, %jit3A : i32
    %ne3A_18 = arith.constant 0 : i32
    %ne3A_19 = arith.cmpi ne, %rem3A, %ne3A_18 : i32
    %and3A = arith.andi %ne3A, %ne3A_19 : i1
    %sub3A = arith.constant 1 : i32
    %sub3A_20 = arith.subi %div3A, %sub3A : i32
    %select_n3A = arith.select %and3A, %sub3A_20, %div3A : i32
    %mul3A_21 = arith.constant 16640 : i32
    %mul3A_22 = arith.muli %select_n3A, %mul3A_21 : i32
    %scan3A = arith.constant 0 : i32
    %scan3A_23 = arith.constant 0 : i32
    %scan3A_24 = arith.constant 128 : i32
    %scan3A_25 = arith.addi %scan3A_23, %scan3A_24 : i32
    %scan3A_26 = arith.constant 1 : i32
    %scan3A_27 = scf.for %scan3A_55 = %scan3A_23 to %scan3A_25 step %scan3A_26 iter_args(%scan3A_56 = %scan3A) -> (i32)  : i32 {
      %mul3A_57 = arith.constant 16 : i32
      %mul3A_58 = arith.muli %scan3A_55, %mul3A_57 : i32
      %get3A = arith.index_cast %mul3A_58 : i32 to index
      %get3A_59 = tpu.vector_load %arg6[%get3A] {strides = array<i32>} : memref<2048xf32, #tpu.memory_space<vmem>>, vector<16xf32>,
      %get3A_60 = vector.shape_cast %get3A_59 : vector<16xf32> to vector<16xf32>
      %get3A_61 = arith.index_cast %mul3A_58 : i32 to index
      %get3A_62 = tpu.vector_load %arg7[%get3A_61] {strides = array<i32>} : memref<2048xf32, #tpu.memory_space<vmem>>, vector<16xf32>,
      %get3A_63 = vector.shape_cast %get3A_62 : vector<16xf32> to vector<16xf32>
      %add3A_64 = arith.constant 1.000000e+00 : f32
      %add3A_65 = vector.broadcast %add3A_64 : f32 to vector<16xf32>
      %add3A_66 = arith.addf %get3A_60, %add3A_65 : vector<16xf32>
      %mul3A_67 = arith.constant 6.400000e+01 : f32
      %mul3A_68 = vector.broadcast %mul3A_67 : f32 to vector<16xf32>
      %mul3A_69 = arith.mulf %add3A_66, %mul3A_68 : vector<16xf32>
      %sub3A_70 = arith.constant 5.000000e-01 : f32
      %sub3A_71 = vector.broadcast %sub3A_70 : f32 to vector<16xf32>
      %sub3A_72 = arith.subf %mul3A_69, %sub3A_71 : vector<16xf32>
      %add3A_73 = arith.constant 1.000000e+00 : f32
      %add3A_74 = vector.broadcast %add3A_73 : f32 to vector<16xf32>
      %add3A_75 = arith.addf %get3A_63, %add3A_74 : vector<16xf32>
      %mul3A_76 = arith.constant 6.400000e+01 : f32
      %mul3A_77 = vector.broadcast %mul3A_76 : f32 to vector<16xf32>
      %mul3A_78 = arith.mulf %add3A_75, %mul3A_77 : vector<16xf32>
      %sub3A_79 = arith.constant 5.000000e-01 : f32
      %sub3A_80 = vector.broadcast %sub3A_79 : f32 to vector<16xf32>
      %sub3A_81 = arith.subf %mul3A_78, %sub3A_80 : vector<16xf32>
      %add3A_82 = arith.constant 5.000000e-01 : f32
      %add3A_83 = vector.broadcast %add3A_82 : f32 to vector<16xf32>
      %add3A_84 = arith.addf %sub3A_72, %add3A_83 : vector<16xf32>
      %max3A = arith.constant 0.000000e+00 : f32
      %max3A_85 = vector.broadcast %max3A : f32 to vector<16xf32>
      %max3A_86 = arith.maximumf %add3A_84, %max3A_85 : vector<16xf32>
      %add3A_87 = arith.constant 5.000000e-01 : f32
      %add3A_88 = vector.broadcast %add3A_87 : f32 to vector<16xf32>
      %add3A_89 = arith.addf %sub3A_81, %add3A_88 : vector<16xf32>
      %max3A_90 = arith.constant 0.000000e+00 : f32
      %max3A_91 = vector.broadcast %max3A_90 : f32 to vector<16xf32>
      %max3A_92 = arith.maximumf %add3A_89, %max3A_91 : vector<16xf32>
      %convert_element_type3A = arith.fptosi %max3A_86 : vector<16xf32> to vector<16xi32>
      %min3A = arith.constant 127 : i32
      %min3A_93 = vector.broadcast %min3A : i32 to vector<16xi32>
      %min3A_94 = arith.minsi %convert_element_type3A, %min3A_93 : vector<16xi32>
      %convert_element_type3A_95 = arith.fptosi %max3A_92 : vector<16xf32> to vector<16xi32>
      %min3A_96 = arith.constant 127 : i32
      %min3A_97 = vector.broadcast %min3A_96 : i32 to vector<16xi32>
      %min3A_98 = arith.minsi %convert_element_type3A_95, %min3A_97 : vector<16xi32>
      %mul3A_99 = arith.constant 130 : i32
      %mul3A_100 = vector.broadcast %mul3A_99 : i32 to vector<16xi32>
      %mul3A_101 = arith.muli %min3A_98, %mul3A_100 : vector<16xi32>
      %add3A_102 = vector.broadcast %mul3A_22 : i32 to vector<16xi32>
      %add3A_103 = arith.addi %add3A_102, %mul3A_101 : vector<16xi32>
      %add3A_104 = arith.addi %add3A_103, %min3A_94 : vector<16xi32>
      %swap3A = arith.index_cast %mul3A_58 : i32 to index
      %swap3A_105 = tpu.vector_load %arg8[%swap3A] {strides = array<i32>} : memref<2048xi32, #tpu.memory_space<vmem>>, vector<16xi32>,
      %swap3A_106 = vector.shape_cast %swap3A_105 : vector<16xi32> to vector<16xi32>
      %swap3A_107 = vector.shape_cast %add3A_104 : vector<16xi32> to vector<16xi32>
      tpu.vector_store %arg8[%swap3A], %swap3A_107 {strides = array<i32>} : memref<2048xi32, #tpu.memory_space<vmem>>, vector<16xi32>,
      %scan3A_108 = arith.constant 0 : i32
      scf.yield %scan3A_108 : i32
    }
    %scan3A_28 = arith.constant 128 : i32
    %dma_start3A = arith.constant 0 : i32
    %dma_start3A_29 = arith.constant 0 : i32
    %dma_start3A_30 = arith.constant 0 : i32
    %dma_start3A_31 = tpu.memref_slice %arg9[%dma_start3A, %dma_start3A_29, %dma_start3A_30] : memref<2x128x128xf32, #tpu.memory_space<vmem>> -> memref<1x128x128xf32, #tpu.memory_space<vmem>>
    %dma_start3A_32 = tpu.memref_squeeze %dma_start3A_31 : memref<1x128x128xf32, #tpu.memory_space<vmem>> -> memref<128x128xf32, #tpu.memory_space<vmem>>
    %dma_start3A_33 = arith.constant 0 : i32
    %dma_start3A_34 = tpu.memref_slice %arg8[%dma_start3A_33] : memref<2048xi32, #tpu.memory_space<vmem>> -> memref<128xi32, #tpu.memory_space<vmem>>
    %dma_start3A_35 = arith.constant 0 : i32
    %dma_start3A_36 = arith.constant 0 : i32
    %dma_start3A_37 = tpu.memref_slice %arg4[%dma_start3A_35, %dma_start3A_36] : memref<66560x128xf32, #tpu.memory_space<hbm>> -> memref<66560x128xf32, #tpu.memory_space<hbm>>
    tpu.enqueue_indirect_dma source(%dma_start3A_37 : memref<66560x128xf32, #tpu.memory_space<hbm>>) target(%dma_start3A_32 : memref<128x128xf32, #tpu.memory_space<vmem>>) offsets(%dma_start3A_34 : memref<128xi32, #tpu.memory_space<vmem>>) semaphore(%arg10 : memref<!tpu.dma_semaphore, #tpu.memory_space<semaphore_mem>>)
    %dma_start3A_38 = arith.constant 1 : i32
    %dma_start3A_39 = arith.constant 0 : i32
    %dma_start3A_40 = arith.constant 0 : i32
    %dma_start3A_41 = tpu.memref_slice %arg9[%dma_start3A_38, %dma_start3A_39, %dma_start3A_40] : memref<2x128x128xf32, #tpu.memory_space<vmem>> -> memref<1x128x128xf32, #tpu.memory_space<vmem>>
    %dma_start3A_42 = tpu.memref_squeeze %dma_start3A_41 : memref<1x128x128xf32, #tpu.memory_space<vmem>> -> memref<128x128xf32, #tpu.memory_space<vmem>>
    %dma_start3A_43 = arith.constant 128 : i32
    %dma_start3A_44 = tpu.memref_slice %arg8[%dma_start3A_43] : memref<2048xi32, #tpu.memory_space<vmem>> -> memref<128xi32, #tpu.memory_space<vmem>>
    %dma_start3A_45 = arith.constant 0 : i32
    %dma_start3A_46 = arith.constant 0 : i32
    %dma_start3A_47 = tpu.memref_slice %arg4[%dma_start3A_45, %dma_start3A_46] : memref<66560x128xf32, #tpu.memory_space<hbm>> -> memref<66560x128xf32, #tpu.memory_space<hbm>>
    tpu.enqueue_indirect_dma source(%dma_start3A_47 : memref<66560x128xf32, #tpu.memory_space<hbm>>) target(%dma_start3A_42 : memref<128x128xf32, #tpu.memory_space<vmem>>) offsets(%dma_start3A_44 : memref<128xi32, #tpu.memory_space<vmem>>) semaphore(%arg11 : memref<!tpu.dma_semaphore, #tpu.memory_space<semaphore_mem>>)
    %scan3A_48 = arith.constant 0 : i32
    %scan3A_49 = arith.constant 0 : i32
    %scan3A_50 = arith.constant 8 : i32
    %scan3A_51 = arith.addi %scan3A_49, %scan3A_50 : i32
    %scan3A_52 = arith.constant 1 : i32
    %scan3A_53 = scf.for %scan3A_55 = %scan3A_49 to %scan3A_51 step %scan3A_52 iter_args(%scan3A_56 = %scan3A_48) -> (i32)  : i32 {
      %mul3A_57 = arith.constant 2 : i32
      %mul3A_58 = arith.muli %scan3A_55, %mul3A_57 : i32
      %add3A_59 = arith.constant 0 : i32
      %add3A_60 = arith.addi %mul3A_58, %add3A_59 : i32
      %dma_wait3A = arith.constant 0 : i32
      %dma_wait3A_61 = arith.constant 0 : i32
      %dma_wait3A_62 = arith.constant 0 : i32
      %dma_wait3A_63 = tpu.memref_slice %arg9[%dma_wait3A, %dma_wait3A_61, %dma_wait3A_62] : memref<2x128x128xf32, #tpu.memory_space<vmem>> -> memref<1x128x128xf32, #tpu.memory_space<vmem>>
      %dma_wait3A_64 = tpu.memref_squeeze %dma_wait3A_63 : memref<1x128x128xf32, #tpu.memory_space<vmem>> -> memref<128x128xf32, #tpu.memory_space<vmem>>
      %dma_wait3A_65 = arith.constant 0 : i32
      %dma_wait3A_66 = tpu.memref_slice %arg8[%dma_wait3A_65] : memref<2048xi32, #tpu.memory_space<vmem>> -> memref<128xi32, #tpu.memory_space<vmem>>
      %dma_wait3A_67 = arith.constant 0 : i32
      %dma_wait3A_68 = arith.constant 0 : i32
      %dma_wait3A_69 = tpu.memref_slice %arg4[%dma_wait3A_67, %dma_wait3A_68] : memref<66560x128xf32, #tpu.memory_space<hbm>> -> memref<66560x128xf32, #tpu.memory_space<hbm>>
      tpu.wait_indirect_dma semaphore(%arg10 : memref<!tpu.dma_semaphore, #tpu.memory_space<semaphore_mem>>) src(%dma_wait3A_69 : memref<66560x128xf32, #tpu.memory_space<hbm>>) dst(%dma_wait3A_64 : memref<128x128xf32, #tpu.memory_space<vmem>>)
      %mul3A_70 = arith.constant 128 : i32
      %mul3A_71 = arith.muli %add3A_60, %mul3A_70 : i32
      %add3A_72 = arith.addi %mul3A_2, %mul3A_71 : i32
      %run_scoped3A = arith.constant 0 : i32
      "tpu.region"() ({
        %run_scoped3A_103 = tpu.sem_alloc : memref<!tpu.dma_semaphore, #tpu.memory_space<semaphore_mem>>
        %dma_start3A_104 = arith.constant 0 : i32
        %dma_start3A_105 = arith.constant 0 : i32
        %dma_start3A_106 = tpu.memref_slice %arg9[%run_scoped3A, %dma_start3A_104, %dma_start3A_105] : memref<2x128x128xf32, #tpu.memory_space<vmem>> -> memref<1x128x128xf32, #tpu.memory_space<vmem>>
        %dma_start3A_107 = tpu.memref_squeeze %dma_start3A_106 : memref<1x128x128xf32, #tpu.memory_space<vmem>> -> memref<128x128xf32, #tpu.memory_space<vmem>>
        %dma_start3A_108 = arith.constant 0 : i32
        %dma_start3A_109 = tpu.memref_slice %arg5[%add3A_72, %dma_start3A_108] : memref<65536x128xf32, #tpu.memory_space<hbm>> -> memref<128x128xf32, #tpu.memory_space<hbm>>
        %dma_start3A_110 = arith.constant 0 : i32
        %dma_start3A_111 = tpu.memref_slice %arg5[%add3A_72, %dma_start3A_110] : memref<65536x128xf32, #tpu.memory_space<hbm>> -> memref<128x128xf32, #tpu.memory_space<hbm>>
        %dma_start3A_112 = arith.constant 0 : i32
        %dma_start3A_113 = arith.constant 0 : i32
        %dma_start3A_114 = tpu.memref_slice %arg9[%run_scoped3A, %dma_start3A_112, %dma_start3A_113] : memref<2x128x128xf32, #tpu.memory_space<vmem>> -> memref<1x128x128xf32, #tpu.memory_space<vmem>>
        %dma_start3A_115 = tpu.memref_squeeze %dma_start3A_114 : memref<1x128x128xf32, #tpu.memory_space<vmem>> -> memref<128x128xf32, #tpu.memory_space<vmem>>
        tpu.enqueue_dma source(%dma_start3A_115 : memref<128x128xf32, #tpu.memory_space<vmem>>) target(%dma_start3A_111 : memref<128x128xf32, #tpu.memory_space<hbm>>) target_semaphore(%run_scoped3A_103 : memref<!tpu.dma_semaphore, #tpu.memory_space<semaphore_mem>>)
        %dma_wait3A_116 = arith.constant 0 : i32
        %dma_wait3A_117 = arith.constant 0 : i32
        %dma_wait3A_118 = tpu.memref_slice %arg9[%run_scoped3A, %dma_wait3A_116, %dma_wait3A_117] : memref<2x128x128xf32, #tpu.memory_space<vmem>> -> memref<1x128x128xf32, #tpu.memory_space<vmem>>
        %dma_wait3A_119 = tpu.memref_squeeze %dma_wait3A_118 : memref<1x128x128xf32, #tpu.memory_space<vmem>> -> memref<128x128xf32, #tpu.memory_space<vmem>>
        %dma_wait3A_120 = arith.constant 0 : i32
        %dma_wait3A_121 = tpu.memref_slice %arg5[%add3A_72, %dma_wait3A_120] : memref<65536x128xf32, #tpu.memory_space<hbm>> -> memref<128x128xf32, #tpu.memory_space<hbm>>
        %dma_wait3A_122 = arith.constant 0 : i32
        %dma_wait3A_123 = tpu.memref_slice %arg5[%add3A_72, %dma_wait3A_122] : memref<65536x128xf32, #tpu.memory_space<hbm>> -> memref<128x128xf32, #tpu.memory_space<hbm>>
        %dma_wait3A_124 = arith.constant 0 : i32
        %dma_wait3A_125 = arith.constant 0 : i32
        %dma_wait3A_126 = tpu.memref_slice %arg9[%run_scoped3A, %dma_wait3A_124, %dma_wait3A_125] : memref<2x128x128xf32, #tpu.memory_space<vmem>> -> memref<1x128x128xf32, #tpu.memory_space<vmem>>
        %dma_wait3A_127 = tpu.memref_squeeze %dma_wait3A_126 : memref<1x128x128xf32, #tpu.memory_space<vmem>> -> memref<128x128xf32, #tpu.memory_space<vmem>>
        tpu.wait_dma2 semaphore(%run_scoped3A_103 : memref<!tpu.dma_semaphore, #tpu.memory_space<semaphore_mem>>) src(%dma_wait3A_127 : memref<128x128xf32, #tpu.memory_space<vmem>>) dst(%dma_wait3A_123 : memref<128x128xf32, #tpu.memory_space<hbm>>)
        tpu.yield
      }) : () -> ()
      %add3A_73 = arith.constant 2 : i32
      %add3A_74 = arith.addi %add3A_60, %add3A_73 : i32
      %lt3A = arith.constant 16 : i32
      %lt3A_75 = arith.cmpi slt, %add3A_74, %lt3A : i32
      %convert_element_type3A = arith.extui %lt3A_75 : i1 to i32
      %cond3A = arith.constant 0 : i32
      %cond3A_76 = arith.cmpi ne, %convert_element_type3A, %cond3A : i32
      scf.if %cond3A_76 {
        %add3A_103 = arith.constant 2 : i32
        %add3A_104 = arith.addi %add3A_60, %add3A_103 : i32
        %mul3A_105 = arith.constant 128 : i32
        %mul3A_106 = arith.muli %add3A_104, %mul3A_105 : i32
        %dma_start3A_107 = arith.constant 0 : i32
        %dma_start3A_108 = arith.constant 0 : i32
        %dma_start3A_109 = arith.constant 0 : i32
        %dma_start3A_110 = tpu.memref_slice %arg9[%dma_start3A_107, %dma_start3A_108, %dma_start3A_109] : memref<2x128x128xf32, #tpu.memory_space<vmem>> -> memref<1x128x128xf32, #tpu.memory_space<vmem>>
        %dma_start3A_111 = tpu.memref_squeeze %dma_start3A_110 : memref<1x128x128xf32, #tpu.memory_space<vmem>> -> memref<128x128xf32, #tpu.memory_space<vmem>>
        %dma_start3A_112 = tpu.memref_slice %arg8[%mul3A_106] : memref<2048xi32, #tpu.memory_space<vmem>> -> memref<128xi32, #tpu.memory_space<vmem>>
        %dma_start3A_113 = arith.constant 0 : i32
        %dma_start3A_114 = arith.constant 0 : i32
        %dma_start3A_115 = tpu.memref_slice %arg4[%dma_start3A_113, %dma_start3A_114] : memref<66560x128xf32, #tpu.memory_space<hbm>> -> memref<66560x128xf32, #tpu.memory_space<hbm>>
        tpu.enqueue_indirect_dma source(%dma_start3A_115 : memref<66560x128xf32, #tpu.memory_space<hbm>>) target(%dma_start3A_111 : memref<128x128xf32, #tpu.memory_space<vmem>>) offsets(%dma_start3A_112 : memref<128xi32, #tpu.memory_space<vmem>>) semaphore(%arg10 : memref<!tpu.dma_semaphore, #tpu.memory_space<semaphore_mem>>)
      } else {
      }
      %mul3A_77 = arith.constant 2 : i32
      %mul3A_78 = arith.muli %scan3A_55, %mul3A_77 : i32
      %add3A_79 = arith.constant 1 : i32
      %add3A_80 = arith.addi %mul3A_78, %add3A_79 : i32
      %dma_wait3A_81 = arith.constant 1 : i32
      %dma_wait3A_82 = arith.constant 0 : i32
      %dma_wait3A_83 = arith.constant 0 : i32
      %dma_wait3A_84 = tpu.memref_slice %arg9[%dma_wait3A_81, %dma_wait3A_82, %dma_wait3A_83] : memref<2x128x128xf32, #tpu.memory_space<vmem>> -> memref<1x128x128xf32, #tpu.memory_space<vmem>>
      %dma_wait3A_85 = tpu.memref_squeeze %dma_wait3A_84 : memref<1x128x128xf32, #tpu.memory_space<vmem>> -> memref<128x128xf32, #tpu.memory_space<vmem>>
      %dma_wait3A_86 = arith.constant 0 : i32
      %dma_wait3A_87 = tpu.memref_slice %arg8[%dma_wait3A_86] : memref<2048xi32, #tpu.memory_space<vmem>> -> memref<128xi32, #tpu.memory_space<vmem>>
      %dma_wait3A_88 = arith.constant 0 : i32
      %dma_wait3A_89 = arith.constant 0 : i32
      %dma_wait3A_90 = tpu.memref_slice %arg4[%dma_wait3A_88, %dma_wait3A_89] : memref<66560x128xf32, #tpu.memory_space<hbm>> -> memref<66560x128xf32, #tpu.memory_space<hbm>>
      tpu.wait_indirect_dma semaphore(%arg11 : memref<!tpu.dma_semaphore, #tpu.memory_space<semaphore_mem>>) src(%dma_wait3A_90 : memref<66560x128xf32, #tpu.memory_space<hbm>>) dst(%dma_wait3A_85 : memref<128x128xf32, #tpu.memory_space<vmem>>)
      %mul3A_91 = arith.constant 128 : i32
      %mul3A_92 = arith.muli %add3A_80, %mul3A_91 : i32
      %add3A_93 = arith.addi %mul3A_2, %mul3A_92 : i32
      %run_scoped3A_94 = arith.constant 1 : i32
      "tpu.region"() ({
        %run_scoped3A_103 = tpu.sem_alloc : memref<!tpu.dma_semaphore, #tpu.memory_space<semaphore_mem>>
        %dma_start3A_104 = arith.constant 0 : i32
        %dma_start3A_105 = arith.constant 0 : i32
        %dma_start3A_106 = tpu.memref_slice %arg9[%run_scoped3A_94, %dma_start3A_104, %dma_start3A_105] : memref<2x128x128xf32, #tpu.memory_space<vmem>> -> memref<1x128x128xf32, #tpu.memory_space<vmem>>
        %dma_start3A_107 = tpu.memref_squeeze %dma_start3A_106 : memref<1x128x128xf32, #tpu.memory_space<vmem>> -> memref<128x128xf32, #tpu.memory_space<vmem>>
        %dma_start3A_108 = arith.constant 0 : i32
        %dma_start3A_109 = tpu.memref_slice %arg5[%add3A_93, %dma_start3A_108] : memref<65536x128xf32, #tpu.memory_space<hbm>> -> memref<128x128xf32, #tpu.memory_space<hbm>>
        %dma_start3A_110 = arith.constant 0 : i32
        %dma_start3A_111 = tpu.memref_slice %arg5[%add3A_93, %dma_start3A_110] : memref<65536x128xf32, #tpu.memory_space<hbm>> -> memref<128x128xf32, #tpu.memory_space<hbm>>
        %dma_start3A_112 = arith.constant 0 : i32
        %dma_start3A_113 = arith.constant 0 : i32
        %dma_start3A_114 = tpu.memref_slice %arg9[%run_scoped3A_94, %dma_start3A_112, %dma_start3A_113] : memref<2x128x128xf32, #tpu.memory_space<vmem>> -> memref<1x128x128xf32, #tpu.memory_space<vmem>>
        %dma_start3A_115 = tpu.memref_squeeze %dma_start3A_114 : memref<1x128x128xf32, #tpu.memory_space<vmem>> -> memref<128x128xf32, #tpu.memory_space<vmem>>
        tpu.enqueue_dma source(%dma_start3A_115 : memref<128x128xf32, #tpu.memory_space<vmem>>) target(%dma_start3A_111 : memref<128x128xf32, #tpu.memory_space<hbm>>) target_semaphore(%run_scoped3A_103 : memref<!tpu.dma_semaphore, #tpu.memory_space<semaphore_mem>>)
        %dma_wait3A_116 = arith.constant 0 : i32
        %dma_wait3A_117 = arith.constant 0 : i32
        %dma_wait3A_118 = tpu.memref_slice %arg9[%run_scoped3A_94, %dma_wait3A_116, %dma_wait3A_117] : memref<2x128x128xf32, #tpu.memory_space<vmem>> -> memref<1x128x128xf32, #tpu.memory_space<vmem>>
        %dma_wait3A_119 = tpu.memref_squeeze %dma_wait3A_118 : memref<1x128x128xf32, #tpu.memory_space<vmem>> -> memref<128x128xf32, #tpu.memory_space<vmem>>
        %dma_wait3A_120 = arith.constant 0 : i32
        %dma_wait3A_121 = tpu.memref_slice %arg5[%add3A_93, %dma_wait3A_120] : memref<65536x128xf32, #tpu.memory_space<hbm>> -> memref<128x128xf32, #tpu.memory_space<hbm>>
        %dma_wait3A_122 = arith.constant 0 : i32
        %dma_wait3A_123 = tpu.memref_slice %arg5[%add3A_93, %dma_wait3A_122] : memref<65536x128xf32, #tpu.memory_space<hbm>> -> memref<128x128xf32, #tpu.memory_space<hbm>>
        %dma_wait3A_124 = arith.constant 0 : i32
        %dma_wait3A_125 = arith.constant 0 : i32
        %dma_wait3A_126 = tpu.memref_slice %arg9[%run_scoped3A_94, %dma_wait3A_124, %dma_wait3A_125] : memref<2x128x128xf32, #tpu.memory_space<vmem>> -> memref<1x128x128xf32, #tpu.memory_space<vmem>>
        %dma_wait3A_127 = tpu.memref_squeeze %dma_wait3A_126 : memref<1x128x128xf32, #tpu.memory_space<vmem>> -> memref<128x128xf32, #tpu.memory_space<vmem>>
        tpu.wait_dma2 semaphore(%run_scoped3A_103 : memref<!tpu.dma_semaphore, #tpu.memory_space<semaphore_mem>>) src(%dma_wait3A_127 : memref<128x128xf32, #tpu.memory_space<vmem>>) dst(%dma_wait3A_123 : memref<128x128xf32, #tpu.memory_space<hbm>>)
        tpu.yield
      }) : () -> ()
      %add3A_95 = arith.constant 2 : i32
      %add3A_96 = arith.addi %add3A_80, %add3A_95 : i32
      %lt3A_97 = arith.constant 16 : i32
      %lt3A_98 = arith.cmpi slt, %add3A_96, %lt3A_97 : i32
      %convert_element_type3A_99 = arith.extui %lt3A_98 : i1 to i32
      %cond3A_100 = arith.constant 0 : i32
      %cond3A_101 = arith.cmpi ne, %convert_element_type3A_99, %cond3A_100 : i32
      scf.if %cond3A_101 {
        %add3A_103 = arith.constant 2 : i32
        %add3A_104 = arith.addi %add3A_80, %add3A_103 : i32
        %mul3A_105 = arith.constant 128 : i32
        %mul3A_106 = arith.muli %add3A_104, %mul3A_105 : i32
        %dma_start3A_107 = arith.constant 1 : i32
        %dma_start3A_108 = arith.constant 0 : i32
        %dma_start3A_109 = arith.constant 0 : i32
        %dma_start3A_110 = tpu.memref_slice %arg9[%dma_start3A_107, %dma_start3A_108, %dma_start3A_109] : memref<2x128x128xf32, #tpu.memory_space<vmem>> -> memref<1x128x128xf32, #tpu.memory_space<vmem>>
        %dma_start3A_111 = tpu.memref_squeeze %dma_start3A_110 : memref<1x128x128xf32, #tpu.memory_space<vmem>> -> memref<128x128xf32, #tpu.memory_space<vmem>>
        %dma_start3A_112 = tpu.memref_slice %arg8[%mul3A_106] : memref<2048xi32, #tpu.memory_space<vmem>> -> memref<128xi32, #tpu.memory_space<vmem>>
        %dma_start3A_113 = arith.constant 0 : i32
        %dma_start3A_114 = arith.constant 0 : i32
        %dma_start3A_115 = tpu.memref_slice %arg4[%dma_start3A_113, %dma_start3A_114] : memref<66560x128xf32, #tpu.memory_space<hbm>> -> memref<66560x128xf32, #tpu.memory_space<hbm>>
        tpu.enqueue_indirect_dma source(%dma_start3A_115 : memref<66560x128xf32, #tpu.memory_space<hbm>>) target(%dma_start3A_111 : memref<128x128xf32, #tpu.memory_space<vmem>>) offsets(%dma_start3A_112 : memref<128xi32, #tpu.memory_space<vmem>>) semaphore(%arg11 : memref<!tpu.dma_semaphore, #tpu.memory_space<semaphore_mem>>)
      } else {
      }
      %scan3A_102 = arith.constant 0 : i32
      scf.yield %scan3A_102 : i32
    }
    %scan3A_54 = arith.constant 8 : i32
    return
  }
}

#map = affine_map<(d0, d1) -> (0)>
#map1 = affine_map<(d0, d1) -> (0, 0)>
module attributes {stable_mosaic.version = 14 : i64} {
  func.func @k(%arg0: i32, %arg1: i32, %arg2: memref<65536xf32, #tpu.memory_space<hbm>>, %arg3: memref<65536xf32, #tpu.memory_space<hbm>>, %arg4: memref<66560x128xf32, #tpu.memory_space<hbm>>, %arg5: memref<65536x128xf32, #tpu.memory_space<hbm>>, %arg6: memref<2048xf32, #tpu.memory_space<vmem>>, %arg7: memref<2048xf32, #tpu.memory_space<vmem>>, %arg8: memref<2048xi32, #tpu.memory_space<vmem>>, %arg9: memref<2x128x128xf32, #tpu.memory_space<vmem>>, %arg10: memref<!tpu.dma_semaphore, #tpu.memory_space<semaphore_mem>>, %arg11: memref<!tpu.dma_semaphore, #tpu.memory_space<semaphore_mem>>) attributes {dimension_semantics = [#tpu.dimension_semantics<core_parallel>, #tpu.dimension_semantics<subcore_parallel>], iteration_bounds = array<i64: 2, 16>, scalar_prefetch = 0 : i64, scratch_operands = 6 : i64, tpu.core_type = #tpu.core_type<sc_vector_subcore>, window_params = [{transform_indices = #map}, {transform_indices = #map}, {transform_indices = #map1}, {transform_indices = #map1}]} {
    %mul3A = arith.constant 2 : i32
    %mul3A_0 = arith.muli %arg1, %mul3A : i32
    %add3A = arith.addi %mul3A_0, %arg0 : i32
    %mul3A_1 = arith.constant 2048 : i32
    %mul3A_2 = arith.muli %add3A, %mul3A_1 : i32
    "tpu.region"() ({
      %run_scoped3A = tpu.sem_alloc : memref<!tpu.dma_semaphore, #tpu.memory_space<semaphore_mem>>
      %dma_start3A_55 = tpu.memref_slice %arg2[%mul3A_2] : memref<65536xf32, #tpu.memory_space<hbm>> -> memref<2048xf32, #tpu.memory_space<hbm>>
      %dma_start3A_56 = tpu.memref_slice %arg2[%mul3A_2] : memref<65536xf32, #tpu.memory_space<hbm>> -> memref<2048xf32, #tpu.memory_space<hbm>>
      tpu.enqueue_dma source(%dma_start3A_56 : memref<2048xf32, #tpu.memory_space<hbm>>) target(%arg6 : memref<2048xf32, #tpu.memory_space<vmem>>) target_semaphore(%run_scoped3A : memref<!tpu.dma_semaphore, #tpu.memory_space<semaphore_mem>>)
      %dma_wait3A = tpu.memref_slice %arg2[%mul3A_2] : memref<65536xf32, #tpu.memory_space<hbm>> -> memref<2048xf32, #tpu.memory_space<hbm>>
      %dma_wait3A_57 = tpu.memref_slice %arg2[%mul3A_2] : memref<65536xf32, #tpu.memory_space<hbm>> -> memref<2048xf32, #tpu.memory_space<hbm>>
      tpu.wait_dma2 semaphore(%run_scoped3A : memref<!tpu.dma_semaphore, #tpu.memory_space<semaphore_mem>>) src(%dma_wait3A_57 : memref<2048xf32, #tpu.memory_space<hbm>>) dst(%arg6 : memref<2048xf32, #tpu.memory_space<vmem>>)
      tpu.yield
    }) : () -> ()
    "tpu.region"() ({
      %run_scoped3A = tpu.sem_alloc : memref<!tpu.dma_semaphore, #tpu.memory_space<semaphore_mem>>
      %dma_start3A_55 = tpu.memref_slice %arg3[%mul3A_2] : memref<65536xf32, #tpu.memory_space<hbm>> -> memref<2048xf32, #tpu.memory_space<hbm>>
      %dma_start3A_56 = tpu.memref_slice %arg3[%mul3A_2] : memref<65536xf32, #tpu.memory_space<hbm>> -> memref<2048xf32, #tpu.memory_space<hbm>>
      tpu.enqueue_dma source(%dma_start3A_56 : memref<2048xf32, #tpu.memory_space<hbm>>) target(%arg7 : memref<2048xf32, #tpu.memory_space<vmem>>) target_semaphore(%run_scoped3A : memref<!tpu.dma_semaphore, #tpu.memory_space<semaphore_mem>>)
      %dma_wait3A = tpu.memref_slice %arg3[%mul3A_2] : memref<65536xf32, #tpu.memory_space<hbm>> -> memref<2048xf32, #tpu.memory_space<hbm>>
      %dma_wait3A_57 = tpu.memref_slice %arg3[%mul3A_2] : memref<65536xf32, #tpu.memory_space<hbm>> -> memref<2048xf32, #tpu.memory_space<hbm>>
      tpu.wait_dma2 semaphore(%run_scoped3A : memref<!tpu.dma_semaphore, #tpu.memory_space<semaphore_mem>>) src(%dma_wait3A_57 : memref<2048xf32, #tpu.memory_space<hbm>>) dst(%arg7 : memref<2048xf32, #tpu.memory_space<vmem>>)
      tpu.yield
    }) : () -> ()
    %add3A_3 = arith.constant 131072 : i32
    %add3A_4 = arith.addi %add3A_3, %mul3A_2 : i32
    %jit3A = arith.constant 65536 : i32
    %div3A = arith.divsi %add3A_4, %jit3A : i32
    %sign3A = arith.constant 0 : i32
    %sign3A_5 = arith.cmpi sgt, %add3A_4, %sign3A : i32
    %sign3A_6 = arith.extui %sign3A_5 : i1 to i32
    %sign3A_7 = arith.constant 0 : i32
    %sign3A_8 = arith.cmpi slt, %add3A_4, %sign3A_7 : i32
    %sign3A_9 = arith.extui %sign3A_8 : i1 to i32
    %sign3A_10 = arith.subi %sign3A_6, %sign3A_9 : i32
    %sign3A_11 = arith.constant 0 : i32
    %sign3A_12 = arith.cmpi sgt, %jit3A, %sign3A_11 : i32
    %sign3A_13 = arith.extui %sign3A_12 : i1 to i32
    %sign3A_14 = arith.constant 0 : i32
    %sign3A_15 = arith.cmpi slt, %jit3A, %sign3A_14 : i32
    %sign3A_16 = arith.extui %sign3A_15 : i1 to i32
    %sign3A_17 = arith.subi %sign3A_13, %sign3A_16 : i32
    %ne3A = arith.cmpi ne, %sign3A_10, %sign3A_17 : i32
    %rem3A = arith.remsi %add3A_4, %jit3A : i32
    %ne3A_18 = arith.constant 0 : i32
    %ne3A_19 = arith.cmpi ne, %rem3A, %ne3A_18 : i32
    %and3A = arith.andi %ne3A, %ne3A_19 : i1
    %sub3A = arith.constant 1 : i32
    %sub3A_20 = arith.subi %div3A, %sub3A : i32
    %select_n3A = arith.select %and3A, %sub3A_20, %div3A : i32
    %mul3A_21 = arith.constant 16640 : i32
    %mul3A_22 = arith.muli %select_n3A, %mul3A_21 : i32
    %scan3A = arith.constant 0 : i32
    %scan3A_23 = arith.constant 0 : i32
    %scan3A_24 = arith.constant 128 : i32
    %scan3A_25 = arith.addi %scan3A_23, %scan3A_24 : i32
    %scan3A_26 = arith.constant 1 : i32
    %scan3A_27 = scf.for %scan3A_55 = %scan3A_23 to %scan3A_25 step %scan3A_26 iter_args(%scan3A_56 = %scan3A) -> (i32)  : i32 {
      %mul3A_57 = arith.constant 16 : i32
      %mul3A_58 = arith.muli %scan3A_55, %mul3A_57 : i32
      %get3A = arith.index_cast %mul3A_58 : i32 to index
      %get3A_59 = tpu.vector_load %arg6[%get3A] {strides = array<i32>} : memref<2048xf32, #tpu.memory_space<vmem>>, vector<16xf32>,
      %get3A_60 = vector.shape_cast %get3A_59 : vector<16xf32> to vector<16xf32>
      %get3A_61 = arith.index_cast %mul3A_58 : i32 to index
      %get3A_62 = tpu.vector_load %arg7[%get3A_61] {strides = array<i32>} : memref<2048xf32, #tpu.memory_space<vmem>>, vector<16xf32>,
      %get3A_63 = vector.shape_cast %get3A_62 : vector<16xf32> to vector<16xf32>
      %add3A_64 = arith.constant 1.000000e+00 : f32
      %add3A_65 = vector.broadcast %add3A_64 : f32 to vector<16xf32>
      %add3A_66 = arith.addf %get3A_60, %add3A_65 : vector<16xf32>
      %mul3A_67 = arith.constant 6.400000e+01 : f32
      %mul3A_68 = vector.broadcast %mul3A_67 : f32 to vector<16xf32>
      %mul3A_69 = arith.mulf %add3A_66, %mul3A_68 : vector<16xf32>
      %sub3A_70 = arith.constant 5.000000e-01 : f32
      %sub3A_71 = vector.broadcast %sub3A_70 : f32 to vector<16xf32>
      %sub3A_72 = arith.subf %mul3A_69, %sub3A_71 : vector<16xf32>
      %add3A_73 = arith.constant 1.000000e+00 : f32
      %add3A_74 = vector.broadcast %add3A_73 : f32 to vector<16xf32>
      %add3A_75 = arith.addf %get3A_63, %add3A_74 : vector<16xf32>
      %mul3A_76 = arith.constant 6.400000e+01 : f32
      %mul3A_77 = vector.broadcast %mul3A_76 : f32 to vector<16xf32>
      %mul3A_78 = arith.mulf %add3A_75, %mul3A_77 : vector<16xf32>
      %sub3A_79 = arith.constant 5.000000e-01 : f32
      %sub3A_80 = vector.broadcast %sub3A_79 : f32 to vector<16xf32>
      %sub3A_81 = arith.subf %mul3A_78, %sub3A_80 : vector<16xf32>
      %add3A_82 = arith.constant 5.000000e-01 : f32
      %add3A_83 = vector.broadcast %add3A_82 : f32 to vector<16xf32>
      %add3A_84 = arith.addf %sub3A_72, %add3A_83 : vector<16xf32>
      %max3A = arith.constant 0.000000e+00 : f32
      %max3A_85 = vector.broadcast %max3A : f32 to vector<16xf32>
      %max3A_86 = arith.maximumf %add3A_84, %max3A_85 : vector<16xf32>
      %add3A_87 = arith.constant 5.000000e-01 : f32
      %add3A_88 = vector.broadcast %add3A_87 : f32 to vector<16xf32>
      %add3A_89 = arith.addf %sub3A_81, %add3A_88 : vector<16xf32>
      %max3A_90 = arith.constant 0.000000e+00 : f32
      %max3A_91 = vector.broadcast %max3A_90 : f32 to vector<16xf32>
      %max3A_92 = arith.maximumf %add3A_89, %max3A_91 : vector<16xf32>
      %convert_element_type3A = arith.fptosi %max3A_86 : vector<16xf32> to vector<16xi32>
      %min3A = arith.constant 127 : i32
      %min3A_93 = vector.broadcast %min3A : i32 to vector<16xi32>
      %min3A_94 = arith.minsi %convert_element_type3A, %min3A_93 : vector<16xi32>
      %convert_element_type3A_95 = arith.fptosi %max3A_92 : vector<16xf32> to vector<16xi32>
      %min3A_96 = arith.constant 127 : i32
      %min3A_97 = vector.broadcast %min3A_96 : i32 to vector<16xi32>
      %min3A_98 = arith.minsi %convert_element_type3A_95, %min3A_97 : vector<16xi32>
      %mul3A_99 = arith.constant 130 : i32
      %mul3A_100 = vector.broadcast %mul3A_99 : i32 to vector<16xi32>
      %mul3A_101 = arith.muli %min3A_98, %mul3A_100 : vector<16xi32>
      %add3A_102 = vector.broadcast %mul3A_22 : i32 to vector<16xi32>
      %add3A_103 = arith.addi %add3A_102, %mul3A_101 : vector<16xi32>
      %add3A_104 = arith.addi %add3A_103, %min3A_94 : vector<16xi32>
      %swap3A = arith.index_cast %mul3A_58 : i32 to index
      %swap3A_105 = tpu.vector_load %arg8[%swap3A] {strides = array<i32>} : memref<2048xi32, #tpu.memory_space<vmem>>, vector<16xi32>,
      %swap3A_106 = vector.shape_cast %swap3A_105 : vector<16xi32> to vector<16xi32>
      %swap3A_107 = vector.shape_cast %add3A_104 : vector<16xi32> to vector<16xi32>
      tpu.vector_store %arg8[%swap3A], %swap3A_107 {strides = array<i32>} : memref<2048xi32, #tpu.memory_space<vmem>>, vector<16xi32>,
      %scan3A_108 = arith.constant 0 : i32
      scf.yield %scan3A_108 : i32
    }
    %scan3A_28 = arith.constant 128 : i32
    %dma_start3A = arith.constant 0 : i32
    %dma_start3A_29 = arith.constant 0 : i32
    %dma_start3A_30 = arith.constant 0 : i32
    %dma_start3A_31 = tpu.memref_slice %arg9[%dma_start3A, %dma_start3A_29, %dma_start3A_30] : memref<2x128x128xf32, #tpu.memory_space<vmem>> -> memref<1x128x128xf32, #tpu.memory_space<vmem>>
    %dma_start3A_32 = tpu.memref_squeeze %dma_start3A_31 : memref<1x128x128xf32, #tpu.memory_space<vmem>> -> memref<128x128xf32, #tpu.memory_space<vmem>>
    %dma_start3A_33 = arith.constant 0 : i32
    %dma_start3A_34 = tpu.memref_slice %arg8[%dma_start3A_33] : memref<2048xi32, #tpu.memory_space<vmem>> -> memref<128xi32, #tpu.memory_space<vmem>>
    %dma_start3A_35 = arith.constant 0 : i32
    %dma_start3A_36 = arith.constant 0 : i32
    %dma_start3A_37 = tpu.memref_slice %arg4[%dma_start3A_35, %dma_start3A_36] : memref<66560x128xf32, #tpu.memory_space<hbm>> -> memref<66560x128xf32, #tpu.memory_space<hbm>>
    tpu.enqueue_indirect_dma source(%dma_start3A_37 : memref<66560x128xf32, #tpu.memory_space<hbm>>) target(%dma_start3A_32 : memref<128x128xf32, #tpu.memory_space<vmem>>) offsets(%dma_start3A_34 : memref<128xi32, #tpu.memory_space<vmem>>) semaphore(%arg10 : memref<!tpu.dma_semaphore, #tpu.memory_space<semaphore_mem>>)
    %dma_start3A_38 = arith.constant 1 : i32
    %dma_start3A_39 = arith.constant 0 : i32
    %dma_start3A_40 = arith.constant 0 : i32
    %dma_start3A_41 = tpu.memref_slice %arg9[%dma_start3A_38, %dma_start3A_39, %dma_start3A_40] : memref<2x128x128xf32, #tpu.memory_space<vmem>> -> memref<1x128x128xf32, #tpu.memory_space<vmem>>
    %dma_start3A_42 = tpu.memref_squeeze %dma_start3A_41 : memref<1x128x128xf32, #tpu.memory_space<vmem>> -> memref<128x128xf32, #tpu.memory_space<vmem>>
    %dma_start3A_43 = arith.constant 128 : i32
    %dma_start3A_44 = tpu.memref_slice %arg8[%dma_start3A_43] : memref<2048xi32, #tpu.memory_space<vmem>> -> memref<128xi32, #tpu.memory_space<vmem>>
    %dma_start3A_45 = arith.constant 0 : i32
    %dma_start3A_46 = arith.constant 0 : i32
    %dma_start3A_47 = tpu.memref_slice %arg4[%dma_start3A_45, %dma_start3A_46] : memref<66560x128xf32, #tpu.memory_space<hbm>> -> memref<66560x128xf32, #tpu.memory_space<hbm>>
    tpu.enqueue_indirect_dma source(%dma_start3A_47 : memref<66560x128xf32, #tpu.memory_space<hbm>>) target(%dma_start3A_42 : memref<128x128xf32, #tpu.memory_space<vmem>>) offsets(%dma_start3A_44 : memref<128xi32, #tpu.memory_space<vmem>>) semaphore(%arg11 : memref<!tpu.dma_semaphore, #tpu.memory_space<semaphore_mem>>)
    %scan3A_48 = arith.constant 0 : i32
    %scan3A_49 = arith.constant 0 : i32
    %scan3A_50 = arith.constant 8 : i32
    %scan3A_51 = arith.addi %scan3A_49, %scan3A_50 : i32
    %scan3A_52 = arith.constant 1 : i32
    %scan3A_53 = scf.for %scan3A_55 = %scan3A_49 to %scan3A_51 step %scan3A_52 iter_args(%scan3A_56 = %scan3A_48) -> (i32)  : i32 {
      %mul3A_57 = arith.constant 2 : i32
      %mul3A_58 = arith.muli %scan3A_55, %mul3A_57 : i32
      %add3A_59 = arith.constant 0 : i32
      %add3A_60 = arith.addi %mul3A_58, %add3A_59 : i32
      %dma_wait3A = arith.constant 0 : i32
      %dma_wait3A_61 = arith.constant 0 : i32
      %dma_wait3A_62 = arith.constant 0 : i32
      %dma_wait3A_63 = tpu.memref_slice %arg9[%dma_wait3A, %dma_wait3A_61, %dma_wait3A_62] : memref<2x128x128xf32, #tpu.memory_space<vmem>> -> memref<1x128x128xf32, #tpu.memory_space<vmem>>
      %dma_wait3A_64 = tpu.memref_squeeze %dma_wait3A_63 : memref<1x128x128xf32, #tpu.memory_space<vmem>> -> memref<128x128xf32, #tpu.memory_space<vmem>>
      %dma_wait3A_65 = arith.constant 0 : i32
      %dma_wait3A_66 = tpu.memref_slice %arg8[%dma_wait3A_65] : memref<2048xi32, #tpu.memory_space<vmem>> -> memref<128xi32, #tpu.memory_space<vmem>>
      %dma_wait3A_67 = arith.constant 0 : i32
      %dma_wait3A_68 = arith.constant 0 : i32
      %dma_wait3A_69 = tpu.memref_slice %arg4[%dma_wait3A_67, %dma_wait3A_68] : memref<66560x128xf32, #tpu.memory_space<hbm>> -> memref<66560x128xf32, #tpu.memory_space<hbm>>
      tpu.wait_indirect_dma semaphore(%arg10 : memref<!tpu.dma_semaphore, #tpu.memory_space<semaphore_mem>>) src(%dma_wait3A_69 : memref<66560x128xf32, #tpu.memory_space<hbm>>) dst(%dma_wait3A_64 : memref<128x128xf32, #tpu.memory_space<vmem>>)
      %mul3A_70 = arith.constant 128 : i32
      %mul3A_71 = arith.muli %add3A_60, %mul3A_70 : i32
      %add3A_72 = arith.addi %mul3A_2, %mul3A_71 : i32
      %run_scoped3A = arith.constant 0 : i32
      "tpu.region"() ({
        %run_scoped3A_103 = tpu.sem_alloc : memref<!tpu.dma_semaphore, #tpu.memory_space<semaphore_mem>>
        %dma_start3A_104 = arith.constant 0 : i32
        %dma_start3A_105 = arith.constant 0 : i32
        %dma_start3A_106 = tpu.memref_slice %arg9[%run_scoped3A, %dma_start3A_104, %dma_start3A_105] : memref<2x128x128xf32, #tpu.memory_space<vmem>> -> memref<1x128x128xf32, #tpu.memory_space<vmem>>
        %dma_start3A_107 = tpu.memref_squeeze %dma_start3A_106 : memref<1x128x128xf32, #tpu.memory_space<vmem>> -> memref<128x128xf32, #tpu.memory_space<vmem>>
        %dma_start3A_108 = arith.constant 0 : i32
        %dma_start3A_109 = tpu.memref_slice %arg5[%add3A_72, %dma_start3A_108] : memref<65536x128xf32, #tpu.memory_space<hbm>> -> memref<128x128xf32, #tpu.memory_space<hbm>>
        %dma_start3A_110 = arith.constant 0 : i32
        %dma_start3A_111 = tpu.memref_slice %arg5[%add3A_72, %dma_start3A_110] : memref<65536x128xf32, #tpu.memory_space<hbm>> -> memref<128x128xf32, #tpu.memory_space<hbm>>
        %dma_start3A_112 = arith.constant 0 : i32
        %dma_start3A_113 = arith.constant 0 : i32
        %dma_start3A_114 = tpu.memref_slice %arg9[%run_scoped3A, %dma_start3A_112, %dma_start3A_113] : memref<2x128x128xf32, #tpu.memory_space<vmem>> -> memref<1x128x128xf32, #tpu.memory_space<vmem>>
        %dma_start3A_115 = tpu.memref_squeeze %dma_start3A_114 : memref<1x128x128xf32, #tpu.memory_space<vmem>> -> memref<128x128xf32, #tpu.memory_space<vmem>>
        tpu.enqueue_dma source(%dma_start3A_115 : memref<128x128xf32, #tpu.memory_space<vmem>>) target(%dma_start3A_111 : memref<128x128xf32, #tpu.memory_space<hbm>>) target_semaphore(%run_scoped3A_103 : memref<!tpu.dma_semaphore, #tpu.memory_space<semaphore_mem>>)
        %dma_wait3A_116 = arith.constant 0 : i32
        %dma_wait3A_117 = arith.constant 0 : i32
        %dma_wait3A_118 = tpu.memref_slice %arg9[%run_scoped3A, %dma_wait3A_116, %dma_wait3A_117] : memref<2x128x128xf32, #tpu.memory_space<vmem>> -> memref<1x128x128xf32, #tpu.memory_space<vmem>>
        %dma_wait3A_119 = tpu.memref_squeeze %dma_wait3A_118 : memref<1x128x128xf32, #tpu.memory_space<vmem>> -> memref<128x128xf32, #tpu.memory_space<vmem>>
        %dma_wait3A_120 = arith.constant 0 : i32
        %dma_wait3A_121 = tpu.memref_slice %arg5[%add3A_72, %dma_wait3A_120] : memref<65536x128xf32, #tpu.memory_space<hbm>> -> memref<128x128xf32, #tpu.memory_space<hbm>>
        %dma_wait3A_122 = arith.constant 0 : i32
        %dma_wait3A_123 = tpu.memref_slice %arg5[%add3A_72, %dma_wait3A_122] : memref<65536x128xf32, #tpu.memory_space<hbm>> -> memref<128x128xf32, #tpu.memory_space<hbm>>
        %dma_wait3A_124 = arith.constant 0 : i32
        %dma_wait3A_125 = arith.constant 0 : i32
        %dma_wait3A_126 = tpu.memref_slice %arg9[%run_scoped3A, %dma_wait3A_124, %dma_wait3A_125] : memref<2x128x128xf32, #tpu.memory_space<vmem>> -> memref<1x128x128xf32, #tpu.memory_space<vmem>>
        %dma_wait3A_127 = tpu.memref_squeeze %dma_wait3A_126 : memref<1x128x128xf32, #tpu.memory_space<vmem>> -> memref<128x128xf32, #tpu.memory_space<vmem>>
        tpu.wait_dma2 semaphore(%run_scoped3A_103 : memref<!tpu.dma_semaphore, #tpu.memory_space<semaphore_mem>>) src(%dma_wait3A_127 : memref<128x128xf32, #tpu.memory_space<vmem>>) dst(%dma_wait3A_123 : memref<128x128xf32, #tpu.memory_space<hbm>>)
        tpu.yield
      }) : () -> ()
      %add3A_73 = arith.constant 2 : i32
      %add3A_74 = arith.addi %add3A_60, %add3A_73 : i32
      %lt3A = arith.constant 16 : i32
      %lt3A_75 = arith.cmpi slt, %add3A_74, %lt3A : i32
      %convert_element_type3A = arith.extui %lt3A_75 : i1 to i32
      %cond3A = arith.constant 0 : i32
      %cond3A_76 = arith.cmpi ne, %convert_element_type3A, %cond3A : i32
      scf.if %cond3A_76 {
        %add3A_103 = arith.constant 2 : i32
        %add3A_104 = arith.addi %add3A_60, %add3A_103 : i32
        %mul3A_105 = arith.constant 128 : i32
        %mul3A_106 = arith.muli %add3A_104, %mul3A_105 : i32
        %dma_start3A_107 = arith.constant 0 : i32
        %dma_start3A_108 = arith.constant 0 : i32
        %dma_start3A_109 = arith.constant 0 : i32
        %dma_start3A_110 = tpu.memref_slice %arg9[%dma_start3A_107, %dma_start3A_108, %dma_start3A_109] : memref<2x128x128xf32, #tpu.memory_space<vmem>> -> memref<1x128x128xf32, #tpu.memory_space<vmem>>
        %dma_start3A_111 = tpu.memref_squeeze %dma_start3A_110 : memref<1x128x128xf32, #tpu.memory_space<vmem>> -> memref<128x128xf32, #tpu.memory_space<vmem>>
        %dma_start3A_112 = tpu.memref_slice %arg8[%mul3A_106] : memref<2048xi32, #tpu.memory_space<vmem>> -> memref<128xi32, #tpu.memory_space<vmem>>
        %dma_start3A_113 = arith.constant 0 : i32
        %dma_start3A_114 = arith.constant 0 : i32
        %dma_start3A_115 = tpu.memref_slice %arg4[%dma_start3A_113, %dma_start3A_114] : memref<66560x128xf32, #tpu.memory_space<hbm>> -> memref<66560x128xf32, #tpu.memory_space<hbm>>
        tpu.enqueue_indirect_dma source(%dma_start3A_115 : memref<66560x128xf32, #tpu.memory_space<hbm>>) target(%dma_start3A_111 : memref<128x128xf32, #tpu.memory_space<vmem>>) offsets(%dma_start3A_112 : memref<128xi32, #tpu.memory_space<vmem>>) semaphore(%arg10 : memref<!tpu.dma_semaphore, #tpu.memory_space<semaphore_mem>>)
      } else {
      }
      %mul3A_77 = arith.constant 2 : i32
      %mul3A_78 = arith.muli %scan3A_55, %mul3A_77 : i32
      %add3A_79 = arith.constant 1 : i32
      %add3A_80 = arith.addi %mul3A_78, %add3A_79 : i32
      %dma_wait3A_81 = arith.constant 1 : i32
      %dma_wait3A_82 = arith.constant 0 : i32
      %dma_wait3A_83 = arith.constant 0 : i32
      %dma_wait3A_84 = tpu.memref_slice %arg9[%dma_wait3A_81, %dma_wait3A_82, %dma_wait3A_83] : memref<2x128x128xf32, #tpu.memory_space<vmem>> -> memref<1x128x128xf32, #tpu.memory_space<vmem>>
      %dma_wait3A_85 = tpu.memref_squeeze %dma_wait3A_84 : memref<1x128x128xf32, #tpu.memory_space<vmem>> -> memref<128x128xf32, #tpu.memory_space<vmem>>
      %dma_wait3A_86 = arith.constant 0 : i32
      %dma_wait3A_87 = tpu.memref_slice %arg8[%dma_wait3A_86] : memref<2048xi32, #tpu.memory_space<vmem>> -> memref<128xi32, #tpu.memory_space<vmem>>
      %dma_wait3A_88 = arith.constant 0 : i32
      %dma_wait3A_89 = arith.constant 0 : i32
      %dma_wait3A_90 = tpu.memref_slice %arg4[%dma_wait3A_88, %dma_wait3A_89] : memref<66560x128xf32, #tpu.memory_space<hbm>> -> memref<66560x128xf32, #tpu.memory_space<hbm>>
      tpu.wait_indirect_dma semaphore(%arg11 : memref<!tpu.dma_semaphore, #tpu.memory_space<semaphore_mem>>) src(%dma_wait3A_90 : memref<66560x128xf32, #tpu.memory_space<hbm>>) dst(%dma_wait3A_85 : memref<128x128xf32, #tpu.memory_space<vmem>>)
      %mul3A_91 = arith.constant 128 : i32
      %mul3A_92 = arith.muli %add3A_80, %mul3A_91 : i32
      %add3A_93 = arith.addi %mul3A_2, %mul3A_92 : i32
      %run_scoped3A_94 = arith.constant 1 : i32
      "tpu.region"() ({
        %run_scoped3A_103 = tpu.sem_alloc : memref<!tpu.dma_semaphore, #tpu.memory_space<semaphore_mem>>
        %dma_start3A_104 = arith.constant 0 : i32
        %dma_start3A_105 = arith.constant 0 : i32
        %dma_start3A_106 = tpu.memref_slice %arg9[%run_scoped3A_94, %dma_start3A_104, %dma_start3A_105] : memref<2x128x128xf32, #tpu.memory_space<vmem>> -> memref<1x128x128xf32, #tpu.memory_space<vmem>>
        %dma_start3A_107 = tpu.memref_squeeze %dma_start3A_106 : memref<1x128x128xf32, #tpu.memory_space<vmem>> -> memref<128x128xf32, #tpu.memory_space<vmem>>
        %dma_start3A_108 = arith.constant 0 : i32
        %dma_start3A_109 = tpu.memref_slice %arg5[%add3A_93, %dma_start3A_108] : memref<65536x128xf32, #tpu.memory_space<hbm>> -> memref<128x128xf32, #tpu.memory_space<hbm>>
        %dma_start3A_110 = arith.constant 0 : i32
        %dma_start3A_111 = tpu.memref_slice %arg5[%add3A_93, %dma_start3A_110] : memref<65536x128xf32, #tpu.memory_space<hbm>> -> memref<128x128xf32, #tpu.memory_space<hbm>>
        %dma_start3A_112 = arith.constant 0 : i32
        %dma_start3A_113 = arith.constant 0 : i32
        %dma_start3A_114 = tpu.memref_slice %arg9[%run_scoped3A_94, %dma_start3A_112, %dma_start3A_113] : memref<2x128x128xf32, #tpu.memory_space<vmem>> -> memref<1x128x128xf32, #tpu.memory_space<vmem>>
        %dma_start3A_115 = tpu.memref_squeeze %dma_start3A_114 : memref<1x128x128xf32, #tpu.memory_space<vmem>> -> memref<128x128xf32, #tpu.memory_space<vmem>>
        tpu.enqueue_dma source(%dma_start3A_115 : memref<128x128xf32, #tpu.memory_space<vmem>>) target(%dma_start3A_111 : memref<128x128xf32, #tpu.memory_space<hbm>>) target_semaphore(%run_scoped3A_103 : memref<!tpu.dma_semaphore, #tpu.memory_space<semaphore_mem>>)
        %dma_wait3A_116 = arith.constant 0 : i32
        %dma_wait3A_117 = arith.constant 0 : i32
        %dma_wait3A_118 = tpu.memref_slice %arg9[%run_scoped3A_94, %dma_wait3A_116, %dma_wait3A_117] : memref<2x128x128xf32, #tpu.memory_space<vmem>> -> memref<1x128x128xf32, #tpu.memory_space<vmem>>
        %dma_wait3A_119 = tpu.memref_squeeze %dma_wait3A_118 : memref<1x128x128xf32, #tpu.memory_space<vmem>> -> memref<128x128xf32, #tpu.memory_space<vmem>>
        %dma_wait3A_120 = arith.constant 0 : i32
        %dma_wait3A_121 = tpu.memref_slice %arg5[%add3A_93, %dma_wait3A_120] : memref<65536x128xf32, #tpu.memory_space<hbm>> -> memref<128x128xf32, #tpu.memory_space<hbm>>
        %dma_wait3A_122 = arith.constant 0 : i32
        %dma_wait3A_123 = tpu.memref_slice %arg5[%add3A_93, %dma_wait3A_122] : memref<65536x128xf32, #tpu.memory_space<hbm>> -> memref<128x128xf32, #tpu.memory_space<hbm>>
        %dma_wait3A_124 = arith.constant 0 : i32
        %dma_wait3A_125 = arith.constant 0 : i32
        %dma_wait3A_126 = tpu.memref_slice %arg9[%run_scoped3A_94, %dma_wait3A_124, %dma_wait3A_125] : memref<2x128x128xf32, #tpu.memory_space<vmem>> -> memref<1x128x128xf32, #tpu.memory_space<vmem>>
        %dma_wait3A_127 = tpu.memref_squeeze %dma_wait3A_126 : memref<1x128x128xf32, #tpu.memory_space<vmem>> -> memref<128x128xf32, #tpu.memory_space<vmem>>
        tpu.wait_dma2 semaphore(%run_scoped3A_103 : memref<!tpu.dma_semaphore, #tpu.memory_space<semaphore_mem>>) src(%dma_wait3A_127 : memref<128x128xf32, #tpu.memory_space<vmem>>) dst(%dma_wait3A_123 : memref<128x128xf32, #tpu.memory_space<hbm>>)
        tpu.yield
      }) : () -> ()
      %add3A_95 = arith.constant 2 : i32
      %add3A_96 = arith.addi %add3A_80, %add3A_95 : i32
      %lt3A_97 = arith.constant 16 : i32
      %lt3A_98 = arith.cmpi slt, %add3A_96, %lt3A_97 : i32
      %convert_element_type3A_99 = arith.extui %lt3A_98 : i1 to i32
      %cond3A_100 = arith.constant 0 : i32
      %cond3A_101 = arith.cmpi ne, %convert_element_type3A_99, %cond3A_100 : i32
      scf.if %cond3A_101 {
        %add3A_103 = arith.constant 2 : i32
        %add3A_104 = arith.addi %add3A_80, %add3A_103 : i32
        %mul3A_105 = arith.constant 128 : i32
        %mul3A_106 = arith.muli %add3A_104, %mul3A_105 : i32
        %dma_start3A_107 = arith.constant 1 : i32
        %dma_start3A_108 = arith.constant 0 : i32
        %dma_start3A_109 = arith.constant 0 : i32
        %dma_start3A_110 = tpu.memref_slice %arg9[%dma_start3A_107, %dma_start3A_108, %dma_start3A_109] : memref<2x128x128xf32, #tpu.memory_space<vmem>> -> memref<1x128x128xf32, #tpu.memory_space<vmem>>
        %dma_start3A_111 = tpu.memref_squeeze %dma_start3A_110 : memref<1x128x128xf32, #tpu.memory_space<vmem>> -> memref<128x128xf32, #tpu.memory_space<vmem>>
        %dma_start3A_112 = tpu.memref_slice %arg8[%mul3A_106] : memref<2048xi32, #tpu.memory_space<vmem>> -> memref<128xi32, #tpu.memory_space<vmem>>
        %dma_start3A_113 = arith.constant 0 : i32
        %dma_start3A_114 = arith.constant 0 : i32
        %dma_start3A_115 = tpu.memref_slice %arg4[%dma_start3A_113, %dma_start3A_114] : memref<66560x128xf32, #tpu.memory_space<hbm>> -> memref<66560x128xf32, #tpu.memory_space<hbm>>
        tpu.enqueue_indirect_dma source(%dma_start3A_115 : memref<66560x128xf32, #tpu.memory_space<hbm>>) target(%dma_start3A_111 : memref<128x128xf32, #tpu.memory_space<vmem>>) offsets(%dma_start3A_112 : memref<128xi32, #tpu.memory_space<vmem>>) semaphore(%arg11 : memref<!tpu.dma_semaphore, #tpu.memory_space<semaphore_mem>>)
      } else {
      }
      %scan3A_102 = arith.constant 0 : i32
      scf.yield %scan3A_102 : i32
    }
    %scan3A_54 = arith.constant 8 : i32
    return
  }
}

#map = affine_map<(d0, d1) -> (0)>
#map1 = affine_map<(d0, d1) -> (0, 0)>
module attributes {stable_mosaic.version = 14 : i64} {
  func.func @k(%arg0: i32, %arg1: i32, %arg2: memref<65536xf32, #tpu.memory_space<hbm>>, %arg3: memref<65536xf32, #tpu.memory_space<hbm>>, %arg4: memref<66560x128xf32, #tpu.memory_space<hbm>>, %arg5: memref<65536x128xf32, #tpu.memory_space<hbm>>, %arg6: memref<2048xf32, #tpu.memory_space<vmem>>, %arg7: memref<2048xf32, #tpu.memory_space<vmem>>, %arg8: memref<2048xi32, #tpu.memory_space<vmem>>, %arg9: memref<2x128x128xf32, #tpu.memory_space<vmem>>, %arg10: memref<!tpu.dma_semaphore, #tpu.memory_space<semaphore_mem>>, %arg11: memref<!tpu.dma_semaphore, #tpu.memory_space<semaphore_mem>>) attributes {dimension_semantics = [#tpu.dimension_semantics<core_parallel>, #tpu.dimension_semantics<subcore_parallel>], iteration_bounds = array<i64: 2, 16>, scalar_prefetch = 0 : i64, scratch_operands = 6 : i64, tpu.core_type = #tpu.core_type<sc_vector_subcore>, window_params = [{transform_indices = #map}, {transform_indices = #map}, {transform_indices = #map1}, {transform_indices = #map1}]} {
    %mul3A = arith.constant 2 : i32
    %mul3A_0 = arith.muli %arg1, %mul3A : i32
    %add3A = arith.addi %mul3A_0, %arg0 : i32
    %mul3A_1 = arith.constant 2048 : i32
    %mul3A_2 = arith.muli %add3A, %mul3A_1 : i32
    "tpu.region"() ({
      %run_scoped3A = tpu.sem_alloc : memref<!tpu.dma_semaphore, #tpu.memory_space<semaphore_mem>>
      %dma_start3A_55 = tpu.memref_slice %arg2[%mul3A_2] : memref<65536xf32, #tpu.memory_space<hbm>> -> memref<2048xf32, #tpu.memory_space<hbm>>
      %dma_start3A_56 = tpu.memref_slice %arg2[%mul3A_2] : memref<65536xf32, #tpu.memory_space<hbm>> -> memref<2048xf32, #tpu.memory_space<hbm>>
      tpu.enqueue_dma source(%dma_start3A_56 : memref<2048xf32, #tpu.memory_space<hbm>>) target(%arg6 : memref<2048xf32, #tpu.memory_space<vmem>>) target_semaphore(%run_scoped3A : memref<!tpu.dma_semaphore, #tpu.memory_space<semaphore_mem>>)
      %dma_wait3A = tpu.memref_slice %arg2[%mul3A_2] : memref<65536xf32, #tpu.memory_space<hbm>> -> memref<2048xf32, #tpu.memory_space<hbm>>
      %dma_wait3A_57 = tpu.memref_slice %arg2[%mul3A_2] : memref<65536xf32, #tpu.memory_space<hbm>> -> memref<2048xf32, #tpu.memory_space<hbm>>
      tpu.wait_dma2 semaphore(%run_scoped3A : memref<!tpu.dma_semaphore, #tpu.memory_space<semaphore_mem>>) src(%dma_wait3A_57 : memref<2048xf32, #tpu.memory_space<hbm>>) dst(%arg6 : memref<2048xf32, #tpu.memory_space<vmem>>)
      tpu.yield
    }) : () -> ()
    "tpu.region"() ({
      %run_scoped3A = tpu.sem_alloc : memref<!tpu.dma_semaphore, #tpu.memory_space<semaphore_mem>>
      %dma_start3A_55 = tpu.memref_slice %arg3[%mul3A_2] : memref<65536xf32, #tpu.memory_space<hbm>> -> memref<2048xf32, #tpu.memory_space<hbm>>
      %dma_start3A_56 = tpu.memref_slice %arg3[%mul3A_2] : memref<65536xf32, #tpu.memory_space<hbm>> -> memref<2048xf32, #tpu.memory_space<hbm>>
      tpu.enqueue_dma source(%dma_start3A_56 : memref<2048xf32, #tpu.memory_space<hbm>>) target(%arg7 : memref<2048xf32, #tpu.memory_space<vmem>>) target_semaphore(%run_scoped3A : memref<!tpu.dma_semaphore, #tpu.memory_space<semaphore_mem>>)
      %dma_wait3A = tpu.memref_slice %arg3[%mul3A_2] : memref<65536xf32, #tpu.memory_space<hbm>> -> memref<2048xf32, #tpu.memory_space<hbm>>
      %dma_wait3A_57 = tpu.memref_slice %arg3[%mul3A_2] : memref<65536xf32, #tpu.memory_space<hbm>> -> memref<2048xf32, #tpu.memory_space<hbm>>
      tpu.wait_dma2 semaphore(%run_scoped3A : memref<!tpu.dma_semaphore, #tpu.memory_space<semaphore_mem>>) src(%dma_wait3A_57 : memref<2048xf32, #tpu.memory_space<hbm>>) dst(%arg7 : memref<2048xf32, #tpu.memory_space<vmem>>)
      tpu.yield
    }) : () -> ()
    %add3A_3 = arith.constant 65536 : i32
    %add3A_4 = arith.addi %add3A_3, %mul3A_2 : i32
    %jit3A = arith.constant 65536 : i32
    %div3A = arith.divsi %add3A_4, %jit3A : i32
    %sign3A = arith.constant 0 : i32
    %sign3A_5 = arith.cmpi sgt, %add3A_4, %sign3A : i32
    %sign3A_6 = arith.extui %sign3A_5 : i1 to i32
    %sign3A_7 = arith.constant 0 : i32
    %sign3A_8 = arith.cmpi slt, %add3A_4, %sign3A_7 : i32
    %sign3A_9 = arith.extui %sign3A_8 : i1 to i32
    %sign3A_10 = arith.subi %sign3A_6, %sign3A_9 : i32
    %sign3A_11 = arith.constant 0 : i32
    %sign3A_12 = arith.cmpi sgt, %jit3A, %sign3A_11 : i32
    %sign3A_13 = arith.extui %sign3A_12 : i1 to i32
    %sign3A_14 = arith.constant 0 : i32
    %sign3A_15 = arith.cmpi slt, %jit3A, %sign3A_14 : i32
    %sign3A_16 = arith.extui %sign3A_15 : i1 to i32
    %sign3A_17 = arith.subi %sign3A_13, %sign3A_16 : i32
    %ne3A = arith.cmpi ne, %sign3A_10, %sign3A_17 : i32
    %rem3A = arith.remsi %add3A_4, %jit3A : i32
    %ne3A_18 = arith.constant 0 : i32
    %ne3A_19 = arith.cmpi ne, %rem3A, %ne3A_18 : i32
    %and3A = arith.andi %ne3A, %ne3A_19 : i1
    %sub3A = arith.constant 1 : i32
    %sub3A_20 = arith.subi %div3A, %sub3A : i32
    %select_n3A = arith.select %and3A, %sub3A_20, %div3A : i32
    %mul3A_21 = arith.constant 16640 : i32
    %mul3A_22 = arith.muli %select_n3A, %mul3A_21 : i32
    %scan3A = arith.constant 0 : i32
    %scan3A_23 = arith.constant 0 : i32
    %scan3A_24 = arith.constant 128 : i32
    %scan3A_25 = arith.addi %scan3A_23, %scan3A_24 : i32
    %scan3A_26 = arith.constant 1 : i32
    %scan3A_27 = scf.for %scan3A_55 = %scan3A_23 to %scan3A_25 step %scan3A_26 iter_args(%scan3A_56 = %scan3A) -> (i32)  : i32 {
      %mul3A_57 = arith.constant 16 : i32
      %mul3A_58 = arith.muli %scan3A_55, %mul3A_57 : i32
      %get3A = arith.index_cast %mul3A_58 : i32 to index
      %get3A_59 = tpu.vector_load %arg6[%get3A] {strides = array<i32>} : memref<2048xf32, #tpu.memory_space<vmem>>, vector<16xf32>,
      %get3A_60 = vector.shape_cast %get3A_59 : vector<16xf32> to vector<16xf32>
      %get3A_61 = arith.index_cast %mul3A_58 : i32 to index
      %get3A_62 = tpu.vector_load %arg7[%get3A_61] {strides = array<i32>} : memref<2048xf32, #tpu.memory_space<vmem>>, vector<16xf32>,
      %get3A_63 = vector.shape_cast %get3A_62 : vector<16xf32> to vector<16xf32>
      %add3A_64 = arith.constant 1.000000e+00 : f32
      %add3A_65 = vector.broadcast %add3A_64 : f32 to vector<16xf32>
      %add3A_66 = arith.addf %get3A_60, %add3A_65 : vector<16xf32>
      %mul3A_67 = arith.constant 6.400000e+01 : f32
      %mul3A_68 = vector.broadcast %mul3A_67 : f32 to vector<16xf32>
      %mul3A_69 = arith.mulf %add3A_66, %mul3A_68 : vector<16xf32>
      %sub3A_70 = arith.constant 5.000000e-01 : f32
      %sub3A_71 = vector.broadcast %sub3A_70 : f32 to vector<16xf32>
      %sub3A_72 = arith.subf %mul3A_69, %sub3A_71 : vector<16xf32>
      %add3A_73 = arith.constant 1.000000e+00 : f32
      %add3A_74 = vector.broadcast %add3A_73 : f32 to vector<16xf32>
      %add3A_75 = arith.addf %get3A_63, %add3A_74 : vector<16xf32>
      %mul3A_76 = arith.constant 6.400000e+01 : f32
      %mul3A_77 = vector.broadcast %mul3A_76 : f32 to vector<16xf32>
      %mul3A_78 = arith.mulf %add3A_75, %mul3A_77 : vector<16xf32>
      %sub3A_79 = arith.constant 5.000000e-01 : f32
      %sub3A_80 = vector.broadcast %sub3A_79 : f32 to vector<16xf32>
      %sub3A_81 = arith.subf %mul3A_78, %sub3A_80 : vector<16xf32>
      %add3A_82 = arith.constant 5.000000e-01 : f32
      %add3A_83 = vector.broadcast %add3A_82 : f32 to vector<16xf32>
      %add3A_84 = arith.addf %sub3A_72, %add3A_83 : vector<16xf32>
      %max3A = arith.constant 0.000000e+00 : f32
      %max3A_85 = vector.broadcast %max3A : f32 to vector<16xf32>
      %max3A_86 = arith.maximumf %add3A_84, %max3A_85 : vector<16xf32>
      %add3A_87 = arith.constant 5.000000e-01 : f32
      %add3A_88 = vector.broadcast %add3A_87 : f32 to vector<16xf32>
      %add3A_89 = arith.addf %sub3A_81, %add3A_88 : vector<16xf32>
      %max3A_90 = arith.constant 0.000000e+00 : f32
      %max3A_91 = vector.broadcast %max3A_90 : f32 to vector<16xf32>
      %max3A_92 = arith.maximumf %add3A_89, %max3A_91 : vector<16xf32>
      %convert_element_type3A = arith.fptosi %max3A_86 : vector<16xf32> to vector<16xi32>
      %min3A = arith.constant 127 : i32
      %min3A_93 = vector.broadcast %min3A : i32 to vector<16xi32>
      %min3A_94 = arith.minsi %convert_element_type3A, %min3A_93 : vector<16xi32>
      %convert_element_type3A_95 = arith.fptosi %max3A_92 : vector<16xf32> to vector<16xi32>
      %min3A_96 = arith.constant 127 : i32
      %min3A_97 = vector.broadcast %min3A_96 : i32 to vector<16xi32>
      %min3A_98 = arith.minsi %convert_element_type3A_95, %min3A_97 : vector<16xi32>
      %mul3A_99 = arith.constant 130 : i32
      %mul3A_100 = vector.broadcast %mul3A_99 : i32 to vector<16xi32>
      %mul3A_101 = arith.muli %min3A_98, %mul3A_100 : vector<16xi32>
      %add3A_102 = vector.broadcast %mul3A_22 : i32 to vector<16xi32>
      %add3A_103 = arith.addi %add3A_102, %mul3A_101 : vector<16xi32>
      %add3A_104 = arith.addi %add3A_103, %min3A_94 : vector<16xi32>
      %swap3A = arith.index_cast %mul3A_58 : i32 to index
      %swap3A_105 = tpu.vector_load %arg8[%swap3A] {strides = array<i32>} : memref<2048xi32, #tpu.memory_space<vmem>>, vector<16xi32>,
      %swap3A_106 = vector.shape_cast %swap3A_105 : vector<16xi32> to vector<16xi32>
      %swap3A_107 = vector.shape_cast %add3A_104 : vector<16xi32> to vector<16xi32>
      tpu.vector_store %arg8[%swap3A], %swap3A_107 {strides = array<i32>} : memref<2048xi32, #tpu.memory_space<vmem>>, vector<16xi32>,
      %scan3A_108 = arith.constant 0 : i32
      scf.yield %scan3A_108 : i32
    }
    %scan3A_28 = arith.constant 128 : i32
    %dma_start3A = arith.constant 0 : i32
    %dma_start3A_29 = arith.constant 0 : i32
    %dma_start3A_30 = arith.constant 0 : i32
    %dma_start3A_31 = tpu.memref_slice %arg9[%dma_start3A, %dma_start3A_29, %dma_start3A_30] : memref<2x128x128xf32, #tpu.memory_space<vmem>> -> memref<1x128x128xf32, #tpu.memory_space<vmem>>
    %dma_start3A_32 = tpu.memref_squeeze %dma_start3A_31 : memref<1x128x128xf32, #tpu.memory_space<vmem>> -> memref<128x128xf32, #tpu.memory_space<vmem>>
    %dma_start3A_33 = arith.constant 0 : i32
    %dma_start3A_34 = tpu.memref_slice %arg8[%dma_start3A_33] : memref<2048xi32, #tpu.memory_space<vmem>> -> memref<128xi32, #tpu.memory_space<vmem>>
    %dma_start3A_35 = arith.constant 0 : i32
    %dma_start3A_36 = arith.constant 0 : i32
    %dma_start3A_37 = tpu.memref_slice %arg4[%dma_start3A_35, %dma_start3A_36] : memref<66560x128xf32, #tpu.memory_space<hbm>> -> memref<66560x128xf32, #tpu.memory_space<hbm>>
    tpu.enqueue_indirect_dma source(%dma_start3A_37 : memref<66560x128xf32, #tpu.memory_space<hbm>>) target(%dma_start3A_32 : memref<128x128xf32, #tpu.memory_space<vmem>>) offsets(%dma_start3A_34 : memref<128xi32, #tpu.memory_space<vmem>>) semaphore(%arg10 : memref<!tpu.dma_semaphore, #tpu.memory_space<semaphore_mem>>)
    %dma_start3A_38 = arith.constant 1 : i32
    %dma_start3A_39 = arith.constant 0 : i32
    %dma_start3A_40 = arith.constant 0 : i32
    %dma_start3A_41 = tpu.memref_slice %arg9[%dma_start3A_38, %dma_start3A_39, %dma_start3A_40] : memref<2x128x128xf32, #tpu.memory_space<vmem>> -> memref<1x128x128xf32, #tpu.memory_space<vmem>>
    %dma_start3A_42 = tpu.memref_squeeze %dma_start3A_41 : memref<1x128x128xf32, #tpu.memory_space<vmem>> -> memref<128x128xf32, #tpu.memory_space<vmem>>
    %dma_start3A_43 = arith.constant 128 : i32
    %dma_start3A_44 = tpu.memref_slice %arg8[%dma_start3A_43] : memref<2048xi32, #tpu.memory_space<vmem>> -> memref<128xi32, #tpu.memory_space<vmem>>
    %dma_start3A_45 = arith.constant 0 : i32
    %dma_start3A_46 = arith.constant 0 : i32
    %dma_start3A_47 = tpu.memref_slice %arg4[%dma_start3A_45, %dma_start3A_46] : memref<66560x128xf32, #tpu.memory_space<hbm>> -> memref<66560x128xf32, #tpu.memory_space<hbm>>
    tpu.enqueue_indirect_dma source(%dma_start3A_47 : memref<66560x128xf32, #tpu.memory_space<hbm>>) target(%dma_start3A_42 : memref<128x128xf32, #tpu.memory_space<vmem>>) offsets(%dma_start3A_44 : memref<128xi32, #tpu.memory_space<vmem>>) semaphore(%arg11 : memref<!tpu.dma_semaphore, #tpu.memory_space<semaphore_mem>>)
    %scan3A_48 = arith.constant 0 : i32
    %scan3A_49 = arith.constant 0 : i32
    %scan3A_50 = arith.constant 8 : i32
    %scan3A_51 = arith.addi %scan3A_49, %scan3A_50 : i32
    %scan3A_52 = arith.constant 1 : i32
    %scan3A_53 = scf.for %scan3A_55 = %scan3A_49 to %scan3A_51 step %scan3A_52 iter_args(%scan3A_56 = %scan3A_48) -> (i32)  : i32 {
      %mul3A_57 = arith.constant 2 : i32
      %mul3A_58 = arith.muli %scan3A_55, %mul3A_57 : i32
      %add3A_59 = arith.constant 0 : i32
      %add3A_60 = arith.addi %mul3A_58, %add3A_59 : i32
      %dma_wait3A = arith.constant 0 : i32
      %dma_wait3A_61 = arith.constant 0 : i32
      %dma_wait3A_62 = arith.constant 0 : i32
      %dma_wait3A_63 = tpu.memref_slice %arg9[%dma_wait3A, %dma_wait3A_61, %dma_wait3A_62] : memref<2x128x128xf32, #tpu.memory_space<vmem>> -> memref<1x128x128xf32, #tpu.memory_space<vmem>>
      %dma_wait3A_64 = tpu.memref_squeeze %dma_wait3A_63 : memref<1x128x128xf32, #tpu.memory_space<vmem>> -> memref<128x128xf32, #tpu.memory_space<vmem>>
      %dma_wait3A_65 = arith.constant 0 : i32
      %dma_wait3A_66 = tpu.memref_slice %arg8[%dma_wait3A_65] : memref<2048xi32, #tpu.memory_space<vmem>> -> memref<128xi32, #tpu.memory_space<vmem>>
      %dma_wait3A_67 = arith.constant 0 : i32
      %dma_wait3A_68 = arith.constant 0 : i32
      %dma_wait3A_69 = tpu.memref_slice %arg4[%dma_wait3A_67, %dma_wait3A_68] : memref<66560x128xf32, #tpu.memory_space<hbm>> -> memref<66560x128xf32, #tpu.memory_space<hbm>>
      tpu.wait_indirect_dma semaphore(%arg10 : memref<!tpu.dma_semaphore, #tpu.memory_space<semaphore_mem>>) src(%dma_wait3A_69 : memref<66560x128xf32, #tpu.memory_space<hbm>>) dst(%dma_wait3A_64 : memref<128x128xf32, #tpu.memory_space<vmem>>)
      %mul3A_70 = arith.constant 128 : i32
      %mul3A_71 = arith.muli %add3A_60, %mul3A_70 : i32
      %add3A_72 = arith.addi %mul3A_2, %mul3A_71 : i32
      %run_scoped3A = arith.constant 0 : i32
      "tpu.region"() ({
        %run_scoped3A_103 = tpu.sem_alloc : memref<!tpu.dma_semaphore, #tpu.memory_space<semaphore_mem>>
        %dma_start3A_104 = arith.constant 0 : i32
        %dma_start3A_105 = arith.constant 0 : i32
        %dma_start3A_106 = tpu.memref_slice %arg9[%run_scoped3A, %dma_start3A_104, %dma_start3A_105] : memref<2x128x128xf32, #tpu.memory_space<vmem>> -> memref<1x128x128xf32, #tpu.memory_space<vmem>>
        %dma_start3A_107 = tpu.memref_squeeze %dma_start3A_106 : memref<1x128x128xf32, #tpu.memory_space<vmem>> -> memref<128x128xf32, #tpu.memory_space<vmem>>
        %dma_start3A_108 = arith.constant 0 : i32
        %dma_start3A_109 = tpu.memref_slice %arg5[%add3A_72, %dma_start3A_108] : memref<65536x128xf32, #tpu.memory_space<hbm>> -> memref<128x128xf32, #tpu.memory_space<hbm>>
        %dma_start3A_110 = arith.constant 0 : i32
        %dma_start3A_111 = tpu.memref_slice %arg5[%add3A_72, %dma_start3A_110] : memref<65536x128xf32, #tpu.memory_space<hbm>> -> memref<128x128xf32, #tpu.memory_space<hbm>>
        %dma_start3A_112 = arith.constant 0 : i32
        %dma_start3A_113 = arith.constant 0 : i32
        %dma_start3A_114 = tpu.memref_slice %arg9[%run_scoped3A, %dma_start3A_112, %dma_start3A_113] : memref<2x128x128xf32, #tpu.memory_space<vmem>> -> memref<1x128x128xf32, #tpu.memory_space<vmem>>
        %dma_start3A_115 = tpu.memref_squeeze %dma_start3A_114 : memref<1x128x128xf32, #tpu.memory_space<vmem>> -> memref<128x128xf32, #tpu.memory_space<vmem>>
        tpu.enqueue_dma source(%dma_start3A_115 : memref<128x128xf32, #tpu.memory_space<vmem>>) target(%dma_start3A_111 : memref<128x128xf32, #tpu.memory_space<hbm>>) target_semaphore(%run_scoped3A_103 : memref<!tpu.dma_semaphore, #tpu.memory_space<semaphore_mem>>)
        %dma_wait3A_116 = arith.constant 0 : i32
        %dma_wait3A_117 = arith.constant 0 : i32
        %dma_wait3A_118 = tpu.memref_slice %arg9[%run_scoped3A, %dma_wait3A_116, %dma_wait3A_117] : memref<2x128x128xf32, #tpu.memory_space<vmem>> -> memref<1x128x128xf32, #tpu.memory_space<vmem>>
        %dma_wait3A_119 = tpu.memref_squeeze %dma_wait3A_118 : memref<1x128x128xf32, #tpu.memory_space<vmem>> -> memref<128x128xf32, #tpu.memory_space<vmem>>
        %dma_wait3A_120 = arith.constant 0 : i32
        %dma_wait3A_121 = tpu.memref_slice %arg5[%add3A_72, %dma_wait3A_120] : memref<65536x128xf32, #tpu.memory_space<hbm>> -> memref<128x128xf32, #tpu.memory_space<hbm>>
        %dma_wait3A_122 = arith.constant 0 : i32
        %dma_wait3A_123 = tpu.memref_slice %arg5[%add3A_72, %dma_wait3A_122] : memref<65536x128xf32, #tpu.memory_space<hbm>> -> memref<128x128xf32, #tpu.memory_space<hbm>>
        %dma_wait3A_124 = arith.constant 0 : i32
        %dma_wait3A_125 = arith.constant 0 : i32
        %dma_wait3A_126 = tpu.memref_slice %arg9[%run_scoped3A, %dma_wait3A_124, %dma_wait3A_125] : memref<2x128x128xf32, #tpu.memory_space<vmem>> -> memref<1x128x128xf32, #tpu.memory_space<vmem>>
        %dma_wait3A_127 = tpu.memref_squeeze %dma_wait3A_126 : memref<1x128x128xf32, #tpu.memory_space<vmem>> -> memref<128x128xf32, #tpu.memory_space<vmem>>
        tpu.wait_dma2 semaphore(%run_scoped3A_103 : memref<!tpu.dma_semaphore, #tpu.memory_space<semaphore_mem>>) src(%dma_wait3A_127 : memref<128x128xf32, #tpu.memory_space<vmem>>) dst(%dma_wait3A_123 : memref<128x128xf32, #tpu.memory_space<hbm>>)
        tpu.yield
      }) : () -> ()
      %add3A_73 = arith.constant 2 : i32
      %add3A_74 = arith.addi %add3A_60, %add3A_73 : i32
      %lt3A = arith.constant 16 : i32
      %lt3A_75 = arith.cmpi slt, %add3A_74, %lt3A : i32
      %convert_element_type3A = arith.extui %lt3A_75 : i1 to i32
      %cond3A = arith.constant 0 : i32
      %cond3A_76 = arith.cmpi ne, %convert_element_type3A, %cond3A : i32
      scf.if %cond3A_76 {
        %add3A_103 = arith.constant 2 : i32
        %add3A_104 = arith.addi %add3A_60, %add3A_103 : i32
        %mul3A_105 = arith.constant 128 : i32
        %mul3A_106 = arith.muli %add3A_104, %mul3A_105 : i32
        %dma_start3A_107 = arith.constant 0 : i32
        %dma_start3A_108 = arith.constant 0 : i32
        %dma_start3A_109 = arith.constant 0 : i32
        %dma_start3A_110 = tpu.memref_slice %arg9[%dma_start3A_107, %dma_start3A_108, %dma_start3A_109] : memref<2x128x128xf32, #tpu.memory_space<vmem>> -> memref<1x128x128xf32, #tpu.memory_space<vmem>>
        %dma_start3A_111 = tpu.memref_squeeze %dma_start3A_110 : memref<1x128x128xf32, #tpu.memory_space<vmem>> -> memref<128x128xf32, #tpu.memory_space<vmem>>
        %dma_start3A_112 = tpu.memref_slice %arg8[%mul3A_106] : memref<2048xi32, #tpu.memory_space<vmem>> -> memref<128xi32, #tpu.memory_space<vmem>>
        %dma_start3A_113 = arith.constant 0 : i32
        %dma_start3A_114 = arith.constant 0 : i32
        %dma_start3A_115 = tpu.memref_slice %arg4[%dma_start3A_113, %dma_start3A_114] : memref<66560x128xf32, #tpu.memory_space<hbm>> -> memref<66560x128xf32, #tpu.memory_space<hbm>>
        tpu.enqueue_indirect_dma source(%dma_start3A_115 : memref<66560x128xf32, #tpu.memory_space<hbm>>) target(%dma_start3A_111 : memref<128x128xf32, #tpu.memory_space<vmem>>) offsets(%dma_start3A_112 : memref<128xi32, #tpu.memory_space<vmem>>) semaphore(%arg10 : memref<!tpu.dma_semaphore, #tpu.memory_space<semaphore_mem>>)
      } else {
      }
      %mul3A_77 = arith.constant 2 : i32
      %mul3A_78 = arith.muli %scan3A_55, %mul3A_77 : i32
      %add3A_79 = arith.constant 1 : i32
      %add3A_80 = arith.addi %mul3A_78, %add3A_79 : i32
      %dma_wait3A_81 = arith.constant 1 : i32
      %dma_wait3A_82 = arith.constant 0 : i32
      %dma_wait3A_83 = arith.constant 0 : i32
      %dma_wait3A_84 = tpu.memref_slice %arg9[%dma_wait3A_81, %dma_wait3A_82, %dma_wait3A_83] : memref<2x128x128xf32, #tpu.memory_space<vmem>> -> memref<1x128x128xf32, #tpu.memory_space<vmem>>
      %dma_wait3A_85 = tpu.memref_squeeze %dma_wait3A_84 : memref<1x128x128xf32, #tpu.memory_space<vmem>> -> memref<128x128xf32, #tpu.memory_space<vmem>>
      %dma_wait3A_86 = arith.constant 0 : i32
      %dma_wait3A_87 = tpu.memref_slice %arg8[%dma_wait3A_86] : memref<2048xi32, #tpu.memory_space<vmem>> -> memref<128xi32, #tpu.memory_space<vmem>>
      %dma_wait3A_88 = arith.constant 0 : i32
      %dma_wait3A_89 = arith.constant 0 : i32
      %dma_wait3A_90 = tpu.memref_slice %arg4[%dma_wait3A_88, %dma_wait3A_89] : memref<66560x128xf32, #tpu.memory_space<hbm>> -> memref<66560x128xf32, #tpu.memory_space<hbm>>
      tpu.wait_indirect_dma semaphore(%arg11 : memref<!tpu.dma_semaphore, #tpu.memory_space<semaphore_mem>>) src(%dma_wait3A_90 : memref<66560x128xf32, #tpu.memory_space<hbm>>) dst(%dma_wait3A_85 : memref<128x128xf32, #tpu.memory_space<vmem>>)
      %mul3A_91 = arith.constant 128 : i32
      %mul3A_92 = arith.muli %add3A_80, %mul3A_91 : i32
      %add3A_93 = arith.addi %mul3A_2, %mul3A_92 : i32
      %run_scoped3A_94 = arith.constant 1 : i32
      "tpu.region"() ({
        %run_scoped3A_103 = tpu.sem_alloc : memref<!tpu.dma_semaphore, #tpu.memory_space<semaphore_mem>>
        %dma_start3A_104 = arith.constant 0 : i32
        %dma_start3A_105 = arith.constant 0 : i32
        %dma_start3A_106 = tpu.memref_slice %arg9[%run_scoped3A_94, %dma_start3A_104, %dma_start3A_105] : memref<2x128x128xf32, #tpu.memory_space<vmem>> -> memref<1x128x128xf32, #tpu.memory_space<vmem>>
        %dma_start3A_107 = tpu.memref_squeeze %dma_start3A_106 : memref<1x128x128xf32, #tpu.memory_space<vmem>> -> memref<128x128xf32, #tpu.memory_space<vmem>>
        %dma_start3A_108 = arith.constant 0 : i32
        %dma_start3A_109 = tpu.memref_slice %arg5[%add3A_93, %dma_start3A_108] : memref<65536x128xf32, #tpu.memory_space<hbm>> -> memref<128x128xf32, #tpu.memory_space<hbm>>
        %dma_start3A_110 = arith.constant 0 : i32
        %dma_start3A_111 = tpu.memref_slice %arg5[%add3A_93, %dma_start3A_110] : memref<65536x128xf32, #tpu.memory_space<hbm>> -> memref<128x128xf32, #tpu.memory_space<hbm>>
        %dma_start3A_112 = arith.constant 0 : i32
        %dma_start3A_113 = arith.constant 0 : i32
        %dma_start3A_114 = tpu.memref_slice %arg9[%run_scoped3A_94, %dma_start3A_112, %dma_start3A_113] : memref<2x128x128xf32, #tpu.memory_space<vmem>> -> memref<1x128x128xf32, #tpu.memory_space<vmem>>
        %dma_start3A_115 = tpu.memref_squeeze %dma_start3A_114 : memref<1x128x128xf32, #tpu.memory_space<vmem>> -> memref<128x128xf32, #tpu.memory_space<vmem>>
        tpu.enqueue_dma source(%dma_start3A_115 : memref<128x128xf32, #tpu.memory_space<vmem>>) target(%dma_start3A_111 : memref<128x128xf32, #tpu.memory_space<hbm>>) target_semaphore(%run_scoped3A_103 : memref<!tpu.dma_semaphore, #tpu.memory_space<semaphore_mem>>)
        %dma_wait3A_116 = arith.constant 0 : i32
        %dma_wait3A_117 = arith.constant 0 : i32
        %dma_wait3A_118 = tpu.memref_slice %arg9[%run_scoped3A_94, %dma_wait3A_116, %dma_wait3A_117] : memref<2x128x128xf32, #tpu.memory_space<vmem>> -> memref<1x128x128xf32, #tpu.memory_space<vmem>>
        %dma_wait3A_119 = tpu.memref_squeeze %dma_wait3A_118 : memref<1x128x128xf32, #tpu.memory_space<vmem>> -> memref<128x128xf32, #tpu.memory_space<vmem>>
        %dma_wait3A_120 = arith.constant 0 : i32
        %dma_wait3A_121 = tpu.memref_slice %arg5[%add3A_93, %dma_wait3A_120] : memref<65536x128xf32, #tpu.memory_space<hbm>> -> memref<128x128xf32, #tpu.memory_space<hbm>>
        %dma_wait3A_122 = arith.constant 0 : i32
        %dma_wait3A_123 = tpu.memref_slice %arg5[%add3A_93, %dma_wait3A_122] : memref<65536x128xf32, #tpu.memory_space<hbm>> -> memref<128x128xf32, #tpu.memory_space<hbm>>
        %dma_wait3A_124 = arith.constant 0 : i32
        %dma_wait3A_125 = arith.constant 0 : i32
        %dma_wait3A_126 = tpu.memref_slice %arg9[%run_scoped3A_94, %dma_wait3A_124, %dma_wait3A_125] : memref<2x128x128xf32, #tpu.memory_space<vmem>> -> memref<1x128x128xf32, #tpu.memory_space<vmem>>
        %dma_wait3A_127 = tpu.memref_squeeze %dma_wait3A_126 : memref<1x128x128xf32, #tpu.memory_space<vmem>> -> memref<128x128xf32, #tpu.memory_space<vmem>>
        tpu.wait_dma2 semaphore(%run_scoped3A_103 : memref<!tpu.dma_semaphore, #tpu.memory_space<semaphore_mem>>) src(%dma_wait3A_127 : memref<128x128xf32, #tpu.memory_space<vmem>>) dst(%dma_wait3A_123 : memref<128x128xf32, #tpu.memory_space<hbm>>)
        tpu.yield
      }) : () -> ()
      %add3A_95 = arith.constant 2 : i32
      %add3A_96 = arith.addi %add3A_80, %add3A_95 : i32
      %lt3A_97 = arith.constant 16 : i32
      %lt3A_98 = arith.cmpi slt, %add3A_96, %lt3A_97 : i32
      %convert_element_type3A_99 = arith.extui %lt3A_98 : i1 to i32
      %cond3A_100 = arith.constant 0 : i32
      %cond3A_101 = arith.cmpi ne, %convert_element_type3A_99, %cond3A_100 : i32
      scf.if %cond3A_101 {
        %add3A_103 = arith.constant 2 : i32
        %add3A_104 = arith.addi %add3A_80, %add3A_103 : i32
        %mul3A_105 = arith.constant 128 : i32
        %mul3A_106 = arith.muli %add3A_104, %mul3A_105 : i32
        %dma_start3A_107 = arith.constant 1 : i32
        %dma_start3A_108 = arith.constant 0 : i32
        %dma_start3A_109 = arith.constant 0 : i32
        %dma_start3A_110 = tpu.memref_slice %arg9[%dma_start3A_107, %dma_start3A_108, %dma_start3A_109] : memref<2x128x128xf32, #tpu.memory_space<vmem>> -> memref<1x128x128xf32, #tpu.memory_space<vmem>>
        %dma_start3A_111 = tpu.memref_squeeze %dma_start3A_110 : memref<1x128x128xf32, #tpu.memory_space<vmem>> -> memref<128x128xf32, #tpu.memory_space<vmem>>
        %dma_start3A_112 = tpu.memref_slice %arg8[%mul3A_106] : memref<2048xi32, #tpu.memory_space<vmem>> -> memref<128xi32, #tpu.memory_space<vmem>>
        %dma_start3A_113 = arith.constant 0 : i32
        %dma_start3A_114 = arith.constant 0 : i32
        %dma_start3A_115 = tpu.memref_slice %arg4[%dma_start3A_113, %dma_start3A_114] : memref<66560x128xf32, #tpu.memory_space<hbm>> -> memref<66560x128xf32, #tpu.memory_space<hbm>>
        tpu.enqueue_indirect_dma source(%dma_start3A_115 : memref<66560x128xf32, #tpu.memory_space<hbm>>) target(%dma_start3A_111 : memref<128x128xf32, #tpu.memory_space<vmem>>) offsets(%dma_start3A_112 : memref<128xi32, #tpu.memory_space<vmem>>) semaphore(%arg11 : memref<!tpu.dma_semaphore, #tpu.memory_space<semaphore_mem>>)
      } else {
      }
      %scan3A_102 = arith.constant 0 : i32
      scf.yield %scan3A_102 : i32
    }
    %scan3A_54 = arith.constant 8 : i32
    return
  }
}

#map = affine_map<(d0, d1) -> (0)>
#map1 = affine_map<(d0, d1) -> (0, 0)>
module attributes {stable_mosaic.version = 14 : i64} {
  func.func @k(%arg0: i32, %arg1: i32, %arg2: memref<65536xf32, #tpu.memory_space<hbm>>, %arg3: memref<65536xf32, #tpu.memory_space<hbm>>, %arg4: memref<66560x128xf32, #tpu.memory_space<hbm>>, %arg5: memref<65536x128xf32, #tpu.memory_space<hbm>>, %arg6: memref<2048xf32, #tpu.memory_space<vmem>>, %arg7: memref<2048xf32, #tpu.memory_space<vmem>>, %arg8: memref<2048xi32, #tpu.memory_space<vmem>>, %arg9: memref<2x128x128xf32, #tpu.memory_space<vmem>>, %arg10: memref<!tpu.dma_semaphore, #tpu.memory_space<semaphore_mem>>, %arg11: memref<!tpu.dma_semaphore, #tpu.memory_space<semaphore_mem>>) attributes {dimension_semantics = [#tpu.dimension_semantics<core_parallel>, #tpu.dimension_semantics<subcore_parallel>], iteration_bounds = array<i64: 2, 16>, scalar_prefetch = 0 : i64, scratch_operands = 6 : i64, tpu.core_type = #tpu.core_type<sc_vector_subcore>, window_params = [{transform_indices = #map}, {transform_indices = #map}, {transform_indices = #map1}, {transform_indices = #map1}]} {
    %mul3A = arith.constant 2 : i32
    %mul3A_0 = arith.muli %arg1, %mul3A : i32
    %add3A = arith.addi %mul3A_0, %arg0 : i32
    %mul3A_1 = arith.constant 2048 : i32
    %mul3A_2 = arith.muli %add3A, %mul3A_1 : i32
    "tpu.region"() ({
      %run_scoped3A = tpu.sem_alloc : memref<!tpu.dma_semaphore, #tpu.memory_space<semaphore_mem>>
      %dma_start3A_55 = tpu.memref_slice %arg2[%mul3A_2] : memref<65536xf32, #tpu.memory_space<hbm>> -> memref<2048xf32, #tpu.memory_space<hbm>>
      %dma_start3A_56 = tpu.memref_slice %arg2[%mul3A_2] : memref<65536xf32, #tpu.memory_space<hbm>> -> memref<2048xf32, #tpu.memory_space<hbm>>
      tpu.enqueue_dma source(%dma_start3A_56 : memref<2048xf32, #tpu.memory_space<hbm>>) target(%arg6 : memref<2048xf32, #tpu.memory_space<vmem>>) target_semaphore(%run_scoped3A : memref<!tpu.dma_semaphore, #tpu.memory_space<semaphore_mem>>)
      %dma_wait3A = tpu.memref_slice %arg2[%mul3A_2] : memref<65536xf32, #tpu.memory_space<hbm>> -> memref<2048xf32, #tpu.memory_space<hbm>>
      %dma_wait3A_57 = tpu.memref_slice %arg2[%mul3A_2] : memref<65536xf32, #tpu.memory_space<hbm>> -> memref<2048xf32, #tpu.memory_space<hbm>>
      tpu.wait_dma2 semaphore(%run_scoped3A : memref<!tpu.dma_semaphore, #tpu.memory_space<semaphore_mem>>) src(%dma_wait3A_57 : memref<2048xf32, #tpu.memory_space<hbm>>) dst(%arg6 : memref<2048xf32, #tpu.memory_space<vmem>>)
      tpu.yield
    }) : () -> ()
    "tpu.region"() ({
      %run_scoped3A = tpu.sem_alloc : memref<!tpu.dma_semaphore, #tpu.memory_space<semaphore_mem>>
      %dma_start3A_55 = tpu.memref_slice %arg3[%mul3A_2] : memref<65536xf32, #tpu.memory_space<hbm>> -> memref<2048xf32, #tpu.memory_space<hbm>>
      %dma_start3A_56 = tpu.memref_slice %arg3[%mul3A_2] : memref<65536xf32, #tpu.memory_space<hbm>> -> memref<2048xf32, #tpu.memory_space<hbm>>
      tpu.enqueue_dma source(%dma_start3A_56 : memref<2048xf32, #tpu.memory_space<hbm>>) target(%arg7 : memref<2048xf32, #tpu.memory_space<vmem>>) target_semaphore(%run_scoped3A : memref<!tpu.dma_semaphore, #tpu.memory_space<semaphore_mem>>)
      %dma_wait3A = tpu.memref_slice %arg3[%mul3A_2] : memref<65536xf32, #tpu.memory_space<hbm>> -> memref<2048xf32, #tpu.memory_space<hbm>>
      %dma_wait3A_57 = tpu.memref_slice %arg3[%mul3A_2] : memref<65536xf32, #tpu.memory_space<hbm>> -> memref<2048xf32, #tpu.memory_space<hbm>>
      tpu.wait_dma2 semaphore(%run_scoped3A : memref<!tpu.dma_semaphore, #tpu.memory_space<semaphore_mem>>) src(%dma_wait3A_57 : memref<2048xf32, #tpu.memory_space<hbm>>) dst(%arg7 : memref<2048xf32, #tpu.memory_space<vmem>>)
      tpu.yield
    }) : () -> ()
    %add3A_3 = arith.constant 0 : i32
    %add3A_4 = arith.addi %add3A_3, %mul3A_2 : i32
    %jit3A = arith.constant 65536 : i32
    %div3A = arith.divsi %add3A_4, %jit3A : i32
    %sign3A = arith.constant 0 : i32
    %sign3A_5 = arith.cmpi sgt, %add3A_4, %sign3A : i32
    %sign3A_6 = arith.extui %sign3A_5 : i1 to i32
    %sign3A_7 = arith.constant 0 : i32
    %sign3A_8 = arith.cmpi slt, %add3A_4, %sign3A_7 : i32
    %sign3A_9 = arith.extui %sign3A_8 : i1 to i32
    %sign3A_10 = arith.subi %sign3A_6, %sign3A_9 : i32
    %sign3A_11 = arith.constant 0 : i32
    %sign3A_12 = arith.cmpi sgt, %jit3A, %sign3A_11 : i32
    %sign3A_13 = arith.extui %sign3A_12 : i1 to i32
    %sign3A_14 = arith.constant 0 : i32
    %sign3A_15 = arith.cmpi slt, %jit3A, %sign3A_14 : i32
    %sign3A_16 = arith.extui %sign3A_15 : i1 to i32
    %sign3A_17 = arith.subi %sign3A_13, %sign3A_16 : i32
    %ne3A = arith.cmpi ne, %sign3A_10, %sign3A_17 : i32
    %rem3A = arith.remsi %add3A_4, %jit3A : i32
    %ne3A_18 = arith.constant 0 : i32
    %ne3A_19 = arith.cmpi ne, %rem3A, %ne3A_18 : i32
    %and3A = arith.andi %ne3A, %ne3A_19 : i1
    %sub3A = arith.constant 1 : i32
    %sub3A_20 = arith.subi %div3A, %sub3A : i32
    %select_n3A = arith.select %and3A, %sub3A_20, %div3A : i32
    %mul3A_21 = arith.constant 16640 : i32
    %mul3A_22 = arith.muli %select_n3A, %mul3A_21 : i32
    %scan3A = arith.constant 0 : i32
    %scan3A_23 = arith.constant 0 : i32
    %scan3A_24 = arith.constant 128 : i32
    %scan3A_25 = arith.addi %scan3A_23, %scan3A_24 : i32
    %scan3A_26 = arith.constant 1 : i32
    %scan3A_27 = scf.for %scan3A_55 = %scan3A_23 to %scan3A_25 step %scan3A_26 iter_args(%scan3A_56 = %scan3A) -> (i32)  : i32 {
      %mul3A_57 = arith.constant 16 : i32
      %mul3A_58 = arith.muli %scan3A_55, %mul3A_57 : i32
      %get3A = arith.index_cast %mul3A_58 : i32 to index
      %get3A_59 = tpu.vector_load %arg6[%get3A] {strides = array<i32>} : memref<2048xf32, #tpu.memory_space<vmem>>, vector<16xf32>,
      %get3A_60 = vector.shape_cast %get3A_59 : vector<16xf32> to vector<16xf32>
      %get3A_61 = arith.index_cast %mul3A_58 : i32 to index
      %get3A_62 = tpu.vector_load %arg7[%get3A_61] {strides = array<i32>} : memref<2048xf32, #tpu.memory_space<vmem>>, vector<16xf32>,
      %get3A_63 = vector.shape_cast %get3A_62 : vector<16xf32> to vector<16xf32>
      %add3A_64 = arith.constant 1.000000e+00 : f32
      %add3A_65 = vector.broadcast %add3A_64 : f32 to vector<16xf32>
      %add3A_66 = arith.addf %get3A_60, %add3A_65 : vector<16xf32>
      %mul3A_67 = arith.constant 6.400000e+01 : f32
      %mul3A_68 = vector.broadcast %mul3A_67 : f32 to vector<16xf32>
      %mul3A_69 = arith.mulf %add3A_66, %mul3A_68 : vector<16xf32>
      %sub3A_70 = arith.constant 5.000000e-01 : f32
      %sub3A_71 = vector.broadcast %sub3A_70 : f32 to vector<16xf32>
      %sub3A_72 = arith.subf %mul3A_69, %sub3A_71 : vector<16xf32>
      %add3A_73 = arith.constant 1.000000e+00 : f32
      %add3A_74 = vector.broadcast %add3A_73 : f32 to vector<16xf32>
      %add3A_75 = arith.addf %get3A_63, %add3A_74 : vector<16xf32>
      %mul3A_76 = arith.constant 6.400000e+01 : f32
      %mul3A_77 = vector.broadcast %mul3A_76 : f32 to vector<16xf32>
      %mul3A_78 = arith.mulf %add3A_75, %mul3A_77 : vector<16xf32>
      %sub3A_79 = arith.constant 5.000000e-01 : f32
      %sub3A_80 = vector.broadcast %sub3A_79 : f32 to vector<16xf32>
      %sub3A_81 = arith.subf %mul3A_78, %sub3A_80 : vector<16xf32>
      %add3A_82 = arith.constant 5.000000e-01 : f32
      %add3A_83 = vector.broadcast %add3A_82 : f32 to vector<16xf32>
      %add3A_84 = arith.addf %sub3A_72, %add3A_83 : vector<16xf32>
      %max3A = arith.constant 0.000000e+00 : f32
      %max3A_85 = vector.broadcast %max3A : f32 to vector<16xf32>
      %max3A_86 = arith.maximumf %add3A_84, %max3A_85 : vector<16xf32>
      %add3A_87 = arith.constant 5.000000e-01 : f32
      %add3A_88 = vector.broadcast %add3A_87 : f32 to vector<16xf32>
      %add3A_89 = arith.addf %sub3A_81, %add3A_88 : vector<16xf32>
      %max3A_90 = arith.constant 0.000000e+00 : f32
      %max3A_91 = vector.broadcast %max3A_90 : f32 to vector<16xf32>
      %max3A_92 = arith.maximumf %add3A_89, %max3A_91 : vector<16xf32>
      %convert_element_type3A = arith.fptosi %max3A_86 : vector<16xf32> to vector<16xi32>
      %min3A = arith.constant 127 : i32
      %min3A_93 = vector.broadcast %min3A : i32 to vector<16xi32>
      %min3A_94 = arith.minsi %convert_element_type3A, %min3A_93 : vector<16xi32>
      %convert_element_type3A_95 = arith.fptosi %max3A_92 : vector<16xf32> to vector<16xi32>
      %min3A_96 = arith.constant 127 : i32
      %min3A_97 = vector.broadcast %min3A_96 : i32 to vector<16xi32>
      %min3A_98 = arith.minsi %convert_element_type3A_95, %min3A_97 : vector<16xi32>
      %mul3A_99 = arith.constant 130 : i32
      %mul3A_100 = vector.broadcast %mul3A_99 : i32 to vector<16xi32>
      %mul3A_101 = arith.muli %min3A_98, %mul3A_100 : vector<16xi32>
      %add3A_102 = vector.broadcast %mul3A_22 : i32 to vector<16xi32>
      %add3A_103 = arith.addi %add3A_102, %mul3A_101 : vector<16xi32>
      %add3A_104 = arith.addi %add3A_103, %min3A_94 : vector<16xi32>
      %swap3A = arith.index_cast %mul3A_58 : i32 to index
      %swap3A_105 = tpu.vector_load %arg8[%swap3A] {strides = array<i32>} : memref<2048xi32, #tpu.memory_space<vmem>>, vector<16xi32>,
      %swap3A_106 = vector.shape_cast %swap3A_105 : vector<16xi32> to vector<16xi32>
      %swap3A_107 = vector.shape_cast %add3A_104 : vector<16xi32> to vector<16xi32>
      tpu.vector_store %arg8[%swap3A], %swap3A_107 {strides = array<i32>} : memref<2048xi32, #tpu.memory_space<vmem>>, vector<16xi32>,
      %scan3A_108 = arith.constant 0 : i32
      scf.yield %scan3A_108 : i32
    }
    %scan3A_28 = arith.constant 128 : i32
    %dma_start3A = arith.constant 0 : i32
    %dma_start3A_29 = arith.constant 0 : i32
    %dma_start3A_30 = arith.constant 0 : i32
    %dma_start3A_31 = tpu.memref_slice %arg9[%dma_start3A, %dma_start3A_29, %dma_start3A_30] : memref<2x128x128xf32, #tpu.memory_space<vmem>> -> memref<1x128x128xf32, #tpu.memory_space<vmem>>
    %dma_start3A_32 = tpu.memref_squeeze %dma_start3A_31 : memref<1x128x128xf32, #tpu.memory_space<vmem>> -> memref<128x128xf32, #tpu.memory_space<vmem>>
    %dma_start3A_33 = arith.constant 0 : i32
    %dma_start3A_34 = tpu.memref_slice %arg8[%dma_start3A_33] : memref<2048xi32, #tpu.memory_space<vmem>> -> memref<128xi32, #tpu.memory_space<vmem>>
    %dma_start3A_35 = arith.constant 0 : i32
    %dma_start3A_36 = arith.constant 0 : i32
    %dma_start3A_37 = tpu.memref_slice %arg4[%dma_start3A_35, %dma_start3A_36] : memref<66560x128xf32, #tpu.memory_space<hbm>> -> memref<66560x128xf32, #tpu.memory_space<hbm>>
    tpu.enqueue_indirect_dma source(%dma_start3A_37 : memref<66560x128xf32, #tpu.memory_space<hbm>>) target(%dma_start3A_32 : memref<128x128xf32, #tpu.memory_space<vmem>>) offsets(%dma_start3A_34 : memref<128xi32, #tpu.memory_space<vmem>>) semaphore(%arg10 : memref<!tpu.dma_semaphore, #tpu.memory_space<semaphore_mem>>)
    %dma_start3A_38 = arith.constant 1 : i32
    %dma_start3A_39 = arith.constant 0 : i32
    %dma_start3A_40 = arith.constant 0 : i32
    %dma_start3A_41 = tpu.memref_slice %arg9[%dma_start3A_38, %dma_start3A_39, %dma_start3A_40] : memref<2x128x128xf32, #tpu.memory_space<vmem>> -> memref<1x128x128xf32, #tpu.memory_space<vmem>>
    %dma_start3A_42 = tpu.memref_squeeze %dma_start3A_41 : memref<1x128x128xf32, #tpu.memory_space<vmem>> -> memref<128x128xf32, #tpu.memory_space<vmem>>
    %dma_start3A_43 = arith.constant 128 : i32
    %dma_start3A_44 = tpu.memref_slice %arg8[%dma_start3A_43] : memref<2048xi32, #tpu.memory_space<vmem>> -> memref<128xi32, #tpu.memory_space<vmem>>
    %dma_start3A_45 = arith.constant 0 : i32
    %dma_start3A_46 = arith.constant 0 : i32
    %dma_start3A_47 = tpu.memref_slice %arg4[%dma_start3A_45, %dma_start3A_46] : memref<66560x128xf32, #tpu.memory_space<hbm>> -> memref<66560x128xf32, #tpu.memory_space<hbm>>
    tpu.enqueue_indirect_dma source(%dma_start3A_47 : memref<66560x128xf32, #tpu.memory_space<hbm>>) target(%dma_start3A_42 : memref<128x128xf32, #tpu.memory_space<vmem>>) offsets(%dma_start3A_44 : memref<128xi32, #tpu.memory_space<vmem>>) semaphore(%arg11 : memref<!tpu.dma_semaphore, #tpu.memory_space<semaphore_mem>>)
    %scan3A_48 = arith.constant 0 : i32
    %scan3A_49 = arith.constant 0 : i32
    %scan3A_50 = arith.constant 8 : i32
    %scan3A_51 = arith.addi %scan3A_49, %scan3A_50 : i32
    %scan3A_52 = arith.constant 1 : i32
    %scan3A_53 = scf.for %scan3A_55 = %scan3A_49 to %scan3A_51 step %scan3A_52 iter_args(%scan3A_56 = %scan3A_48) -> (i32)  : i32 {
      %mul3A_57 = arith.constant 2 : i32
      %mul3A_58 = arith.muli %scan3A_55, %mul3A_57 : i32
      %add3A_59 = arith.constant 0 : i32
      %add3A_60 = arith.addi %mul3A_58, %add3A_59 : i32
      %dma_wait3A = arith.constant 0 : i32
      %dma_wait3A_61 = arith.constant 0 : i32
      %dma_wait3A_62 = arith.constant 0 : i32
      %dma_wait3A_63 = tpu.memref_slice %arg9[%dma_wait3A, %dma_wait3A_61, %dma_wait3A_62] : memref<2x128x128xf32, #tpu.memory_space<vmem>> -> memref<1x128x128xf32, #tpu.memory_space<vmem>>
      %dma_wait3A_64 = tpu.memref_squeeze %dma_wait3A_63 : memref<1x128x128xf32, #tpu.memory_space<vmem>> -> memref<128x128xf32, #tpu.memory_space<vmem>>
      %dma_wait3A_65 = arith.constant 0 : i32
      %dma_wait3A_66 = tpu.memref_slice %arg8[%dma_wait3A_65] : memref<2048xi32, #tpu.memory_space<vmem>> -> memref<128xi32, #tpu.memory_space<vmem>>
      %dma_wait3A_67 = arith.constant 0 : i32
      %dma_wait3A_68 = arith.constant 0 : i32
      %dma_wait3A_69 = tpu.memref_slice %arg4[%dma_wait3A_67, %dma_wait3A_68] : memref<66560x128xf32, #tpu.memory_space<hbm>> -> memref<66560x128xf32, #tpu.memory_space<hbm>>
      tpu.wait_indirect_dma semaphore(%arg10 : memref<!tpu.dma_semaphore, #tpu.memory_space<semaphore_mem>>) src(%dma_wait3A_69 : memref<66560x128xf32, #tpu.memory_space<hbm>>) dst(%dma_wait3A_64 : memref<128x128xf32, #tpu.memory_space<vmem>>)
      %mul3A_70 = arith.constant 128 : i32
      %mul3A_71 = arith.muli %add3A_60, %mul3A_70 : i32
      %add3A_72 = arith.addi %mul3A_2, %mul3A_71 : i32
      %run_scoped3A = arith.constant 0 : i32
      "tpu.region"() ({
        %run_scoped3A_103 = tpu.sem_alloc : memref<!tpu.dma_semaphore, #tpu.memory_space<semaphore_mem>>
        %dma_start3A_104 = arith.constant 0 : i32
        %dma_start3A_105 = arith.constant 0 : i32
        %dma_start3A_106 = tpu.memref_slice %arg9[%run_scoped3A, %dma_start3A_104, %dma_start3A_105] : memref<2x128x128xf32, #tpu.memory_space<vmem>> -> memref<1x128x128xf32, #tpu.memory_space<vmem>>
        %dma_start3A_107 = tpu.memref_squeeze %dma_start3A_106 : memref<1x128x128xf32, #tpu.memory_space<vmem>> -> memref<128x128xf32, #tpu.memory_space<vmem>>
        %dma_start3A_108 = arith.constant 0 : i32
        %dma_start3A_109 = tpu.memref_slice %arg5[%add3A_72, %dma_start3A_108] : memref<65536x128xf32, #tpu.memory_space<hbm>> -> memref<128x128xf32, #tpu.memory_space<hbm>>
        %dma_start3A_110 = arith.constant 0 : i32
        %dma_start3A_111 = tpu.memref_slice %arg5[%add3A_72, %dma_start3A_110] : memref<65536x128xf32, #tpu.memory_space<hbm>> -> memref<128x128xf32, #tpu.memory_space<hbm>>
        %dma_start3A_112 = arith.constant 0 : i32
        %dma_start3A_113 = arith.constant 0 : i32
        %dma_start3A_114 = tpu.memref_slice %arg9[%run_scoped3A, %dma_start3A_112, %dma_start3A_113] : memref<2x128x128xf32, #tpu.memory_space<vmem>> -> memref<1x128x128xf32, #tpu.memory_space<vmem>>
        %dma_start3A_115 = tpu.memref_squeeze %dma_start3A_114 : memref<1x128x128xf32, #tpu.memory_space<vmem>> -> memref<128x128xf32, #tpu.memory_space<vmem>>
        tpu.enqueue_dma source(%dma_start3A_115 : memref<128x128xf32, #tpu.memory_space<vmem>>) target(%dma_start3A_111 : memref<128x128xf32, #tpu.memory_space<hbm>>) target_semaphore(%run_scoped3A_103 : memref<!tpu.dma_semaphore, #tpu.memory_space<semaphore_mem>>)
        %dma_wait3A_116 = arith.constant 0 : i32
        %dma_wait3A_117 = arith.constant 0 : i32
        %dma_wait3A_118 = tpu.memref_slice %arg9[%run_scoped3A, %dma_wait3A_116, %dma_wait3A_117] : memref<2x128x128xf32, #tpu.memory_space<vmem>> -> memref<1x128x128xf32, #tpu.memory_space<vmem>>
        %dma_wait3A_119 = tpu.memref_squeeze %dma_wait3A_118 : memref<1x128x128xf32, #tpu.memory_space<vmem>> -> memref<128x128xf32, #tpu.memory_space<vmem>>
        %dma_wait3A_120 = arith.constant 0 : i32
        %dma_wait3A_121 = tpu.memref_slice %arg5[%add3A_72, %dma_wait3A_120] : memref<65536x128xf32, #tpu.memory_space<hbm>> -> memref<128x128xf32, #tpu.memory_space<hbm>>
        %dma_wait3A_122 = arith.constant 0 : i32
        %dma_wait3A_123 = tpu.memref_slice %arg5[%add3A_72, %dma_wait3A_122] : memref<65536x128xf32, #tpu.memory_space<hbm>> -> memref<128x128xf32, #tpu.memory_space<hbm>>
        %dma_wait3A_124 = arith.constant 0 : i32
        %dma_wait3A_125 = arith.constant 0 : i32
        %dma_wait3A_126 = tpu.memref_slice %arg9[%run_scoped3A, %dma_wait3A_124, %dma_wait3A_125] : memref<2x128x128xf32, #tpu.memory_space<vmem>> -> memref<1x128x128xf32, #tpu.memory_space<vmem>>
        %dma_wait3A_127 = tpu.memref_squeeze %dma_wait3A_126 : memref<1x128x128xf32, #tpu.memory_space<vmem>> -> memref<128x128xf32, #tpu.memory_space<vmem>>
        tpu.wait_dma2 semaphore(%run_scoped3A_103 : memref<!tpu.dma_semaphore, #tpu.memory_space<semaphore_mem>>) src(%dma_wait3A_127 : memref<128x128xf32, #tpu.memory_space<vmem>>) dst(%dma_wait3A_123 : memref<128x128xf32, #tpu.memory_space<hbm>>)
        tpu.yield
      }) : () -> ()
      %add3A_73 = arith.constant 2 : i32
      %add3A_74 = arith.addi %add3A_60, %add3A_73 : i32
      %lt3A = arith.constant 16 : i32
      %lt3A_75 = arith.cmpi slt, %add3A_74, %lt3A : i32
      %convert_element_type3A = arith.extui %lt3A_75 : i1 to i32
      %cond3A = arith.constant 0 : i32
      %cond3A_76 = arith.cmpi ne, %convert_element_type3A, %cond3A : i32
      scf.if %cond3A_76 {
        %add3A_103 = arith.constant 2 : i32
        %add3A_104 = arith.addi %add3A_60, %add3A_103 : i32
        %mul3A_105 = arith.constant 128 : i32
        %mul3A_106 = arith.muli %add3A_104, %mul3A_105 : i32
        %dma_start3A_107 = arith.constant 0 : i32
        %dma_start3A_108 = arith.constant 0 : i32
        %dma_start3A_109 = arith.constant 0 : i32
        %dma_start3A_110 = tpu.memref_slice %arg9[%dma_start3A_107, %dma_start3A_108, %dma_start3A_109] : memref<2x128x128xf32, #tpu.memory_space<vmem>> -> memref<1x128x128xf32, #tpu.memory_space<vmem>>
        %dma_start3A_111 = tpu.memref_squeeze %dma_start3A_110 : memref<1x128x128xf32, #tpu.memory_space<vmem>> -> memref<128x128xf32, #tpu.memory_space<vmem>>
        %dma_start3A_112 = tpu.memref_slice %arg8[%mul3A_106] : memref<2048xi32, #tpu.memory_space<vmem>> -> memref<128xi32, #tpu.memory_space<vmem>>
        %dma_start3A_113 = arith.constant 0 : i32
        %dma_start3A_114 = arith.constant 0 : i32
        %dma_start3A_115 = tpu.memref_slice %arg4[%dma_start3A_113, %dma_start3A_114] : memref<66560x128xf32, #tpu.memory_space<hbm>> -> memref<66560x128xf32, #tpu.memory_space<hbm>>
        tpu.enqueue_indirect_dma source(%dma_start3A_115 : memref<66560x128xf32, #tpu.memory_space<hbm>>) target(%dma_start3A_111 : memref<128x128xf32, #tpu.memory_space<vmem>>) offsets(%dma_start3A_112 : memref<128xi32, #tpu.memory_space<vmem>>) semaphore(%arg10 : memref<!tpu.dma_semaphore, #tpu.memory_space<semaphore_mem>>)
      } else {
      }
      %mul3A_77 = arith.constant 2 : i32
      %mul3A_78 = arith.muli %scan3A_55, %mul3A_77 : i32
      %add3A_79 = arith.constant 1 : i32
      %add3A_80 = arith.addi %mul3A_78, %add3A_79 : i32
      %dma_wait3A_81 = arith.constant 1 : i32
      %dma_wait3A_82 = arith.constant 0 : i32
      %dma_wait3A_83 = arith.constant 0 : i32
      %dma_wait3A_84 = tpu.memref_slice %arg9[%dma_wait3A_81, %dma_wait3A_82, %dma_wait3A_83] : memref<2x128x128xf32, #tpu.memory_space<vmem>> -> memref<1x128x128xf32, #tpu.memory_space<vmem>>
      %dma_wait3A_85 = tpu.memref_squeeze %dma_wait3A_84 : memref<1x128x128xf32, #tpu.memory_space<vmem>> -> memref<128x128xf32, #tpu.memory_space<vmem>>
      %dma_wait3A_86 = arith.constant 0 : i32
      %dma_wait3A_87 = tpu.memref_slice %arg8[%dma_wait3A_86] : memref<2048xi32, #tpu.memory_space<vmem>> -> memref<128xi32, #tpu.memory_space<vmem>>
      %dma_wait3A_88 = arith.constant 0 : i32
      %dma_wait3A_89 = arith.constant 0 : i32
      %dma_wait3A_90 = tpu.memref_slice %arg4[%dma_wait3A_88, %dma_wait3A_89] : memref<66560x128xf32, #tpu.memory_space<hbm>> -> memref<66560x128xf32, #tpu.memory_space<hbm>>
      tpu.wait_indirect_dma semaphore(%arg11 : memref<!tpu.dma_semaphore, #tpu.memory_space<semaphore_mem>>) src(%dma_wait3A_90 : memref<66560x128xf32, #tpu.memory_space<hbm>>) dst(%dma_wait3A_85 : memref<128x128xf32, #tpu.memory_space<vmem>>)
      %mul3A_91 = arith.constant 128 : i32
      %mul3A_92 = arith.muli %add3A_80, %mul3A_91 : i32
      %add3A_93 = arith.addi %mul3A_2, %mul3A_92 : i32
      %run_scoped3A_94 = arith.constant 1 : i32
      "tpu.region"() ({
        %run_scoped3A_103 = tpu.sem_alloc : memref<!tpu.dma_semaphore, #tpu.memory_space<semaphore_mem>>
        %dma_start3A_104 = arith.constant 0 : i32
        %dma_start3A_105 = arith.constant 0 : i32
        %dma_start3A_106 = tpu.memref_slice %arg9[%run_scoped3A_94, %dma_start3A_104, %dma_start3A_105] : memref<2x128x128xf32, #tpu.memory_space<vmem>> -> memref<1x128x128xf32, #tpu.memory_space<vmem>>
        %dma_start3A_107 = tpu.memref_squeeze %dma_start3A_106 : memref<1x128x128xf32, #tpu.memory_space<vmem>> -> memref<128x128xf32, #tpu.memory_space<vmem>>
        %dma_start3A_108 = arith.constant 0 : i32
        %dma_start3A_109 = tpu.memref_slice %arg5[%add3A_93, %dma_start3A_108] : memref<65536x128xf32, #tpu.memory_space<hbm>> -> memref<128x128xf32, #tpu.memory_space<hbm>>
        %dma_start3A_110 = arith.constant 0 : i32
        %dma_start3A_111 = tpu.memref_slice %arg5[%add3A_93, %dma_start3A_110] : memref<65536x128xf32, #tpu.memory_space<hbm>> -> memref<128x128xf32, #tpu.memory_space<hbm>>
        %dma_start3A_112 = arith.constant 0 : i32
        %dma_start3A_113 = arith.constant 0 : i32
        %dma_start3A_114 = tpu.memref_slice %arg9[%run_scoped3A_94, %dma_start3A_112, %dma_start3A_113] : memref<2x128x128xf32, #tpu.memory_space<vmem>> -> memref<1x128x128xf32, #tpu.memory_space<vmem>>
        %dma_start3A_115 = tpu.memref_squeeze %dma_start3A_114 : memref<1x128x128xf32, #tpu.memory_space<vmem>> -> memref<128x128xf32, #tpu.memory_space<vmem>>
        tpu.enqueue_dma source(%dma_start3A_115 : memref<128x128xf32, #tpu.memory_space<vmem>>) target(%dma_start3A_111 : memref<128x128xf32, #tpu.memory_space<hbm>>) target_semaphore(%run_scoped3A_103 : memref<!tpu.dma_semaphore, #tpu.memory_space<semaphore_mem>>)
        %dma_wait3A_116 = arith.constant 0 : i32
        %dma_wait3A_117 = arith.constant 0 : i32
        %dma_wait3A_118 = tpu.memref_slice %arg9[%run_scoped3A_94, %dma_wait3A_116, %dma_wait3A_117] : memref<2x128x128xf32, #tpu.memory_space<vmem>> -> memref<1x128x128xf32, #tpu.memory_space<vmem>>
        %dma_wait3A_119 = tpu.memref_squeeze %dma_wait3A_118 : memref<1x128x128xf32, #tpu.memory_space<vmem>> -> memref<128x128xf32, #tpu.memory_space<vmem>>
        %dma_wait3A_120 = arith.constant 0 : i32
        %dma_wait3A_121 = tpu.memref_slice %arg5[%add3A_93, %dma_wait3A_120] : memref<65536x128xf32, #tpu.memory_space<hbm>> -> memref<128x128xf32, #tpu.memory_space<hbm>>
        %dma_wait3A_122 = arith.constant 0 : i32
        %dma_wait3A_123 = tpu.memref_slice %arg5[%add3A_93, %dma_wait3A_122] : memref<65536x128xf32, #tpu.memory_space<hbm>> -> memref<128x128xf32, #tpu.memory_space<hbm>>
        %dma_wait3A_124 = arith.constant 0 : i32
        %dma_wait3A_125 = arith.constant 0 : i32
        %dma_wait3A_126 = tpu.memref_slice %arg9[%run_scoped3A_94, %dma_wait3A_124, %dma_wait3A_125] : memref<2x128x128xf32, #tpu.memory_space<vmem>> -> memref<1x128x128xf32, #tpu.memory_space<vmem>>
        %dma_wait3A_127 = tpu.memref_squeeze %dma_wait3A_126 : memref<1x128x128xf32, #tpu.memory_space<vmem>> -> memref<128x128xf32, #tpu.memory_space<vmem>>
        tpu.wait_dma2 semaphore(%run_scoped3A_103 : memref<!tpu.dma_semaphore, #tpu.memory_space<semaphore_mem>>) src(%dma_wait3A_127 : memref<128x128xf32, #tpu.memory_space<vmem>>) dst(%dma_wait3A_123 : memref<128x128xf32, #tpu.memory_space<hbm>>)
        tpu.yield
      }) : () -> ()
      %add3A_95 = arith.constant 2 : i32
      %add3A_96 = arith.addi %add3A_80, %add3A_95 : i32
      %lt3A_97 = arith.constant 16 : i32
      %lt3A_98 = arith.cmpi slt, %add3A_96, %lt3A_97 : i32
      %convert_element_type3A_99 = arith.extui %lt3A_98 : i1 to i32
      %cond3A_100 = arith.constant 0 : i32
      %cond3A_101 = arith.cmpi ne, %convert_element_type3A_99, %cond3A_100 : i32
      scf.if %cond3A_101 {
        %add3A_103 = arith.constant 2 : i32
        %add3A_104 = arith.addi %add3A_80, %add3A_103 : i32
        %mul3A_105 = arith.constant 128 : i32
        %mul3A_106 = arith.muli %add3A_104, %mul3A_105 : i32
        %dma_start3A_107 = arith.constant 1 : i32
        %dma_start3A_108 = arith.constant 0 : i32
        %dma_start3A_109 = arith.constant 0 : i32
        %dma_start3A_110 = tpu.memref_slice %arg9[%dma_start3A_107, %dma_start3A_108, %dma_start3A_109] : memref<2x128x128xf32, #tpu.memory_space<vmem>> -> memref<1x128x128xf32, #tpu.memory_space<vmem>>
        %dma_start3A_111 = tpu.memref_squeeze %dma_start3A_110 : memref<1x128x128xf32, #tpu.memory_space<vmem>> -> memref<128x128xf32, #tpu.memory_space<vmem>>
        %dma_start3A_112 = tpu.memref_slice %arg8[%mul3A_106] : memref<2048xi32, #tpu.memory_space<vmem>> -> memref<128xi32, #tpu.memory_space<vmem>>
        %dma_start3A_113 = arith.constant 0 : i32
        %dma_start3A_114 = arith.constant 0 : i32
        %dma_start3A_115 = tpu.memref_slice %arg4[%dma_start3A_113, %dma_start3A_114] : memref<66560x128xf32, #tpu.memory_space<hbm>> -> memref<66560x128xf32, #tpu.memory_space<hbm>>
        tpu.enqueue_indirect_dma source(%dma_start3A_115 : memref<66560x128xf32, #tpu.memory_space<hbm>>) target(%dma_start3A_111 : memref<128x128xf32, #tpu.memory_space<vmem>>) offsets(%dma_start3A_112 : memref<128xi32, #tpu.memory_space<vmem>>) semaphore(%arg11 : memref<!tpu.dma_semaphore, #tpu.memory_space<semaphore_mem>>)
      } else {
      }
      %scan3A_102 = arith.constant 0 : i32
      scf.yield %scan3A_102 : i32
    }
    %scan3A_54 = arith.constant 8 : i32
    return
  }
}

module attributes {stable_mosaic.version = 14 : i64} {
  func.func @_conv_body(%arg0: i32, %arg1: i32, %arg2: memref<1x1x3x2344xf32, #tpu.memory_space<vmem>>, %arg3: memref<27x64xf32, #tpu.memory_space<vmem>>, %arg4: memref<1x64xf32, #tpu.memory_space<vmem>>, %arg5: memref<1x2080x128xf32, #tpu.memory_space<vmem>>) attributes {dimension_semantics = [#tpu.dimension_semantics<arbitrary>, #tpu.dimension_semantics<arbitrary>], iteration_bounds = array<i64: 4, 8>, scalar_prefetch = 0 : i64, scratch_operands = 0 : i64, tpu.core_type = #tpu.core_type<tc>, window_params = [{transform_indices = @transform_0, window_bounds = array<i64: 1, 1, 3, 2344>}, {pipeline_mode = #tpu.pipeline_mode<synchronous>, transform_indices = @transform_1, window_bounds = array<i64: 27, 64>}, {pipeline_mode = #tpu.pipeline_mode<synchronous>, transform_indices = @transform_2, window_bounds = array<i64: 1, 64>}, {transform_indices = @transform_3, window_bounds = array<i64: 1, 2080, 128>}]} {
    %get3A = arith.constant 0 : index
    %get3A_0 = arith.constant 0 : index
    %get3A_1 = arith.constant 0 : index
    %get3A_2 = arith.constant 0 : index
    %get3A_3 = vector.load %arg2[%get3A, %get3A_0, %get3A_1, %get3A_2] : memref<1x1x3x2344xf32, #tpu.memory_space<vmem>>, vector<1x1x3x2344xf32>
    %get3A_4 = vector.shape_cast %get3A_3 : vector<1x1x3x2344xf32> to vector<3x2344xf32>
    %transpose3A = tpu.transpose %get3A_4, [1, 0] : vector<3x2344xf32> -> vector<2344x3xf32>
    %slice3A = vector.extract_strided_slice %transpose3A {offsets = [0, 0], sizes = [2080, 3], strides = [1, 1]} : vector<2344x3xf32> to vector<2080x3xf32>
    %slice3A_5 = vector.extract_strided_slice %transpose3A {offsets = [1, 0], sizes = [2080, 3], strides = [1, 1]} : vector<2344x3xf32> to vector<2080x3xf32>
    %slice3A_6 = vector.extract_strided_slice %transpose3A {offsets = [2, 0], sizes = [2080, 3], strides = [1, 1]} : vector<2344x3xf32> to vector<2080x3xf32>
    %slice3A_7 = vector.extract_strided_slice %transpose3A {offsets = [130, 0], sizes = [2080, 3], strides = [1, 1]} : vector<2344x3xf32> to vector<2080x3xf32>
    %slice3A_8 = vector.extract_strided_slice %transpose3A {offsets = [131, 0], sizes = [2080, 3], strides = [1, 1]} : vector<2344x3xf32> to vector<2080x3xf32>
    %slice3A_9 = vector.extract_strided_slice %transpose3A {offsets = [132, 0], sizes = [2080, 3], strides = [1, 1]} : vector<2344x3xf32> to vector<2080x3xf32>
    %slice3A_10 = vector.extract_strided_slice %transpose3A {offsets = [260, 0], sizes = [2080, 3], strides = [1, 1]} : vector<2344x3xf32> to vector<2080x3xf32>
    %slice3A_11 = vector.extract_strided_slice %transpose3A {offsets = [261, 0], sizes = [2080, 3], strides = [1, 1]} : vector<2344x3xf32> to vector<2080x3xf32>
    %slice3A_12 = vector.extract_strided_slice %transpose3A {offsets = [262, 0], sizes = [2080, 3], strides = [1, 1]} : vector<2344x3xf32> to vector<2080x3xf32>
    %concatenate3A = tpu.concatenate %slice3A, %slice3A_5, %slice3A_6, %slice3A_7, %slice3A_8, %slice3A_9, %slice3A_10, %slice3A_11, %slice3A_12 in 1 : vector<2080x3xf32>, vector<2080x3xf32>, vector<2080x3xf32>, vector<2080x3xf32>, vector<2080x3xf32>, vector<2080x3xf32>, vector<2080x3xf32>, vector<2080x3xf32>, vector<2080x3xf32> -> vector<2080x27xf32>
    %get3A_13 = arith.constant 0 : index
    %get3A_14 = arith.constant 0 : index
    %get3A_15 = vector.load %arg3[%get3A_13, %get3A_14] : memref<27x64xf32, #tpu.memory_space<vmem>>, vector<27x64xf32>
    %dot_general3A = arith.constant dense<0.000000e+00> : vector<2080x64xf32>
    %dot_general3A_16 = tpu.matmul %concatenate3A, %get3A_15, %dot_general3A {dimension_numbers = #tpu.dot_dimension_numbers<[1], [0], [0], [1], [0, 0, 1, 1], [], []>, transpose_lhs_hint = false} : vector<2080x27xf32>, vector<27x64xf32>, vector<2080x64xf32> -> vector<2080x64xf32>
    %get3A_17 = arith.constant 0 : index
    %get3A_18 = arith.constant 0 : index
    %get3A_19 = vector.load %arg4[%get3A_17, %get3A_18] : memref<1x64xf32, #tpu.memory_space<vmem>>, vector<1x64xf32>
    %add3A = vector.broadcast %get3A_19 : vector<1x64xf32> to vector<2080x64xf32>
    %add3A_20 = arith.addf %dot_general3A_16, %add3A : vector<2080x64xf32>
    %max3A = arith.constant 0.000000e+00 : f32
    %max3A_21 = vector.broadcast %max3A : f32 to vector<2080x64xf32>
    %max3A_22 = arith.maximumf %add3A_20, %max3A_21 : vector<2080x64xf32>
    %broadcast_in_dim3A = arith.constant 0.000000e+00 : f32
    %broadcast_in_dim3A_23 = vector.broadcast %broadcast_in_dim3A : f32 to vector<2080x37xf32>
    %concatenate3A_24 = tpu.concatenate %max3A_22, %concatenate3A, %broadcast_in_dim3A_23 in 1 : vector<2080x64xf32>, vector<2080x27xf32>, vector<2080x37xf32> -> vector<2080x128xf32>
    %swap3A = arith.constant 0 : index
    %swap3A_25 = arith.constant 0 : index
    %swap3A_26 = arith.constant 0 : index
    %swap3A_27 = vector.load %arg5[%swap3A, %swap3A_25, %swap3A_26] : memref<1x2080x128xf32, #tpu.memory_space<vmem>>, vector<1x2080x128xf32>
    %swap3A_28 = vector.shape_cast %swap3A_27 : vector<1x2080x128xf32> to vector<2080x128xf32>
    %swap3A_29 = vector.shape_cast %concatenate3A_24 : vector<2080x128xf32> to vector<1x2080x128xf32>
    tpu.vector_store %arg5[%swap3A, %swap3A_25, %swap3A_26], %swap3A_29 {strides = array<i32>} : memref<1x2080x128xf32, #tpu.memory_space<vmem>>, vector<1x2080x128xf32>,
    return
  }
  func.func @transform_0(%arg0: i32, %arg1: i32) -> (i32, i32, i32, i32) {
    %c0_i32 = arith.constant 0 : i32
    %c0_i32_0 = arith.constant 0 : i32
    %c0_i32_1 = arith.constant 0 : i32
    return %arg0, %arg1, %c0_i32, %c0_i32_0 : i32, i32, i32, i32
  }
  func.func @transform_1(%arg0: i32, %arg1: i32) -> (i32, i32) {
    %c0_i32 = arith.constant 0 : i32
    %c0_i32_0 = arith.constant 0 : i32
    %c0_i32_1 = arith.constant 0 : i32
    return %c0_i32, %c0_i32_0 : i32, i32
  }
  func.func @transform_2(%arg0: i32, %arg1: i32) -> (i32, i32) {
    %c0_i32 = arith.constant 0 : i32
    %c0_i32_0 = arith.constant 0 : i32
    %c0_i32_1 = arith.constant 0 : i32
    return %c0_i32, %c0_i32_0 : i32, i32
  }
  func.func @transform_3(%arg0: i32, %arg1: i32) -> (i32, i32, i32) {
    %c0_i32 = arith.constant 0 : i32
    %c0_i32_0 = arith.constant 0 : i32
    return %arg0, %arg1, %c0_i32 : i32, i32, i32
  }
}

module attributes {stable_mosaic.version = 14 : i64} {
  func.func @_mlp_body(%arg0: i32, %arg1: memref<2048x128xf32, #tpu.memory_space<vmem>>, %arg2: memref<4x2048xf32, #tpu.memory_space<vmem>>, %arg3: memref<32x66xf32, #tpu.memory_space<vmem>>, %arg4: memref<32x1xf32, #tpu.memory_space<vmem>>, %arg5: memref<2x32xf32, #tpu.memory_space<vmem>>, %arg6: memref<2x1xf32, #tpu.memory_space<vmem>>, %arg7: memref<16x66xf32, #tpu.memory_space<vmem>>, %arg8: memref<16x1xf32, #tpu.memory_space<vmem>>, %arg9: memref<3x16xf32, #tpu.memory_space<vmem>>, %arg10: memref<3x1xf32, #tpu.memory_space<vmem>>, %arg11: memref<64x66xf32, #tpu.memory_space<vmem>>, %arg12: memref<64x1xf32, #tpu.memory_space<vmem>>, %arg13: memref<64x64xf32, #tpu.memory_space<vmem>>, %arg14: memref<64x1xf32, #tpu.memory_space<vmem>>, %arg15: memref<3x64xf32, #tpu.memory_space<vmem>>, %arg16: memref<3x1xf32, #tpu.memory_space<vmem>>, %arg17: memref<3x2048xf32, #tpu.memory_space<vmem>>, %arg18: memref<2x2048xf32, #tpu.memory_space<vmem>>) attributes {dimension_semantics = [#tpu.dimension_semantics<arbitrary>], iteration_bounds = array<i64: 32>, scalar_prefetch = 0 : i64, scratch_operands = 0 : i64, tpu.core_type = #tpu.core_type<tc>, window_params = [{transform_indices = @transform_0, window_bounds = array<i64: 2048, 128>}, {transform_indices = @transform_1, window_bounds = array<i64: 4, 2048>}, {pipeline_mode = #tpu.pipeline_mode<synchronous>, transform_indices = @transform_2, window_bounds = array<i64: 32, 66>}, {pipeline_mode = #tpu.pipeline_mode<synchronous>, transform_indices = @transform_3, window_bounds = array<i64: 32, 1>}, {pipeline_mode = #tpu.pipeline_mode<synchronous>, transform_indices = @transform_4, window_bounds = array<i64: 2, 32>}, {pipeline_mode = #tpu.pipeline_mode<synchronous>, transform_indices = @transform_5, window_bounds = array<i64: 2, 1>}, {pipeline_mode = #tpu.pipeline_mode<synchronous>, transform_indices = @transform_6, window_bounds = array<i64: 16, 66>}, {pipeline_mode = #tpu.pipeline_mode<synchronous>, transform_indices = @transform_7, window_bounds = array<i64: 16, 1>}, {pipeline_mode = #tpu.pipeline_mode<synchronous>, transform_indices = @transform_8, window_bounds = array<i64: 3, 16>}, {pipeline_mode = #tpu.pipeline_mode<synchronous>, transform_indices = @transform_9, window_bounds = array<i64: 3, 1>}, {pipeline_mode = #tpu.pipeline_mode<synchronous>, transform_indices = @transform_10, window_bounds = array<i64: 64, 66>}, {pipeline_mode = #tpu.pipeline_mode<synchronous>, transform_indices = @transform_11, window_bounds = array<i64: 64, 1>}, {pipeline_mode = #tpu.pipeline_mode<synchronous>, transform_indices = @transform_12, window_bounds = array<i64: 64, 64>}, {pipeline_mode = #tpu.pipeline_mode<synchronous>, transform_indices = @transform_13, window_bounds = array<i64: 64, 1>}, {pipeline_mode = #tpu.pipeline_mode<synchronous>, transform_indices = @transform_14, window_bounds = array<i64: 3, 64>}, {pipeline_mode = #tpu.pipeline_mode<synchronous>, transform_indices = @transform_15, window_bounds = array<i64: 3, 1>}, {transform_indices = @transform_16, window_bounds = array<i64: 3, 2048>}, {transform_indices = @transform_17, window_bounds = array<i64: 2, 2048>}]} {
    %get3A = arith.constant 0 : index
    %get3A_0 = arith.constant 0 : index
    %get3A_1 = vector.load %arg1[%get3A, %get3A_0] : memref<2048x128xf32, #tpu.memory_space<vmem>>, vector<2048x128xf32>
    %transpose3A = tpu.transpose %get3A_1, [1, 0] : vector<2048x128xf32> -> vector<128x2048xf32>
    %get3A_2 = arith.constant 0 : index
    %get3A_3 = arith.constant 0 : index
    %get3A_4 = vector.load %arg2[%get3A_2, %get3A_3] : memref<4x2048xf32, #tpu.memory_space<vmem>>, vector<4x2048xf32>
    %slice3A = vector.extract_strided_slice %transpose3A {offsets = [0, 0], sizes = [64, 2048], strides = [1, 1]} : vector<128x2048xf32> to vector<64x2048xf32>
    %slice3A_5 = vector.extract_strided_slice %get3A_4 {offsets = [2, 0], sizes = [2, 2048], strides = [1, 1]} : vector<4x2048xf32> to vector<2x2048xf32>
    %concatenate3A = tpu.concatenate %slice3A, %slice3A_5 in 0 : vector<64x2048xf32>, vector<2x2048xf32> -> vector<66x2048xf32>
    %get3A_6 = arith.constant 0 : index
    %get3A_7 = arith.constant 0 : index
    %get3A_8 = vector.load %arg3[%get3A_6, %get3A_7] : memref<32x66xf32, #tpu.memory_space<vmem>>, vector<32x66xf32>
    %dot_general3A = arith.constant dense<0.000000e+00> : vector<32x2048xf32>
    %dot_general3A_9 = tpu.matmul %get3A_8, %concatenate3A, %dot_general3A {dimension_numbers = #tpu.dot_dimension_numbers<[1], [0], [0], [1], [0, 0, 1, 1], [], []>, transpose_lhs_hint = false} : vector<32x66xf32>, vector<66x2048xf32>, vector<32x2048xf32> -> vector<32x2048xf32>
    %get3A_10 = arith.constant 0 : index
    %get3A_11 = arith.constant 0 : index
    %get3A_12 = vector.load %arg4[%get3A_10, %get3A_11] : memref<32x1xf32, #tpu.memory_space<vmem>>, vector<32x1xf32>
    %add3A = vector.broadcast %get3A_12 : vector<32x1xf32> to vector<32x2048xf32>
    %add3A_13 = arith.addf %dot_general3A_9, %add3A : vector<32x2048xf32>
    %max3A = arith.constant 0.000000e+00 : f32
    %max3A_14 = vector.broadcast %max3A : f32 to vector<32x2048xf32>
    %max3A_15 = arith.maximumf %add3A_13, %max3A_14 : vector<32x2048xf32>
    %get3A_16 = arith.constant 0 : index
    %get3A_17 = arith.constant 0 : index
    %get3A_18 = vector.load %arg5[%get3A_16, %get3A_17] : memref<2x32xf32, #tpu.memory_space<vmem>>, vector<2x32xf32>
    %dot_general3A_19 = arith.constant dense<0.000000e+00> : vector<2x2048xf32>
    %dot_general3A_20 = tpu.matmul %get3A_18, %max3A_15, %dot_general3A_19 {dimension_numbers = #tpu.dot_dimension_numbers<[1], [0], [0], [1], [0, 0, 1, 1], [], []>, transpose_lhs_hint = false} : vector<2x32xf32>, vector<32x2048xf32>, vector<2x2048xf32> -> vector<2x2048xf32>
    %get3A_21 = arith.constant 0 : index
    %get3A_22 = arith.constant 0 : index
    %get3A_23 = vector.load %arg6[%get3A_21, %get3A_22] : memref<2x1xf32, #tpu.memory_space<vmem>>, vector<2x1xf32>
    %add3A_24 = vector.broadcast %get3A_23 : vector<2x1xf32> to vector<2x2048xf32>
    %add3A_25 = arith.addf %dot_general3A_20, %add3A_24 : vector<2x2048xf32>
    %reduce_max3A = arith.constant dense<0xFF800000> : vector<2048xf32>
    %reduce_max3A_26 = vector.multi_reduction <maximumf>, %add3A_25, %reduce_max3A [0] : vector<2x2048xf32> to vector<2048xf32>
    %broadcast_in_dim3A = vector.shape_cast %reduce_max3A_26 : vector<2048xf32> to vector<1x2048xf32>
    %sub3A = vector.broadcast %broadcast_in_dim3A : vector<1x2048xf32> to vector<2x2048xf32>
    %sub3A_27 = arith.subf %add3A_25, %sub3A : vector<2x2048xf32>
    %exp3A = math.exp %sub3A_27 : vector<2x2048xf32>
    %reduce_sum3A = arith.constant dense<0.000000e+00> : vector<2048xf32>
    %reduce_sum3A_28 = vector.multi_reduction <add>, %exp3A, %reduce_sum3A [0] : vector<2x2048xf32> to vector<2048xf32>
    %broadcast_in_dim3A_29 = vector.shape_cast %reduce_sum3A_28 : vector<2048xf32> to vector<1x2048xf32>
    %div3A = vector.broadcast %broadcast_in_dim3A_29 : vector<1x2048xf32> to vector<2x2048xf32>
    %div3A_30 = arith.divf %exp3A, %div3A : vector<2x2048xf32>
    %get3A_31 = arith.constant 0 : index
    %get3A_32 = arith.constant 0 : index
    %get3A_33 = vector.load %arg7[%get3A_31, %get3A_32] : memref<16x66xf32, #tpu.memory_space<vmem>>, vector<16x66xf32>
    %dot_general3A_34 = arith.constant dense<0.000000e+00> : vector<16x2048xf32>
    %dot_general3A_35 = tpu.matmul %get3A_33, %concatenate3A, %dot_general3A_34 {dimension_numbers = #tpu.dot_dimension_numbers<[1], [0], [0], [1], [0, 0, 1, 1], [], []>, transpose_lhs_hint = false} : vector<16x66xf32>, vector<66x2048xf32>, vector<16x2048xf32> -> vector<16x2048xf32>
    %get3A_36 = arith.constant 0 : index
    %get3A_37 = arith.constant 0 : index
    %get3A_38 = vector.load %arg8[%get3A_36, %get3A_37] : memref<16x1xf32, #tpu.memory_space<vmem>>, vector<16x1xf32>
    %add3A_39 = vector.broadcast %get3A_38 : vector<16x1xf32> to vector<16x2048xf32>
    %add3A_40 = arith.addf %dot_general3A_35, %add3A_39 : vector<16x2048xf32>
    %max3A_41 = arith.constant 0.000000e+00 : f32
    %max3A_42 = vector.broadcast %max3A_41 : f32 to vector<16x2048xf32>
    %max3A_43 = arith.maximumf %add3A_40, %max3A_42 : vector<16x2048xf32>
    %get3A_44 = arith.constant 0 : index
    %get3A_45 = arith.constant 0 : index
    %get3A_46 = vector.load %arg9[%get3A_44, %get3A_45] : memref<3x16xf32, #tpu.memory_space<vmem>>, vector<3x16xf32>
    %dot_general3A_47 = arith.constant dense<0.000000e+00> : vector<3x2048xf32>
    %dot_general3A_48 = tpu.matmul %get3A_46, %max3A_43, %dot_general3A_47 {dimension_numbers = #tpu.dot_dimension_numbers<[1], [0], [0], [1], [0, 0, 1, 1], [], []>, transpose_lhs_hint = false} : vector<3x16xf32>, vector<16x2048xf32>, vector<3x2048xf32> -> vector<3x2048xf32>
    %get3A_49 = arith.constant 0 : index
    %get3A_50 = arith.constant 0 : index
    %get3A_51 = vector.load %arg10[%get3A_49, %get3A_50] : memref<3x1xf32, #tpu.memory_space<vmem>>, vector<3x1xf32>
    %add3A_52 = vector.broadcast %get3A_51 : vector<3x1xf32> to vector<3x2048xf32>
    %add3A_53 = arith.addf %dot_general3A_48, %add3A_52 : vector<3x2048xf32>
    %get3A_54 = arith.constant 0 : index
    %get3A_55 = arith.constant 0 : index
    %get3A_56 = vector.load %arg11[%get3A_54, %get3A_55] : memref<64x66xf32, #tpu.memory_space<vmem>>, vector<64x66xf32>
    %dot_general3A_57 = arith.constant dense<0.000000e+00> : vector<64x2048xf32>
    %dot_general3A_58 = tpu.matmul %get3A_56, %concatenate3A, %dot_general3A_57 {dimension_numbers = #tpu.dot_dimension_numbers<[1], [0], [0], [1], [0, 0, 1, 1], [], []>, transpose_lhs_hint = false} : vector<64x66xf32>, vector<66x2048xf32>, vector<64x2048xf32> -> vector<64x2048xf32>
    %get3A_59 = arith.constant 0 : index
    %get3A_60 = arith.constant 0 : index
    %get3A_61 = vector.load %arg12[%get3A_59, %get3A_60] : memref<64x1xf32, #tpu.memory_space<vmem>>, vector<64x1xf32>
    %add3A_62 = vector.broadcast %get3A_61 : vector<64x1xf32> to vector<64x2048xf32>
    %add3A_63 = arith.addf %dot_general3A_58, %add3A_62 : vector<64x2048xf32>
    %max3A_64 = arith.constant 0.000000e+00 : f32
    %max3A_65 = vector.broadcast %max3A_64 : f32 to vector<64x2048xf32>
    %max3A_66 = arith.maximumf %add3A_63, %max3A_65 : vector<64x2048xf32>
    %get3A_67 = arith.constant 0 : index
    %get3A_68 = arith.constant 0 : index
    %get3A_69 = vector.load %arg13[%get3A_67, %get3A_68] : memref<64x64xf32, #tpu.memory_space<vmem>>, vector<64x64xf32>
    %dot_general3A_70 = arith.constant dense<0.000000e+00> : vector<64x2048xf32>
    %dot_general3A_71 = tpu.matmul %get3A_69, %max3A_66, %dot_general3A_70 {dimension_numbers = #tpu.dot_dimension_numbers<[1], [0], [0], [1], [0, 0, 1, 1], [], []>, transpose_lhs_hint = false} : vector<64x64xf32>, vector<64x2048xf32>, vector<64x2048xf32> -> vector<64x2048xf32>
    %get3A_72 = arith.constant 0 : index
    %get3A_73 = arith.constant 0 : index
    %get3A_74 = vector.load %arg14[%get3A_72, %get3A_73] : memref<64x1xf32, #tpu.memory_space<vmem>>, vector<64x1xf32>
    %add3A_75 = vector.broadcast %get3A_74 : vector<64x1xf32> to vector<64x2048xf32>
    %add3A_76 = arith.addf %dot_general3A_71, %add3A_75 : vector<64x2048xf32>
    %max3A_77 = arith.constant 0.000000e+00 : f32
    %max3A_78 = vector.broadcast %max3A_77 : f32 to vector<64x2048xf32>
    %max3A_79 = arith.maximumf %add3A_76, %max3A_78 : vector<64x2048xf32>
    %get3A_80 = arith.constant 0 : index
    %get3A_81 = arith.constant 0 : index
    %get3A_82 = vector.load %arg15[%get3A_80, %get3A_81] : memref<3x64xf32, #tpu.memory_space<vmem>>, vector<3x64xf32>
    %dot_general3A_83 = arith.constant dense<0.000000e+00> : vector<3x2048xf32>
    %dot_general3A_84 = tpu.matmul %get3A_82, %max3A_79, %dot_general3A_83 {dimension_numbers = #tpu.dot_dimension_numbers<[1], [0], [0], [1], [0, 0, 1, 1], [], []>, transpose_lhs_hint = false} : vector<3x64xf32>, vector<64x2048xf32>, vector<3x2048xf32> -> vector<3x2048xf32>
    %get3A_85 = arith.constant 0 : index
    %get3A_86 = arith.constant 0 : index
    %get3A_87 = vector.load %arg16[%get3A_85, %get3A_86] : memref<3x1xf32, #tpu.memory_space<vmem>>, vector<3x1xf32>
    %add3A_88 = vector.broadcast %get3A_87 : vector<3x1xf32> to vector<3x2048xf32>
    %add3A_89 = arith.addf %dot_general3A_84, %add3A_88 : vector<3x2048xf32>
    %slice3A_90 = vector.extract_strided_slice %get3A_4 {offsets = [0, 0], sizes = [1, 2048], strides = [1, 1]} : vector<4x2048xf32> to vector<1x2048xf32>
    %slice3A_91 = vector.extract_strided_slice %get3A_4 {offsets = [1, 0], sizes = [1, 2048], strides = [1, 1]} : vector<4x2048xf32> to vector<1x2048xf32>
    %add3A_92 = arith.constant 1.000000e+00 : f32
    %add3A_93 = vector.broadcast %add3A_92 : f32 to vector<1x2048xf32>
    %add3A_94 = arith.addf %slice3A_91, %add3A_93 : vector<1x2048xf32>
    %mul3A = arith.constant 6.400000e+01 : f32
    %mul3A_95 = vector.broadcast %mul3A : f32 to vector<1x2048xf32>
    %mul3A_96 = arith.mulf %add3A_94, %mul3A_95 : vector<1x2048xf32>
    %sub3A_97 = arith.constant 5.000000e-01 : f32
    %sub3A_98 = vector.broadcast %sub3A_97 : f32 to vector<1x2048xf32>
    %sub3A_99 = arith.subf %mul3A_96, %sub3A_98 : vector<1x2048xf32>
    %add3A_100 = arith.constant 1.000000e+00 : f32
    %add3A_101 = vector.broadcast %add3A_100 : f32 to vector<1x2048xf32>
    %add3A_102 = arith.addf %slice3A_90, %add3A_101 : vector<1x2048xf32>
    %mul3A_103 = arith.constant 6.400000e+01 : f32
    %mul3A_104 = vector.broadcast %mul3A_103 : f32 to vector<1x2048xf32>
    %mul3A_105 = arith.mulf %add3A_102, %mul3A_104 : vector<1x2048xf32>
    %sub3A_106 = arith.constant 5.000000e-01 : f32
    %sub3A_107 = vector.broadcast %sub3A_106 : f32 to vector<1x2048xf32>
    %sub3A_108 = arith.subf %mul3A_105, %sub3A_107 : vector<1x2048xf32>
    %add3A_109 = arith.constant 5.000000e-01 : f32
    %add3A_110 = vector.broadcast %add3A_109 : f32 to vector<1x2048xf32>
    %add3A_111 = arith.addf %sub3A_99, %add3A_110 : vector<1x2048xf32>
    %max3A_112 = arith.constant 0.000000e+00 : f32
    %max3A_113 = vector.broadcast %max3A_112 : f32 to vector<1x2048xf32>
    %max3A_114 = arith.maximumf %add3A_111, %max3A_113 : vector<1x2048xf32>
    %convert_element_type3A = arith.fptosi %max3A_114 : vector<1x2048xf32> to vector<1x2048xi32>
    %min3A = arith.constant 127 : i32
    %min3A_115 = vector.broadcast %min3A : i32 to vector<1x2048xi32>
    %min3A_116 = arith.minsi %convert_element_type3A, %min3A_115 : vector<1x2048xi32>
    %add3A_117 = arith.constant 5.000000e-01 : f32
    %add3A_118 = vector.broadcast %add3A_117 : f32 to vector<1x2048xf32>
    %add3A_119 = arith.addf %sub3A_108, %add3A_118 : vector<1x2048xf32>
    %max3A_120 = arith.constant 0.000000e+00 : f32
    %max3A_121 = vector.broadcast %max3A_120 : f32 to vector<1x2048xf32>
    %max3A_122 = arith.maximumf %add3A_119, %max3A_121 : vector<1x2048xf32>
    %convert_element_type3A_123 = arith.fptosi %max3A_122 : vector<1x2048xf32> to vector<1x2048xi32>
    %min3A_124 = arith.constant 127 : i32
    %min3A_125 = vector.broadcast %min3A_124 : i32 to vector<1x2048xi32>
    %min3A_126 = arith.minsi %convert_element_type3A_123, %min3A_125 : vector<1x2048xi32>
    %max3A_127 = arith.constant 0.000000e+00 : f32
    %max3A_128 = vector.broadcast %max3A_127 : f32 to vector<1x2048xf32>
    %max3A_129 = arith.maximumf %sub3A_99, %max3A_128 : vector<1x2048xf32>
    %convert_element_type3A_130 = arith.fptosi %max3A_129 : vector<1x2048xf32> to vector<1x2048xi32>
    %min3A_131 = arith.constant 127 : i32
    %min3A_132 = vector.broadcast %min3A_131 : i32 to vector<1x2048xi32>
    %min3A_133 = arith.minsi %convert_element_type3A_130, %min3A_132 : vector<1x2048xi32>
    %max3A_134 = arith.constant 0.000000e+00 : f32
    %max3A_135 = vector.broadcast %max3A_134 : f32 to vector<1x2048xf32>
    %max3A_136 = arith.maximumf %sub3A_108, %max3A_135 : vector<1x2048xf32>
    %convert_element_type3A_137 = arith.fptosi %max3A_136 : vector<1x2048xf32> to vector<1x2048xi32>
    %min3A_138 = arith.constant 127 : i32
    %min3A_139 = vector.broadcast %min3A_138 : i32 to vector<1x2048xi32>
    %min3A_140 = arith.minsi %convert_element_type3A_137, %min3A_139 : vector<1x2048xi32>
    %floor3A = math.floor %sub3A_99 : vector<1x2048xf32>
    %sub3A_141 = arith.subf %sub3A_99, %floor3A : vector<1x2048xf32>
    %floor3A_142 = math.floor %sub3A_108 : vector<1x2048xf32>
    %sub3A_143 = arith.subf %sub3A_108, %floor3A_142 : vector<1x2048xf32>
    %lt3A = arith.cmpi slt, %min3A_140, %min3A_126 : vector<1x2048xi32>
    %eq3A = arith.cmpi eq, %min3A_140, %min3A_126 : vector<1x2048xi32>
    %lt3A_144 = arith.constant 127 : i32
    %lt3A_145 = vector.broadcast %lt3A_144 : i32 to vector<1x2048xi32>
    %lt3A_146 = arith.cmpi slt, %min3A_140, %lt3A_145 : vector<1x2048xi32>
    %and3A = arith.andi %eq3A, %lt3A_146 : vector<1x2048xi1>
    %lt3A_147 = arith.cmpi slt, %min3A_133, %min3A_116 : vector<1x2048xi32>
    %eq3A_148 = arith.cmpi eq, %min3A_133, %min3A_116 : vector<1x2048xi32>
    %lt3A_149 = arith.constant 127 : i32
    %lt3A_150 = vector.broadcast %lt3A_149 : i32 to vector<1x2048xi32>
    %lt3A_151 = arith.cmpi slt, %min3A_133, %lt3A_150 : vector<1x2048xi32>
    %and3A_152 = arith.andi %eq3A_148, %lt3A_151 : vector<1x2048xi1>
    %slice3A_153 = vector.extract_strided_slice %transpose3A {offsets = [64, 0], sizes = [3, 2048], strides = [1, 1]} : vector<128x2048xf32> to vector<3x2048xf32>
    %slice3A_154 = vector.extract_strided_slice %transpose3A {offsets = [67, 0], sizes = [3, 2048], strides = [1, 1]} : vector<128x2048xf32> to vector<3x2048xf32>
    %broadcast_in_dim3A_155 = vector.shape_cast %lt3A_147 : vector<1x2048xi1> to vector<1x2048xi1>
    %broadcast_in_dim3A_156 = vector.broadcast %broadcast_in_dim3A_155 : vector<1x2048xi1> to vector<3x2048xi1>
    %select_n3A = arith.select %broadcast_in_dim3A_156, %slice3A_153, %slice3A_154 : vector<3x2048xi1>, vector<3x2048xf32>
    %slice3A_157 = vector.extract_strided_slice %transpose3A {offsets = [73, 0], sizes = [3, 2048], strides = [1, 1]} : vector<128x2048xf32> to vector<3x2048xf32>
    %slice3A_158 = vector.extract_strided_slice %transpose3A {offsets = [76, 0], sizes = [3, 2048], strides = [1, 1]} : vector<128x2048xf32> to vector<3x2048xf32>
    %broadcast_in_dim3A_159 = vector.shape_cast %lt3A_147 : vector<1x2048xi1> to vector<1x2048xi1>
    %broadcast_in_dim3A_160 = vector.broadcast %broadcast_in_dim3A_159 : vector<1x2048xi1> to vector<3x2048xi1>
    %select_n3A_161 = arith.select %broadcast_in_dim3A_160, %slice3A_157, %slice3A_158 : vector<3x2048xi1>, vector<3x2048xf32>
    %broadcast_in_dim3A_162 = vector.shape_cast %lt3A : vector<1x2048xi1> to vector<1x2048xi1>
    %broadcast_in_dim3A_163 = vector.broadcast %broadcast_in_dim3A_162 : vector<1x2048xi1> to vector<3x2048xi1>
    %select_n3A_164 = arith.select %broadcast_in_dim3A_163, %select_n3A, %select_n3A_161 : vector<3x2048xi1>, vector<3x2048xf32>
    %slice3A_165 = vector.extract_strided_slice %transpose3A {offsets = [70, 0], sizes = [3, 2048], strides = [1, 1]} : vector<128x2048xf32> to vector<3x2048xf32>
    %slice3A_166 = vector.extract_strided_slice %transpose3A {offsets = [67, 0], sizes = [3, 2048], strides = [1, 1]} : vector<128x2048xf32> to vector<3x2048xf32>
    %broadcast_in_dim3A_167 = vector.shape_cast %and3A_152 : vector<1x2048xi1> to vector<1x2048xi1>
    %broadcast_in_dim3A_168 = vector.broadcast %broadcast_in_dim3A_167 : vector<1x2048xi1> to vector<3x2048xi1>
    %select_n3A_169 = arith.select %broadcast_in_dim3A_168, %slice3A_165, %slice3A_166 : vector<3x2048xi1>, vector<3x2048xf32>
    %slice3A_170 = vector.extract_strided_slice %transpose3A {offsets = [79, 0], sizes = [3, 2048], strides = [1, 1]} : vector<128x2048xf32> to vector<3x2048xf32>
    %slice3A_171 = vector.extract_strided_slice %transpose3A {offsets = [76, 0], sizes = [3, 2048], strides = [1, 1]} : vector<128x2048xf32> to vector<3x2048xf32>
    %broadcast_in_dim3A_172 = vector.shape_cast %and3A_152 : vector<1x2048xi1> to vector<1x2048xi1>
    %broadcast_in_dim3A_173 = vector.broadcast %broadcast_in_dim3A_172 : vector<1x2048xi1> to vector<3x2048xi1>
    %select_n3A_174 = arith.select %broadcast_in_dim3A_173, %slice3A_170, %slice3A_171 : vector<3x2048xi1>, vector<3x2048xf32>
    %broadcast_in_dim3A_175 = vector.shape_cast %lt3A : vector<1x2048xi1> to vector<1x2048xi1>
    %broadcast_in_dim3A_176 = vector.broadcast %broadcast_in_dim3A_175 : vector<1x2048xi1> to vector<3x2048xi1>
    %select_n3A_177 = arith.select %broadcast_in_dim3A_176, %select_n3A_169, %select_n3A_174 : vector<3x2048xi1>, vector<3x2048xf32>
    %slice3A_178 = vector.extract_strided_slice %transpose3A {offsets = [82, 0], sizes = [3, 2048], strides = [1, 1]} : vector<128x2048xf32> to vector<3x2048xf32>
    %slice3A_179 = vector.extract_strided_slice %transpose3A {offsets = [85, 0], sizes = [3, 2048], strides = [1, 1]} : vector<128x2048xf32> to vector<3x2048xf32>
    %broadcast_in_dim3A_180 = vector.shape_cast %lt3A_147 : vector<1x2048xi1> to vector<1x2048xi1>
    %broadcast_in_dim3A_181 = vector.broadcast %broadcast_in_dim3A_180 : vector<1x2048xi1> to vector<3x2048xi1>
    %select_n3A_182 = arith.select %broadcast_in_dim3A_181, %slice3A_178, %slice3A_179 : vector<3x2048xi1>, vector<3x2048xf32>
    %slice3A_183 = vector.extract_strided_slice %transpose3A {offsets = [73, 0], sizes = [3, 2048], strides = [1, 1]} : vector<128x2048xf32> to vector<3x2048xf32>
    %slice3A_184 = vector.extract_strided_slice %transpose3A {offsets = [76, 0], sizes = [3, 2048], strides = [1, 1]} : vector<128x2048xf32> to vector<3x2048xf32>
    %broadcast_in_dim3A_185 = vector.shape_cast %lt3A_147 : vector<1x2048xi1> to vector<1x2048xi1>
    %broadcast_in_dim3A_186 = vector.broadcast %broadcast_in_dim3A_185 : vector<1x2048xi1> to vector<3x2048xi1>
    %select_n3A_187 = arith.select %broadcast_in_dim3A_186, %slice3A_183, %slice3A_184 : vector<3x2048xi1>, vector<3x2048xf32>
    %broadcast_in_dim3A_188 = vector.shape_cast %and3A : vector<1x2048xi1> to vector<1x2048xi1>
    %broadcast_in_dim3A_189 = vector.broadcast %broadcast_in_dim3A_188 : vector<1x2048xi1> to vector<3x2048xi1>
    %select_n3A_190 = arith.select %broadcast_in_dim3A_189, %select_n3A_182, %select_n3A_187 : vector<3x2048xi1>, vector<3x2048xf32>
    %slice3A_191 = vector.extract_strided_slice %transpose3A {offsets = [88, 0], sizes = [3, 2048], strides = [1, 1]} : vector<128x2048xf32> to vector<3x2048xf32>
    %slice3A_192 = vector.extract_strided_slice %transpose3A {offsets = [85, 0], sizes = [3, 2048], strides = [1, 1]} : vector<128x2048xf32> to vector<3x2048xf32>
    %broadcast_in_dim3A_193 = vector.shape_cast %and3A_152 : vector<1x2048xi1> to vector<1x2048xi1>
    %broadcast_in_dim3A_194 = vector.broadcast %broadcast_in_dim3A_193 : vector<1x2048xi1> to vector<3x2048xi1>
    %select_n3A_195 = arith.select %broadcast_in_dim3A_194, %slice3A_191, %slice3A_192 : vector<3x2048xi1>, vector<3x2048xf32>
    %slice3A_196 = vector.extract_strided_slice %transpose3A {offsets = [79, 0], sizes = [3, 2048], strides = [1, 1]} : vector<128x2048xf32> to vector<3x2048xf32>
    %slice3A_197 = vector.extract_strided_slice %transpose3A {offsets = [76, 0], sizes = [3, 2048], strides = [1, 1]} : vector<128x2048xf32> to vector<3x2048xf32>
    %broadcast_in_dim3A_198 = vector.shape_cast %and3A_152 : vector<1x2048xi1> to vector<1x2048xi1>
    %broadcast_in_dim3A_199 = vector.broadcast %broadcast_in_dim3A_198 : vector<1x2048xi1> to vector<3x2048xi1>
    %select_n3A_200 = arith.select %broadcast_in_dim3A_199, %slice3A_196, %slice3A_197 : vector<3x2048xi1>, vector<3x2048xf32>
    %broadcast_in_dim3A_201 = vector.shape_cast %and3A : vector<1x2048xi1> to vector<1x2048xi1>
    %broadcast_in_dim3A_202 = vector.broadcast %broadcast_in_dim3A_201 : vector<1x2048xi1> to vector<3x2048xi1>
    %select_n3A_203 = arith.select %broadcast_in_dim3A_202, %select_n3A_195, %select_n3A_200 : vector<3x2048xi1>, vector<3x2048xf32>
    %sub3A_204 = arith.constant 1.000000e+00 : f32
    %sub3A_205 = vector.broadcast %sub3A_204 : f32 to vector<1x2048xf32>
    %sub3A_206 = arith.subf %sub3A_205, %sub3A_141 : vector<1x2048xf32>
    %mul3A_207 = vector.broadcast %sub3A_206 : vector<1x2048xf32> to vector<3x2048xf32>
    %mul3A_208 = arith.mulf %select_n3A_164, %mul3A_207 : vector<3x2048xf32>
    %sub3A_209 = arith.constant 1.000000e+00 : f32
    %sub3A_210 = vector.broadcast %sub3A_209 : f32 to vector<1x2048xf32>
    %sub3A_211 = arith.subf %sub3A_210, %sub3A_143 : vector<1x2048xf32>
    %mul3A_212 = vector.broadcast %sub3A_211 : vector<1x2048xf32> to vector<3x2048xf32>
    %mul3A_213 = arith.mulf %mul3A_208, %mul3A_212 : vector<3x2048xf32>
    %mul3A_214 = vector.broadcast %sub3A_141 : vector<1x2048xf32> to vector<3x2048xf32>
    %mul3A_215 = arith.mulf %select_n3A_177, %mul3A_214 : vector<3x2048xf32>
    %sub3A_216 = arith.constant 1.000000e+00 : f32
    %sub3A_217 = vector.broadcast %sub3A_216 : f32 to vector<1x2048xf32>
    %sub3A_218 = arith.subf %sub3A_217, %sub3A_143 : vector<1x2048xf32>
    %mul3A_219 = vector.broadcast %sub3A_218 : vector<1x2048xf32> to vector<3x2048xf32>
    %mul3A_220 = arith.mulf %mul3A_215, %mul3A_219 : vector<3x2048xf32>
    %add3A_221 = arith.addf %mul3A_213, %mul3A_220 : vector<3x2048xf32>
    %sub3A_222 = arith.constant 1.000000e+00 : f32
    %sub3A_223 = vector.broadcast %sub3A_222 : f32 to vector<1x2048xf32>
    %sub3A_224 = arith.subf %sub3A_223, %sub3A_141 : vector<1x2048xf32>
    %mul3A_225 = vector.broadcast %sub3A_224 : vector<1x2048xf32> to vector<3x2048xf32>
    %mul3A_226 = arith.mulf %select_n3A_190, %mul3A_225 : vector<3x2048xf32>
    %mul3A_227 = vector.broadcast %sub3A_143 : vector<1x2048xf32> to vector<3x2048xf32>
    %mul3A_228 = arith.mulf %mul3A_226, %mul3A_227 : vector<3x2048xf32>
    %add3A_229 = arith.addf %add3A_221, %mul3A_228 : vector<3x2048xf32>
    %mul3A_230 = vector.broadcast %sub3A_141 : vector<1x2048xf32> to vector<3x2048xf32>
    %mul3A_231 = arith.mulf %select_n3A_203, %mul3A_230 : vector<3x2048xf32>
    %mul3A_232 = vector.broadcast %sub3A_143 : vector<1x2048xf32> to vector<3x2048xf32>
    %mul3A_233 = arith.mulf %mul3A_231, %mul3A_232 : vector<3x2048xf32>
    %add3A_234 = arith.addf %add3A_229, %mul3A_233 : vector<3x2048xf32>
    %slice3A_235 = vector.extract_strided_slice %div3A_30 {offsets = [0, 0], sizes = [1, 2048], strides = [1, 1]} : vector<2x2048xf32> to vector<1x2048xf32>
    %mul3A_236 = vector.broadcast %slice3A_235 : vector<1x2048xf32> to vector<3x2048xf32>
    %mul3A_237 = arith.mulf %mul3A_236, %add3A_53 : vector<3x2048xf32>
    %slice3A_238 = vector.extract_strided_slice %div3A_30 {offsets = [1, 0], sizes = [1, 2048], strides = [1, 1]} : vector<2x2048xf32> to vector<1x2048xf32>
    %mul3A_239 = vector.broadcast %slice3A_238 : vector<1x2048xf32> to vector<3x2048xf32>
    %mul3A_240 = arith.mulf %mul3A_239, %add3A_89 : vector<3x2048xf32>
    %add3A_241 = arith.addf %mul3A_237, %mul3A_240 : vector<3x2048xf32>
    %add3A_242 = arith.addf %add3A_241, %add3A_234 : vector<3x2048xf32>
    %swap3A = arith.constant 0 : index
    %swap3A_243 = arith.constant 0 : index
    %swap3A_244 = vector.load %arg17[%swap3A, %swap3A_243] : memref<3x2048xf32, #tpu.memory_space<vmem>>, vector<3x2048xf32>
    tpu.vector_store %arg17[%swap3A, %swap3A_243], %add3A_242 {strides = array<i32>} : memref<3x2048xf32, #tpu.memory_space<vmem>>, vector<3x2048xf32>,
    %swap3A_245 = arith.constant 0 : index
    %swap3A_246 = arith.constant 0 : index
    %swap3A_247 = vector.load %arg18[%swap3A_245, %swap3A_246] : memref<2x2048xf32, #tpu.memory_space<vmem>>, vector<2x2048xf32>
    tpu.vector_store %arg18[%swap3A_245, %swap3A_246], %div3A_30 {strides = array<i32>} : memref<2x2048xf32, #tpu.memory_space<vmem>>, vector<2x2048xf32>,
    return
  }
  func.func @transform_0(%arg0: i32) -> (i32, i32) {
    %c0_i32 = arith.constant 0 : i32
    %c0_i32_0 = arith.constant 0 : i32
    return %arg0, %c0_i32 : i32, i32
  }
  func.func @transform_1(%arg0: i32) -> (i32, i32) {
    %c0_i32 = arith.constant 0 : i32
    %c0_i32_0 = arith.constant 0 : i32
    return %c0_i32, %arg0 : i32, i32
  }
  func.func @transform_2(%arg0: i32) -> (i32, i32) {
    %c0_i32 = arith.constant 0 : i32
    %c0_i32_0 = arith.constant 0 : i32
    %c0_i32_1 = arith.constant 0 : i32
    return %c0_i32, %c0_i32_0 : i32, i32
  }
  func.func @transform_3(%arg0: i32) -> (i32, i32) {
    %c0_i32 = arith.constant 0 : i32
    %c0_i32_0 = arith.constant 0 : i32
    %c0_i32_1 = arith.constant 0 : i32
    return %c0_i32, %c0_i32_0 : i32, i32
  }
  func.func @transform_4(%arg0: i32) -> (i32, i32) {
    %c0_i32 = arith.constant 0 : i32
    %c0_i32_0 = arith.constant 0 : i32
    %c0_i32_1 = arith.constant 0 : i32
    return %c0_i32, %c0_i32_0 : i32, i32
  }
  func.func @transform_5(%arg0: i32) -> (i32, i32) {
    %c0_i32 = arith.constant 0 : i32
    %c0_i32_0 = arith.constant 0 : i32
    %c0_i32_1 = arith.constant 0 : i32
    return %c0_i32, %c0_i32_0 : i32, i32
  }
  func.func @transform_6(%arg0: i32) -> (i32, i32) {
    %c0_i32 = arith.constant 0 : i32
    %c0_i32_0 = arith.constant 0 : i32
    %c0_i32_1 = arith.constant 0 : i32
    return %c0_i32, %c0_i32_0 : i32, i32
  }
  func.func @transform_7(%arg0: i32) -> (i32, i32) {
    %c0_i32 = arith.constant 0 : i32
    %c0_i32_0 = arith.constant 0 : i32
    %c0_i32_1 = arith.constant 0 : i32
    return %c0_i32, %c0_i32_0 : i32, i32
  }
  func.func @transform_8(%arg0: i32) -> (i32, i32) {
    %c0_i32 = arith.constant 0 : i32
    %c0_i32_0 = arith.constant 0 : i32
    %c0_i32_1 = arith.constant 0 : i32
    return %c0_i32, %c0_i32_0 : i32, i32
  }
  func.func @transform_9(%arg0: i32) -> (i32, i32) {
    %c0_i32 = arith.constant 0 : i32
    %c0_i32_0 = arith.constant 0 : i32
    %c0_i32_1 = arith.constant 0 : i32
    return %c0_i32, %c0_i32_0 : i32, i32
  }
  func.func @transform_10(%arg0: i32) -> (i32, i32) {
    %c0_i32 = arith.constant 0 : i32
    %c0_i32_0 = arith.constant 0 : i32
    %c0_i32_1 = arith.constant 0 : i32
    return %c0_i32, %c0_i32_0 : i32, i32
  }
  func.func @transform_11(%arg0: i32) -> (i32, i32) {
    %c0_i32 = arith.constant 0 : i32
    %c0_i32_0 = arith.constant 0 : i32
    %c0_i32_1 = arith.constant 0 : i32
    return %c0_i32, %c0_i32_0 : i32, i32
  }
  func.func @transform_12(%arg0: i32) -> (i32, i32) {
    %c0_i32 = arith.constant 0 : i32
    %c0_i32_0 = arith.constant 0 : i32
    %c0_i32_1 = arith.constant 0 : i32
    return %c0_i32, %c0_i32_0 : i32, i32
  }
  func.func @transform_13(%arg0: i32) -> (i32, i32) {
    %c0_i32 = arith.constant 0 : i32
    %c0_i32_0 = arith.constant 0 : i32
    %c0_i32_1 = arith.constant 0 : i32
    return %c0_i32, %c0_i32_0 : i32, i32
  }
  func.func @transform_14(%arg0: i32) -> (i32, i32) {
    %c0_i32 = arith.constant 0 : i32
    %c0_i32_0 = arith.constant 0 : i32
    %c0_i32_1 = arith.constant 0 : i32
    return %c0_i32, %c0_i32_0 : i32, i32
  }
  func.func @transform_15(%arg0: i32) -> (i32, i32) {
    %c0_i32 = arith.constant 0 : i32
    %c0_i32_0 = arith.constant 0 : i32
    %c0_i32_1 = arith.constant 0 : i32
    return %c0_i32, %c0_i32_0 : i32, i32
  }
  func.func @transform_16(%arg0: i32) -> (i32, i32) {
    %c0_i32 = arith.constant 0 : i32
    %c0_i32_0 = arith.constant 0 : i32
    return %c0_i32, %arg0 : i32, i32
  }
  func.func @transform_17(%arg0: i32) -> (i32, i32) {
    %c0_i32 = arith.constant 0 : i32
    %c0_i32_0 = arith.constant 0 : i32
    return %c0_i32, %arg0 : i32, i32
  }
}

</mosaic_0001>

<sc_bundles>
// kernel: kernel.11.cloned.1.call-start
scs
__scs_entry_jumppad:
0x0: {  	(pc) =	sbr.rel $0x88, $3  }
0x1: {  	(tag) =	ssettag $0x0;
	lr =	simm.s32 $0x1  }
0x2: {  	[smem:$0x3F8E] =	sst lr;
	_ =	strace $0xD0000000  }
0x3: {  	_ = 	snop  }
0x4: {  	_ = 	snop  }
0x5: {  	_ = 	snop  }
0x6: {  	_ = 	snop  }
0x7: {  	_ = 	snop  }
__scs_overlays_trampoline_lowered:
0x8: {  	[smem:$0x3F9D] =	sst s0  }
0x9: {  	[smem:$0x3F9E] =	sst s1  }
0xa: {  	[smem:$0x3F9F] =	sst s2  }
0xb: {  	[smem:$0x3FA0] =	sst s3  }
0xc: {  	[smem:$0x3FA1] =	sst s4  }
0xd: {  	[smem:$0x3FA2] =	sst s5  }
0xe: {  	[smem:$0x3FA3] =	sst s6  }
0xf: {  	[smem:$0x3FA4] =	sst s7  }
0x10: {  	[smem:$0x3FA5] =	sst s8  }
0x11: {  	[smem:$0x3FA6] =	sst s9;
	s0 =	simm.s32 @!p0 $0x0  }
0x12: {  	s1 =	sld [smem:$0x3F8C];
	s0 =	simm.s32 @p0 $0x1  }
0x13: {  	[smem:$0x3FA7] =	sst s0;
	s0 =	simm.s32 @!p1 $0x0  }
0x14: {  	s2 =	sld [smem:$0x3F8B];
	s0 =	simm.s32 @p1 $0x1  }
0x15: {  	[smem:$0x3FA8] =	sst s0;
	s0 =	simm.s32 @!p2 $0x0  }
0x16: {  	s3 =	sld [smem:$0x3FDB];
	s0 =	simm.s32 @p2 $0x1  }
0x17: {  	s4 =	simm.s32 $0x1BF5;
	[smem:$0x3FAA] =	sst s0  }
0x18: {  	s0 =	sld [smem:$0x3F8D];
	_ =	swait.ge [sflag:s4], $0x0  }
0x19: {  	s7 =	sld [smem:$0x3F8E]  }
0x1a: {  	s8 =	sadd.s32 $0xFFFFE003, lr  }
0x1b: {  	s9 =	sadd.s32 $0xFFFFFEF7, lr;
	s5 =	simm.s32 $0xFFFFFFFF;
	p2 =	slt.u32 s8, $0xFFFFF086  }
0x1c: {  	p1 =	slt.u32 s9, $0xF7A;
	s5 =	simm.s32 @!p2 $0x0  }
0x1d: {  	s5 =	simm.s32 @p1 $0x1;
	p0 =	seq.s32 s7, s2  }
0x1e: {  	s7 =	smul.u32 @!p0 $0xF7A, s2;
	p2 =	seq.s32 @!p0 s5, $0x0  }
0x1f: {  	s9 =	smul.u32 $0xF7A, s1;
	s8 =	simm.s32 @!p0 $0x1BF5;
	p2 =	por !p2, p0  }
0x20: {  	[sflag:s8] =	ssyncset.s32 @!p0 $0xFFFFF086;
	s6 =	sadd.s32 @!p0 s3, s7;
	s7 =	simm.s32 @!p0 $0x108  }
0x21: {  	s3 =	sadd.s32 s3, s9;
	s6 =	sadd.s32 @!p0 $0x88, s6;
	s7 =	simm.s32 @p2 $0x1082  }
0x22: {  	[simem:s7], [sflag:s8] =	dma.local @!p0 [hbm:s6], $0xF7A  }
0x23: {  	s9 =	sor.u32 $0xD0000000, s2;
	s6 =	simm.s32 $0x108;
	_ =	swait.ge @!p0 [sflag:s8], $0x0  }
0x24: {  	s3 =	sadd.s32 $0x88, s3;
	s6 =	simm.s32 @!p1 $0x1082;
	[sflag:s4] =	ssyncset.s32 $0xFFFFF086  }
0x25: {  	[simem:s6], [sflag:s4] =	dma.local [hbm:s3], $0xF7A  }
0x26: {  	[smem:$0x3F8E] =	sst s1;
	(tag) =	ssettag s2;
	_ =	strace s9  }
0x27: {  	s1 =	sld [smem:$0x3F9E]  }
0x28: {  	s2 =	sld [smem:$0x3F9F]  }
0x29: {  	s4 =	sld [smem:$0x3FA1]  }
0x2a: {  	p0 =	seq.s32 s5, $0x0;
	s5 =	sld [smem:$0x3FA2]  }
0x2b: {  	s6 =	sld [smem:$0x3FA3]  }
0x2c: {  	s7 =	sld [smem:$0x3FA4]  }
0x2d: {  	s3 =	simm.s32 $0x108;
	s8 =	sld [smem:$0x3FA5]  }
0x2e: {  	s3 =	simm.s32 @!p0 $0x1082;
	s9 =	sld [smem:$0x3FA6]  }
0x2f: {  	lr =	sadd.s32 s0, s3;
	s0 =	sld [smem:$0x3F9D]  }
0x30: {  	s3 =	sld [smem:$0x3FA0]  }
0x31: {  	[smem:$0x3FA9] =	sst s10  }
0x32: {  	s10 =	sld [smem:$0x3FA7];
	_ =	sdelay $0x3  }
0x33: {  	p0 =	seq.s32 s10, $0x1;
	s10 =	sld [smem:$0x3FA9];
	_ =	sdelay $0x3  }
0x34: {  	[smem:$0x3FA9] =	sst s10  }
0x35: {  	s10 =	sld [smem:$0x3FA8];
	_ =	sdelay $0x3  }
0x36: {  	p1 =	seq.s32 s10, $0x1;
	s10 =	sld [smem:$0x3FA9];
	_ =	sdelay $0x3  }
0x37: {  	[smem:$0x3FA9] =	sst s10  }
0x38: {  	s10 =	sld [smem:$0x3FAA]  }
0x39: {  	_ = 	snop;
	(pc) =	sbr.ind lr, $3  }
0x3a: {  	_ = 	snop  }
0x3b: {  	_ = 	snop  }
0x3c: {  	p2 =	seq.s32 s10, $0x1;
	s10 =	sld [smem:$0x3FA9]  }
0x3d: {  	_ =	shalt  }
0x3e: {  	_ =	shalt  }
0x3f: {  	_ =	shalt  }
0x40: {  	_ =	shalt  }
0x41: {  	_ =	shalt  }
0x42: {  	_ =	shalt  }
0x43: {  	_ =	shalt  }
0x44: {  	_ =	shalt  }
0x45: {  	_ =	shalt  }
0x46: {  	_ =	shalt  }
0x47: {  	_ =	shalt  }
0x48: {  	_ =	shalt  }
0x49: {  	_ =	shalt  }
0x4a: {  	_ =	shalt  }
0x4b: {  	_ =	shalt  }
0x4c: {  	_ =	shalt  }
0x4d: {  	_ =	shalt  }
0x4e: {  	_ =	shalt  }
0x4f: {  	_ =	shalt  }
0x50: {  	_ =	shalt  }
0x51: {  	_ =	shalt  }
0x52: {  	_ =	shalt  }
0x53: {  	_ =	shalt  }
0x54: {  	_ =	shalt  }
0x55: {  	_ =	shalt  }
0x56: {  	_ =	shalt  }
0x57: {  	_ =	shalt  }
0x58: {  	_ =	shalt  }
0x59: {  	_ =	shalt  }
0x5a: {  	_ =	shalt  }
0x5b: {  	_ =	shalt  }
0x5c: {  	_ =	shalt  }
0x5d: {  	_ =	shalt  }
0x5e: {  	_ =	shalt  }
0x5f: {  	_ =	shalt  }
0x60: {  	_ =	shalt  }
0x61: {  	_ =	shalt  }
0x62: {  	_ =	shalt  }
0x63: {  	_ =	shalt  }
0x64: {  	_ =	shalt  }
0x65: {  	_ =	shalt  }
0x66: {  	_ =	shalt  }
0x67: {  	_ =	shalt  }
0x68: {  	_ =	shalt  }
0x69: {  	_ =	shalt  }
0x6a: {  	_ =	shalt  }
0x6b: {  	_ =	shalt  }
0x6c: {  	_ =	shalt  }
0x6d: {  	_ =	shalt  }
0x6e: {  	_ =	shalt  }
0x6f: {  	_ =	shalt  }
0x70: {  	_ =	shalt  }
0x71: {  	_ =	shalt  }
0x72: {  	_ =	shalt  }
0x73: {  	_ =	shalt  }
0x74: {  	_ =	shalt  }
0x75: {  	_ =	shalt  }
0x76: {  	_ =	shalt  }
0x77: {  	_ =	shalt  }
0x78: {  	_ =	shalt  }
0x79: {  	_ =	shalt  }
0x7a: {  	_ =	shalt  }
0x7b: {  	_ =	shalt  }
0x7c: {  	_ =	shalt  }
0x7d: {  	_ =	shalt  }
0x7e: {  	_ =	shalt  }
0x7f: {  	_ =	shalt  }
0x80: {  	_ =	shalt  }
0x81: {  	_ =	shalt  }
0x82: {  	_ =	shalt  }
0x83: {  	_ =	shalt  }
0x84: {  	_ =	shalt  }
0x85: {  	_ =	shalt  }
0x86: {  	_ =	shalt  }
0x87: {  	_ =	shalt  }
.Lfunc_end0:
.L_simem_size_0:
called_computation_lowered:
.L_overlay_start_0:
0x88: {  	s2 =	sld [smem:$0x3FD9]  }
0x89: {  	s3 =	sld [smem:$0x3FFE];
	_ =	sdelay $0x1  }
0x8a: {  	s1 =	srdreg.scid  }
0x8b: {  	s0 =	sand.u32 $0x1, s1  }
0x8c: {  	s17 =	sshll.u32 s0, $0xA;
	s2 =	sadd.s32 s3, s2  }
0x8d: {  	s2 =	sadd.s32 s2, s17  }
0x8e: {  	[smem:$0x3FB5] =	sst s2  }
0x8f: {  	_ = 	snop  }
0x90: {  	(tm) =	ssettm $0x1  }
0x91: {  	s18 =	sld [smem:$0x3FFB];
	_ =	sdelay $0x3  }
0x92: {  	_ =	strace s18  }
0x93: {  	s2 =	sld [smem:$0x3FFC];
	_ =	sdelay $0x3  }
0x94: {  	_ =	strace s2  }
0x95: {  	s2 =	sld [smem:$0x3FFD];
	_ =	sdelay $0x3  }
0x96: {  	_ =	strace s2  }
0x97: {  	_ =	strace $0x8FFFFFFF  }
0x98: {  	s19 =	sld [smem:$0x3FDB];
	_ =	sdelay $0x1  }
0x99: {  	s20 =	simm.s32 $_scs_section_size  }
0x9a: {  	s4 =	simm.s32 $_size__tile_overlayer_lowered;
	s5 =	simm.s32 $_tile_overlayer_lowered  }
0x9b: {  	s6 =	simm.s32 $0x1BFF;
	s21 =	sshll.u32 s5, $0x1;
	s3 =	sadd.s32 s20, s19  }
0x9c: {  	s22 =	simm.s32 $0x0;
	s4 =	sshll.u32 s4, $0x1;
	s5 =	sadd.s32 s21, s3  }
0x9d: {  	[timem:s22], [sflag:s6] =	dma.local [hbm:s5], s4  }
0x9e: {  	_ =	swait.ge [sflag:s6], s4  }
0x9f: {  	s4 =	ssub.s32 $0x0, s4;
	[sflag:s6] =	ssyncset.done $0x0  }
0xa0: {  	[sflag:s6] =	ssyncadd.s32 s4;
	_ =	sdelay $0x1  }
0xa1: {  	s23 =	simm.s32 $0x1B8B  }
0xa2: {  	_ =	swait.ge [sflag:s23], $0x1  }
0xa3: {  	[sflag:s23] =	ssyncset.done $0x0  }
0xa4: {  	[sflag:s23] =	ssyncadd.s32 $0xFFFFFFFF  }
0xa5: {  	s4 =	sld [smem:$0x0]  }
0xa6: {  	s5 =	sand.u32 $0xFFFFFFFE, s1  }
0xa7: {  	p0 =	sne.s32 s1, s5  }
0xa8: {  	s5 =	sshll.u32 @p0 s5, $0xE  }
0xa9: {  	s5 =	sadd.s32 @p0 $0x11B8D, s5;
	s6 =	sshll.u32 @p0 s4, $0x11  }
0xaa: {  	s5 =	sor.u32 @p0 s6, s5  }
0xab: {  	[sflag:s5] =	ssyncadd.remote.s32 @p0 $0x1;
	_ =	sdelay $0x1  }
0xac: {  	s5 =	simm.s32 @p0 $0x1B8D  }
0xad: {  	_ =	swait.eq @p0 [sflag:s5], $0x1  }
0xae: {  	[sflag:s5] =	ssyncadd.s32 @p0 $0xFFFFFFFF  }
0xaf: {  	s6 =	sshll.u32 @!p0 s1, $0xE  }
0xb0: {  	s6 =	sor.u32 @!p0 $0x4000, s6;
	s5 =	simm.s32 @!p0 $0x1B8D  }
0xb1: {  	s4 =	sshll.u32 @!p0 s4, $0x11;
	s6 =	sadd.s32 @!p0 $0x11B8D, s6;
	_ =	swait.eq @!p0 [sflag:s5], $0x1  }
0xb2: {  	s4 =	sor.u32 @!p0 s4, s6;
	[sflag:s5] =	ssyncadd.s32 @!p0 $0xFFFFFFFF  }
0xb3: {  	s25 =	simm.s32 $0x1B8E;
	s24 =	sld [smem:$0x3FFE];
	[sflag:s4] =	ssyncadd.remote.s32 @!p0 $0x1  }
0xb4: {  	s26 =	simm.s32 $execute0_lowered;
	[smem:$0x3FD2] =	sst s25  }
0xb5: {  	s5 =	sshll.u32 s26, $0x1;
	_ =	strace $0x8000004F;
	[dreg:$0x1] =	wrdreg $0xFFFFFFFF  }
0xb6: {  	s28 =	simm.s32 $_size_execute0_lowered;
	s3 =	sadd.s32 s3, s5;
	[dreg:$0x0] =	wrdreg $0x0  }
0xb7: {  	s5 =	sshll.u32 s28, $0x1;
	[dreg:$0x2] =	wrdreg s3  }
0xb8: {  	[dreg:$0x3] =	wrdreg s5  }
0xb9: {  	[dreg:$0x4] =	wrdreg $0xC0  }
0xba: {  	_ =	task [dreg:s22], $0x5FFFF  }
0xbb: {  	[dreg:$0x1] =	wrdreg $0xFFFFFFFF  }
0xbc: {  	[dreg:$0x0] =	wrdreg $0x60  }
0xbd: {  	[dreg:$0x2] =	wrdreg s24  }
0xbe: {  	[dreg:$0x3] =	wrdreg $0x9  }
0xbf: {  	_ =	task.clear_ibuf [dreg:s22], $0x4FFFF;
	_ =	strace $0x9000004F  }
0xc0: {  	s29 =	simm.s32 $0x9;
	_ =	strace $0x80000051  }
0xc1: {  	_ =	swait.ge [sflag:s29], $0x1  }
0xc2: {  	[sflag:s29] =	ssyncadd.s32 $0xFFFFFFFF  }
0xc3: {  	_ =	strace $0x90000051  }
0xc4: {  	_ =	sfence  }
0xc5: {  	s30 =	sld [smem:$0x0];
	_ =	sdelay $0x2  }
0xc6: {  	s31 =	sshll.u32 s1, $0xD;
	s1 =	sshrl.u32 s1, $0x2  }
0xc7: {  	s4 =	sand.u32 $0x4000, s31;
	s1 =	sadd.s32 s1, s30  }
0xc8: {  	s0 =	sor.u32 s4, s0;
	s1 =	sshll.u32 s1, $0x11  }
0xc9: {  	s0 =	sor.u32 s1, s0  }
0xca: {  	s0 =	sadd.s32 $0x8F2B, s0  }
0xcb: {  	[sflag:s0] =	ssyncadd.remote.s32 $0x1  }
0xcc: {  	_ =	sfence.sel $0xFFFF  }
0xcd: {  	[dreg:$0x0] =	wrdreg $0xFFFFFFFF;
	(pc) =	sbr.abs _section_cstart, $3  }
0xce: {  	[dreg:$0x1] =	wrdreg $0xFFFFFFFF  }
0xcf: {  	_ =	task.clear_ibuf [dreg:s22], $0x2FFFF;
	_ =	strace $0x9FFFFFFF  }
0xd0: {  	(tm) =	ssettm $0x7FFFFFFF  }
0xd1: {  	_ =	shalt  }
tec
execute0_lowered:
.L_overlay_start_1:
0x0: {  	(tag) =	ssettag $0x1  }
0x1: {  	s1 =	srdreg.scid  }
0x2: {  	s0 =	rddreg [dreg:$0x0];
	s3 =	stileid.u32;
	s1 =	sand.u32 $0x1, s1  }
0x3: {  	s2 =	simm.s32 $0x0;
	s3 =	sshll.u32 s3, $0xC;
	s4 =	sshll.u32 s1, $0xB  }
0x4: {  	s28 =	simm.s32 $0x1800;
	[smem:$0x7FF] =	sst s2;
	s4 =	sor.u32 s4, s3  }
0x5: {  	s30 =	simm.s32 $0x5800;
	_ =	strace $0x80000050;
	s3 =	sshrl.u32 s4, $0x3  }
0x6: {  	s4 =	sshll.u32 s4, $0x4;
	s5 =	sadd.s32 s3, s0;
	s3 =	sadd.s32 $0x10C00, s0  }
0x7: {  	s0 =	sadd.s32 s4, s0;
	s25 =	sadd.s32 $0x416C00, s5;
	s26 =	sadd.s32 $0x414C00, s5  }
0x8: {  	s23 =	simm.s32 $0x3;
	s6 =	sadd.s32 $0x418C00, s0;
	s7 =	sadd.s32 $0x419400, s0  }
0x9: {  	s31 =	simm.s32 $0x1;
	s8 =	sadd.s32 $0x41FC00, s0;
	s9 =	sadd.s32 $0x420400, s0  }
0xa: {  	s1 =	ssub.s32 $0x2, s1;
	s10 =	sadd.s32 $0x419C00, s0;
	s11 =	sadd.s32 $0x41A400, s0  }
0xb: {  	s29 =	sshrl.u32 s1, $0x1;
	s12 =	sadd.s32 $0x41AC00, s0;
	s13 =	sadd.s32 $0x41B400, s0  }
0xc: {  	s1 =	ssub.s32 s1, s29;
	s14 =	sadd.s32 $0x41BC00, s0;
	s15 =	sadd.s32 $0x41C400, s0  }
0xd: {  	s20 =	smax.u32 s1, $0x1;
	s16 =	sadd.s32 $0x41CC00, s0;
	s17 =	sadd.s32 $0x41D400, s0  }
0xe: {  	s1 =	simm.s32 $0x2;
	s18 =	sadd.s32 $0x41DC00, s0;
	s19 =	sadd.s32 $0x41E400, s0  }
0xf: {  	s21 =	sadd.s32 $0x41EC00, s0;
	s22 =	sadd.s32 $0x41F400, s0;
	[dreg:$0x2] =	wrdreg s25  }
0x10: {  	[dreg:$0x3] =	wrdreg s26;
	s25 =	simm.s32 $0x80;
	s26 =	simm.s32 $0x0  }
.LBB2_1:
0x11: {  	s0 =	rddreg [dreg:$0x2]  }
0x12: {  	[tilespmem:s2], [sflag:$0x3] =	stream.linear.gather [hbm4b:s0+s2], $0x800, $0x38;
	[tilespmem:$0x9800] =	vst v63  }
0x13: {  	_ =	swait.ge [sflag:s23], $0x800  }
0x14: {  	[sflag:s23] =	ssyncset.done $0x0  }
0x15: {  	s4 =	simm.s32 $0x800;
	s24 =	rddreg [dreg:$0x3];
	[sflag:s23] =	ssyncadd.s32 $0xFFFFF800  }
0x16: {  	[tilespmem:s4], [sflag:$0x3] =	stream.linear.gather [hbm4b:s24+s2], $0x800, $0x38;
	[tilespmem:$0x9800] =	vst v63  }
0x17: {  	_ =	swait.ge [sflag:s23], $0x800  }
0x18: {  	[sflag:s23] =	ssyncset.done $0x0  }
0x19: {  	s29 =	simm.s32 $0x0;
	[sflag:s23] =	ssyncadd.s32 $0xFFFFF800  }
0x1a: {  	v0 =	vld [tilespmem:s29+$0x800];
	_ =	sdelay $0x1  }
0x1b: {  	v1 =	vld [tilespmem:s29+$0x0];
	_ =	sdelay $0x1  }
0x1c: {  	s0 =	simm.s32 $0x10  }
0x1d: {  	v2 =	vld [tilespmem:s0+$0x800];
	v0 =	vadd.f32 $1.000000000e+00, v0;
	_ =	sdelay $0x1  }
0x1e: {  	v1 =	vadd.f32 $1.000000000e+00, v1;
	v0 =	vmul.f32 $6.400000000e+01, v0;
	_ =	sdelay $0x1  }
0x1f: {  	v3 =	vld [tilespmem:s0+$0x0];
	v1 =	vmul.f32 $6.400000000e+01, v1;
	v0 =	vadd.f32 $-5.000000000e-01, v0  }
0x20: {  	v2 =	vadd.f32 $1.000000000e+00, v2  }
0x21: {  	v1 =	vadd.f32 $-5.000000000e-01, v1;
	v0 =	vadd.f32 $5.000000000e-01, v0  }
0x22: {  	s24 =	simm.s32 $0x20  }
0x23: {  	v4 =	vld [tilespmem:s24+$0x0];
	v2 =	vmul.f32 $6.400000000e+01, v2;
	v1 =	vadd.f32 $5.000000000e-01, v1;
	v0 =	vmax.f32 v0, $0.0e+00  }
0x24: {  	v5 =	vld [tilespmem:s24+$0x800];
	v3 =	vadd.f32 $1.000000000e+00, v3;
	v0 =	vtrunc.f32 v0  }
0x25: {  	v2 =	vadd.f32 $-5.000000000e-01, v2;
	v1 =	vmax.f32 v1, $0.0e+00;
	v6 =	vcvt.f32.s32 v0  }
0x26: {  	v3 =	vmul.f32 $6.400000000e+01, v3;
	v1 =	vtrunc.f32 v1  }
0x27: {  	v8 =	vadd.f32 $5.000000000e-01, v2;
	v7 =	vcvt.f32.s32 v1;
	vm0 =	vlt.s32 v6, $0x7F  }
0x28: {  	s4 =	simm.s32 $0x30;
	v0 =	vadd.f32 $1.000000000e+00, v4;
	v4 =	vadd.f32 $-5.000000000e-01, v3;
	v1 =	vnsel vm0, $0x7F, v6  }
0x29: {  	v2 =	vadd.f32 $1.000000000e+00, v5;
	vm15 =	vlt.s32 v7, $0x7F;
	v3 =	vmul.u32 $0x82, v1;
	v1 =	vld [tilespmem:s4+$0x0]  }
0x2a: {  	s5 =	simm.s32 $0x100;
	v5 =	vmax.f32 v8, $0.0e+00;
	v4 =	vadd.f32 $5.000000000e-01, v4;
	v6 =	vnsel vm15, $0x7F, v7  }
.LBB2_2:
0x2b: {  	p0 =	sne.s32 s5, $0x1FC0;
	v7 =	vld [tilespmem:s4+$0x800];
	v2 =	vmul.f32 $6.400000000e+01, v2;
	v5 =	vtrunc.f32 v5;
	v3 =	vadd.s32 v6, v3  }
0x2c: {  	v4 =	vmax.f32 v4, $0.0e+00;
	v5 =	vcvt.f32.s32 v5;
	[tilespmem:s29+$0x1000] =	vst v3;
	s29 =	smov.u32 s0;
	s0 =	smov.u32 s24;
	s24 =	smov.u32 s4  }
.Ltmp0:
0x2d: {  	v3 =	vmul.f32 $6.400000000e+01, v0;
	v2 =	vadd.f32 $-5.000000000e-01, v2;
	v4 =	vtrunc.f32 v4;
	(pc) =	sbr.rel @p0 .LBB2_2-.Ltmp0, $4  }
0x2e: {  	v0 =	vadd.f32 $1.000000000e+00, v1;
	v6 =	vcvt.f32.s32 v4;
	vm0 =	vlt.s32 v5, $0x7F  }
0x2f: {  	s4 =	sshra.s32 s5, $0x2;
	v4 =	vadd.f32 $-5.000000000e-01, v3;
	v8 =	vadd.f32 $5.000000000e-01, v2;
	v3 =	vnsel vm0, $0x7F, v5  }
0x30: {  	v1 =	vld [tilespmem:s4+$0x0];
	v2 =	vadd.f32 $1.000000000e+00, v7;
	vm0 =	vlt.s32 v6, $0x7F;
	v3 =	vmul.u32 $0x82, v3  }
0x31: {  	s5 =	sadd.s32 $0x40, s5;
	v4 =	vadd.f32 $5.000000000e-01, v4;
	v5 =	vmax.f32 v8, $0.0e+00;
	v6 =	vnsel vm0, $0x7F, v6  }
0x32: {  	v7 =	vld [tilespmem:s4+$0x800];
	_ =	sdelay $0x3  }
0x33: {  	v2 =	vmul.f32 $6.400000000e+01, v2;
	v5 =	vtrunc.f32 v5  }
0x34: {  	v3 =	vadd.s32 v6, v3;
	v0 =	vmul.f32 $6.400000000e+01, v0;
	v60 =	vadd.f32 $1.000000000e+00, v7  }
0x35: {  	v4 =	vmax.f32 v4, $0.0e+00;
	v5 =	vcvt.f32.s32 v5;
	v2 =	vadd.f32 $-5.000000000e-01, v2  }
0x36: {  	v4 =	vtrunc.f32 v4;
	v1 =	vadd.f32 $1.000000000e+00, v1;
	v6 =	vmul.f32 $6.400000000e+01, v60  }
0x37: {  	v0 =	vadd.f32 $-5.000000000e-01, v0;
	v4 =	vcvt.f32.s32 v4;
	vm0 =	vlt.s32 v5, $0x7F  }
0x38: {  	v2 =	vadd.f32 $5.000000000e-01, v2;
	v1 =	vmul.f32 $6.400000000e+01, v1;
	v6 =	vadd.f32 $-5.000000000e-01, v6  }
0x39: {  	v5 =	vnsel vm0, $0x7F, v5;
	v0 =	vadd.f32 $5.000000000e-01, v0;
	vm11 =	vlt.s32 v4, $0x7F  }
0x3a: {  	v5 =	vmul.u32 $0x82, v5;
	v1 =	vadd.f32 $-5.000000000e-01, v1;
	v6 =	vadd.f32 $5.000000000e-01, v6  }
0x3b: {  	v2 =	vmax.f32 v2, $0.0e+00;
	v4 =	vnsel vm11, $0x7F, v4;
	v0 =	vmax.f32 v0, $0.0e+00  }
0x3c: {  	v2 =	vtrunc.f32 v2;
	v1 =	vadd.f32 $5.000000000e-01, v1;
	v61 =	vmax.f32 v6, $0.0e+00  }
0x3d: {  	v4 =	vadd.s32 v4, v5;
	v2 =	vcvt.f32.s32 v2;
	v5 =	vtrunc.f32 v61  }
0x3e: {  	v0 =	vtrunc.f32 v0;
	v1 =	vmax.f32 v1, $0.0e+00;
	v5 =	vcvt.f32.s32 v5  }
0x3f: {  	v0 =	vcvt.f32.s32 v0;
	vm12 =	vlt.s32 v2, $0x7F;
	v1 =	vtrunc.f32 v1  }
0x40: {  	v2 =	vnsel vm12, $0x7F, v2;
	v1 =	vcvt.f32.s32 v1;
	vm13 =	vlt.s32 v5, $0x7F  }
0x41: {  	vm14 =	vlt.s32 v0, $0x7F;
	v2 =	vmul.u32 $0x82, v2;
	v5 =	vnsel vm13, $0x7F, v5  }
0x42: {  	[tilespmem:s29+$0x1000] =	vst v3;
	v0 =	vnsel vm14, $0x7F, v0;
	vm15 =	vlt.s32 v1, $0x7F;
	v62 =	vmul.u32 $0x82, v5  }
0x43: {  	[tilespmem:s0+$0x1000] =	vst v4;
	v0 =	vadd.s32 v0, v2;
	v1 =	vnsel vm15, $0x7F, v1  }
0x44: {  	[tilespmem:s24+$0x1000] =	vst v0;
	v63 =	vadd.s32 v1, v62  }
0x45: {  	[tilespmem:s4+$0x1000] =	vst v63;
	s4 =	simm.s32 $0x1000  }
0x46: {  	[tilespmem:s28], [sflag:$0x1] =	stream.indirect.gather [hbm4b:s3+s25], $0x80, s4, s25, $0xb8;
	[tilespmem:$0x9800] =	vst v63  }
0x47: {  	s5 =	simm.s32 $0x1080  }
0x48: {  	[tilespmem:s30], [sflag:$0x2] =	stream.indirect.gather [hbm4b:s3+s25], $0x80, s5, s25, $0xb8;
	[tilespmem:$0x9800] =	vst v63  }
0x49: {  	_ =	swait.ge [sflag:s31], $0x4000  }
0x4a: {  	[sflag:s31] =	ssyncset.done $0x0  }
0x4b: {  	[sflag:s31] =	ssyncadd.s32 $0xFFFFC000  }
0x4c: {  	[hbm4b:s6+s2] =	stream.linear.scatter [tilespmem:s28], [sflag:$0x3], $0x4000, $0x38;
	[tilespmem:$0x9800] =	vst v63  }
0x4d: {  	_ =	swait.ge [sflag:s23], $0x4000  }
0x4e: {  	[sflag:s23] =	ssyncset.done $0x0  }
0x4f: {  	s24 =	simm.s32 $0x1100;
	[sflag:s23] =	ssyncadd.s32 $0xFFFFC000  }
0x50: {  	[tilespmem:s28], [sflag:$0x1] =	stream.indirect.gather [hbm4b:s3+s25], $0x80, s24, s25, $0xb8;
	[tilespmem:$0x9800] =	vst v63  }
0x51: {  	_ =	swait.ge [sflag:s1], $0x4000  }
0x52: {  	[sflag:s1] =	ssyncset.done $0x0  }
0x53: {  	[sflag:s1] =	ssyncadd.s32 $0xFFFFC000  }
0x54: {  	[hbm4b:s7+s2] =	stream.linear.scatter [tilespmem:s30], [sflag:$0x3], $0x4000, $0x38;
	[tilespmem:$0x9800] =	vst v63  }
0x55: {  	_ =	swait.ge [sflag:s23], $0x4000  }
0x56: {  	[sflag:s23] =	ssyncset.done $0x0  }
0x57: {  	s29 =	simm.s32 $0x1180;
	[sflag:s23] =	ssyncadd.s32 $0xFFFFC000  }
0x58: {  	[tilespmem:s30], [sflag:$0x2] =	stream.indirect.gather [hbm4b:s3+s25], $0x80, s29, s25, $0xb8;
	[tilespmem:$0x9800] =	vst v63  }
0x59: {  	_ =	swait.ge [sflag:s31], $0x4000  }
0x5a: {  	[sflag:s31] =	ssyncset.done $0x0  }
0x5b: {  	[sflag:s31] =	ssyncadd.s32 $0xFFFFC000  }
0x5c: {  	[hbm4b:s10+s2] =	stream.linear.scatter [tilespmem:s28], [sflag:$0x3], $0x4000, $0x38;
	[tilespmem:$0x9800] =	vst v63  }
0x5d: {  	_ =	swait.ge [sflag:s23], $0x4000  }
0x5e: {  	[sflag:s23] =	ssyncset.done $0x0  }
0x5f: {  	s4 =	simm.s32 $0x1200;
	[sflag:s23] =	ssyncadd.s32 $0xFFFFC000  }
0x60: {  	[tilespmem:s28], [sflag:$0x1] =	stream.indirect.gather [hbm4b:s3+s25], $0x80, s4, s25, $0xb8;
	[tilespmem:$0x9800] =	vst v63  }
0x61: {  	_ =	swait.ge [sflag:s1], $0x4000  }
0x62: {  	[sflag:s1] =	ssyncset.done $0x0  }
0x63: {  	[sflag:s1] =	ssyncadd.s32 $0xFFFFC000  }
0x64: {  	[hbm4b:s11+s2] =	stream.linear.scatter [tilespmem:s30], [sflag:$0x3], $0x4000, $0x38;
	[tilespmem:$0x9800] =	vst v63  }
0x65: {  	_ =	swait.ge [sflag:s23], $0x4000  }
0x66: {  	[sflag:s23] =	ssyncset.done $0x0  }
0x67: {  	s5 =	simm.s32 $0x1280;
	[sflag:s23] =	ssyncadd.s32 $0xFFFFC000  }
0x68: {  	[tilespmem:s30], [sflag:$0x2] =	stream.indirect.gather [hbm4b:s3+s25], $0x80, s5, s25, $0xb8;
	[tilespmem:$0x9800] =	vst v63  }
0x69: {  	_ =	swait.ge [sflag:s31], $0x4000  }
0x6a: {  	[sflag:s31] =	ssyncset.done $0x0  }
0x6b: {  	[sflag:s31] =	ssyncadd.s32 $0xFFFFC000  }
0x6c: {  	[hbm4b:s12+s2] =	stream.linear.scatter [tilespmem:s28], [sflag:$0x3], $0x4000, $0x38;
	[tilespmem:$0x9800] =	vst v63  }
0x6d: {  	_ =	swait.ge [sflag:s23], $0x4000  }
0x6e: {  	[sflag:s23] =	ssyncset.done $0x0  }
0x6f: {  	s24 =	simm.s32 $0x1300;
	[sflag:s23] =	ssyncadd.s32 $0xFFFFC000  }
0x70: {  	[tilespmem:s28], [sflag:$0x1] =	stream.indirect.gather [hbm4b:s3+s25], $0x80, s24, s25, $0xb8;
	[tilespmem:$0x9800] =	vst v63  }
0x71: {  	_ =	swait.ge [sflag:s1], $0x4000  }
0x72: {  	[sflag:s1] =	ssyncset.done $0x0  }
0x73: {  	[sflag:s1] =	ssyncadd.s32 $0xFFFFC000  }
0x74: {  	[hbm4b:s13+s2] =	stream.linear.scatter [tilespmem:s30], [sflag:$0x3], $0x4000, $0x38;
	[tilespmem:$0x9800] =	vst v63  }
0x75: {  	_ =	swait.ge [sflag:s23], $0x4000  }
0x76: {  	[sflag:s23] =	ssyncset.done $0x0  }
0x77: {  	s29 =	simm.s32 $0x1380;
	[sflag:s23] =	ssyncadd.s32 $0xFFFFC000  }
0x78: {  	[tilespmem:s30], [sflag:$0x2] =	stream.indirect.gather [hbm4b:s3+s25], $0x80, s29, s25, $0xb8;
	[tilespmem:$0x9800] =	vst v63  }
0x79: {  	_ =	swait.ge [sflag:s31], $0x4000  }
0x7a: {  	[sflag:s31] =	ssyncset.done $0x0  }
0x7b: {  	[sflag:s31] =	ssyncadd.s32 $0xFFFFC000  }
0x7c: {  	[hbm4b:s14+s2] =	stream.linear.scatter [tilespmem:s28], [sflag:$0x3], $0x4000, $0x38;
	[tilespmem:$0x9800] =	vst v63  }
0x7d: {  	_ =	swait.ge [sflag:s23], $0x4000  }
0x7e: {  	[sflag:s23] =	ssyncset.done $0x0  }
0x7f: {  	s4 =	simm.s32 $0x1400;
	[sflag:s23] =	ssyncadd.s32 $0xFFFFC000  }
0x80: {  	[tilespmem:s28], [sflag:$0x1] =	stream.indirect.gather [hbm4b:s3+s25], $0x80, s4, s25, $0xb8;
	[tilespmem:$0x9800] =	vst v63  }
0x81: {  	_ =	swait.ge [sflag:s1], $0x4000  }
0x82: {  	[sflag:s1] =	ssyncset.done $0x0  }
0x83: {  	[sflag:s1] =	ssyncadd.s32 $0xFFFFC000  }
0x84: {  	[hbm4b:s15+s2] =	stream.linear.scatter [tilespmem:s30], [sflag:$0x3], $0x4000, $0x38;
	[tilespmem:$0x9800] =	vst v63  }
0x85: {  	_ =	swait.ge [sflag:s23], $0x4000  }
0x86: {  	[sflag:s23] =	ssyncset.done $0x0  }
0x87: {  	s5 =	simm.s32 $0x1480;
	[sflag:s23] =	ssyncadd.s32 $0xFFFFC000  }
0x88: {  	[tilespmem:s30], [sflag:$0x2] =	stream.indirect.gather [hbm4b:s3+s25], $0x80, s5, s25, $0xb8;
	[tilespmem:$0x9800] =	vst v63  }
0x89: {  	_ =	swait.ge [sflag:s31], $0x4000  }
0x8a: {  	[sflag:s31] =	ssyncset.done $0x0  }
0x8b: {  	[sflag:s31] =	ssyncadd.s32 $0xFFFFC000  }
0x8c: {  	[hbm4b:s16+s2] =	stream.linear.scatter [tilespmem:s28], [sflag:$0x3], $0x4000, $0x38;
	[tilespmem:$0x9800] =	vst v63  }
0x8d: {  	_ =	swait.ge [sflag:s23], $0x4000  }
0x8e: {  	[sflag:s23] =	ssyncset.done $0x0  }
0x8f: {  	s24 =	simm.s32 $0x1500;
	[sflag:s23] =	ssyncadd.s32 $0xFFFFC000  }
0x90: {  	[tilespmem:s28], [sflag:$0x1] =	stream.indirect.gather [hbm4b:s3+s25], $0x80, s24, s25, $0xb8;
	[tilespmem:$0x9800] =	vst v63  }
0x91: {  	_ =	swait.ge [sflag:s1], $0x4000  }
0x92: {  	[sflag:s1] =	ssyncset.done $0x0  }
0x93: {  	[sflag:s1] =	ssyncadd.s32 $0xFFFFC000  }
0x94: {  	[hbm4b:s17+s2] =	stream.linear.scatter [tilespmem:s30], [sflag:$0x3], $0x4000, $0x38;
	[tilespmem:$0x9800] =	vst v63  }
0x95: {  	_ =	swait.ge [sflag:s23], $0x4000  }
0x96: {  	[sflag:s23] =	ssyncset.done $0x0  }
0x97: {  	s29 =	simm.s32 $0x1580;
	[sflag:s23] =	ssyncadd.s32 $0xFFFFC000  }
0x98: {  	[tilespmem:s30], [sflag:$0x2] =	stream.indirect.gather [hbm4b:s3+s25], $0x80, s29, s25, $0xb8;
	[tilespmem:$0x9800] =	vst v63  }
0x99: {  	_ =	swait.ge [sflag:s31], $0x4000  }
0x9a: {  	[sflag:s31] =	ssyncset.done $0x0  }
0x9b: {  	[sflag:s31] =	ssyncadd.s32 $0xFFFFC000  }
0x9c: {  	[hbm4b:s18+s2] =	stream.linear.scatter [tilespmem:s28], [sflag:$0x3], $0x4000, $0x38;
	[tilespmem:$0x9800] =	vst v63  }
0x9d: {  	_ =	swait.ge [sflag:s23], $0x4000  }
0x9e: {  	[sflag:s23] =	ssyncset.done $0x0  }
0x9f: {  	s4 =	simm.s32 $0x1600;
	[sflag:s23] =	ssyncadd.s32 $0xFFFFC000  }
0xa0: {  	[tilespmem:s28], [sflag:$0x1] =	stream.indirect.gather [hbm4b:s3+s25], $0x80, s4, s25, $0xb8;
	[tilespmem:$0x9800] =	vst v63  }
0xa1: {  	_ =	swait.ge [sflag:s1], $0x4000  }
0xa2: {  	[sflag:s1] =	ssyncset.done $0x0  }
0xa3: {  	[sflag:s1] =	ssyncadd.s32 $0xFFFFC000  }
0xa4: {  	[hbm4b:s19+s2] =	stream.linear.scatter [tilespmem:s30], [sflag:$0x3], $0x4000, $0x38;
	[tilespmem:$0x9800] =	vst v63  }
0xa5: {  	_ =	swait.ge [sflag:s23], $0x4000  }
0xa6: {  	[sflag:s23] =	ssyncset.done $0x0  }
0xa7: {  	s5 =	simm.s32 $0x1680;
	[sflag:s23] =	ssyncadd.s32 $0xFFFFC000  }
0xa8: {  	[tilespmem:s30], [sflag:$0x2] =	stream.indirect.gather [hbm4b:s3+s25], $0x80, s5, s25, $0xb8;
	[tilespmem:$0x9800] =	vst v63  }
0xa9: {  	_ =	swait.ge [sflag:s31], $0x4000  }
0xaa: {  	[sflag:s31] =	ssyncset.done $0x0  }
0xab: {  	[sflag:s31] =	ssyncadd.s32 $0xFFFFC000  }
0xac: {  	[hbm4b:s21+s2] =	stream.linear.scatter [tilespmem:s28], [sflag:$0x3], $0x4000, $0x38;
	[tilespmem:$0x9800] =	vst v63  }
0xad: {  	_ =	swait.ge [sflag:s23], $0x4000  }
0xae: {  	[sflag:s23] =	ssyncset.done $0x0  }
0xaf: {  	s24 =	simm.s32 $0x1700;
	[sflag:s23] =	ssyncadd.s32 $0xFFFFC000  }
0xb0: {  	[tilespmem:s28], [sflag:$0x1] =	stream.indirect.gather [hbm4b:s3+s25], $0x80, s24, s25, $0xb8;
	[tilespmem:$0x9800] =	vst v63  }
0xb1: {  	_ =	swait.ge [sflag:s1], $0x4000  }
0xb2: {  	[sflag:s1] =	ssyncset.done $0x0  }
0xb3: {  	[sflag:s1] =	ssyncadd.s32 $0xFFFFC000  }
0xb4: {  	[hbm4b:s22+s2] =	stream.linear.scatter [tilespmem:s30], [sflag:$0x3], $0x4000, $0x38;
	[tilespmem:$0x9800] =	vst v63  }
0xb5: {  	_ =	swait.ge [sflag:s23], $0x4000  }
0xb6: {  	[sflag:s23] =	ssyncset.done $0x0  }
0xb7: {  	s29 =	simm.s32 $0x1780;
	[sflag:s23] =	ssyncadd.s32 $0xFFFFC000  }
0xb8: {  	[tilespmem:s30], [sflag:$0x2] =	stream.indirect.gather [hbm4b:s3+s25], $0x80, s29, s25, $0xb8;
	[tilespmem:$0x9800] =	vst v63  }
0xb9: {  	_ =	swait.ge [sflag:s31], $0x4000  }
0xba: {  	[sflag:s31] =	ssyncset.done $0x0  }
0xbb: {  	[sflag:s31] =	ssyncadd.s32 $0xFFFFC000  }
0xbc: {  	[hbm4b:s8+s2] =	stream.linear.scatter [tilespmem:s28], [sflag:$0x3], $0x4000, $0x38;
	[tilespmem:$0x9800] =	vst v63  }
0xbd: {  	_ =	swait.ge [sflag:s23], $0x4000  }
0xbe: {  	[sflag:s23] =	ssyncset.done $0x0  }
0xbf: {  	[sflag:s23] =	ssyncadd.s32 $0xFFFFC000  }
0xc0: {  	s26 =	sadd.s32 $0x1, s26;
	_ =	swait.ge [sflag:s1], $0x4000  }
0xc1: {  	p0 =	sne.s32 s26, s20;
	[sflag:s1] =	ssyncset.done $0x0  }
.Ltmp1:
0xc2: {  	[sflag:s1] =	ssyncadd.s32 $0xFFFFC000;
	(pc) =	sbr.rel @p0 .LBB2_1-.Ltmp1, $4  }
0xc3: {  	[hbm4b:s9+s2] =	stream.linear.scatter [tilespmem:s30], [sflag:$0x3], $0x4000, $0x38;
	[tilespmem:$0x9800] =	vst v63  }
0xc4: {  	_ =	swait.ge [sflag:s23], $0x4000  }
0xc5: {  	[sflag:s23] =	ssyncset.done $0x0  }
0xc6: {  	[sflag:s23] =	ssyncadd.s32 $0xFFFFC000  }
0xc7: {  	_ =	sfence.sel $0x180000  }
0xc8: {  	[bflag:$0x0] =	sbarrier.arrive $0xFFFF  }
0xc9: {  	_ =	strace $0x90000050  }
0xca: {  	s0 =	stileid.u32;
	[bflag:$0x2] =	sbarrier.arrive $0xFFFF  }
0xcb: {  	p0 =	sne.s32 s0, $0x0;
	s0 =	rddreg [dreg:$0x1]  }
0xcc: {  	s0 =	sadd.s32 @!p0 $0x100000, s0  }
0xcd: {  	[sflag:s0] =	ssyncadd.tile.s32 @!p0 $0x1;
	_ =	shalt  }
.Lfunc_end2:
_tile_overlayer_lowered:
.L_overlay_start_2:
0xce: {  	(tag) =	ssettag $0x2  }
0xcf: {  	s0 =	rddreg [dreg:$0x0];
	s2 =	stileid.u32  }
0xd0: {  	s1 =	rddreg [dreg:$0x1];
	p0 =	sne.s32 s2, $0x0  }
0xd1: {  	s3 =	rddreg [dreg:$0x2];
	[bflag:$0x3] =	sbarrier.arrive $0xFFFF;
	s2 =	simm.s32 @!p0 $0x1C03  }
0xd2: {  	[timem:s3], [sflag:s2] =	dma.local @!p0 [hbm:s0], s1  }
0xd3: {  	s0 =	simm.s32 @!p0 $0x3  }
0xd4: {  	_ =	swait.ge @!p0 [sflag:s0], s1  }
0xd5: {  	s1 =	ssub.s32 @!p0 $0x0, s1;
	[sflag:s0] =	ssyncset.done @!p0 $0x0  }
0xd6: {  	[sflag:s0] =	ssyncadd.s32 @!p0 s1  }
0xd7: {  	[bflag:$0x3] =	sbarrier.arrive $0xFFFF  }
0xd8: {  	_ =	shalt  }

// kernel: kernel.14.cloned.1.call-start
scs
__scs_entry_jumppad:
0x0: {  	(pc) =	sbr.rel $0x88, $3  }
0x1: {  	(tag) =	ssettag $0x0;
	lr =	simm.s32 $0x1  }
0x2: {  	[smem:$0x3F8E] =	sst lr;
	_ =	strace $0xD0000000  }
0x3: {  	_ = 	snop  }
0x4: {  	_ = 	snop  }
0x5: {  	_ = 	snop  }
0x6: {  	_ = 	snop  }
0x7: {  	_ = 	snop  }
__scs_overlays_trampoline_lowered:
0x8: {  	[smem:$0x3F9D] =	sst s0  }
0x9: {  	[smem:$0x3F9E] =	sst s1  }
0xa: {  	[smem:$0x3F9F] =	sst s2  }
0xb: {  	[smem:$0x3FA0] =	sst s3  }
0xc: {  	[smem:$0x3FA1] =	sst s4  }
0xd: {  	[smem:$0x3FA2] =	sst s5  }
0xe: {  	[smem:$0x3FA3] =	sst s6  }
0xf: {  	[smem:$0x3FA4] =	sst s7  }
0x10: {  	[smem:$0x3FA5] =	sst s8  }
0x11: {  	[smem:$0x3FA6] =	sst s9;
	s0 =	simm.s32 @!p0 $0x0  }
0x12: {  	s1 =	sld [smem:$0x3F8C];
	s0 =	simm.s32 @p0 $0x1  }
0x13: {  	[smem:$0x3FA7] =	sst s0;
	s0 =	simm.s32 @!p1 $0x0  }
0x14: {  	s2 =	sld [smem:$0x3F8B];
	s0 =	simm.s32 @p1 $0x1  }
0x15: {  	[smem:$0x3FA8] =	sst s0;
	s0 =	simm.s32 @!p2 $0x0  }
0x16: {  	s3 =	sld [smem:$0x3FDB];
	s0 =	simm.s32 @p2 $0x1  }
0x17: {  	s4 =	simm.s32 $0x1BF5;
	[smem:$0x3FAA] =	sst s0  }
0x18: {  	s0 =	sld [smem:$0x3F8D];
	_ =	swait.ge [sflag:s4], $0x0  }
0x19: {  	s7 =	sld [smem:$0x3F8E]  }
0x1a: {  	s8 =	sadd.s32 $0xFFFFE003, lr  }
0x1b: {  	s9 =	sadd.s32 $0xFFFFFEF7, lr;
	s5 =	simm.s32 $0xFFFFFFFF;
	p2 =	slt.u32 s8, $0xFFFFF086  }
0x1c: {  	p1 =	slt.u32 s9, $0xF7A;
	s5 =	simm.s32 @!p2 $0x0  }
0x1d: {  	s5 =	simm.s32 @p1 $0x1;
	p0 =	seq.s32 s7, s2  }
0x1e: {  	s7 =	smul.u32 @!p0 $0xF7A, s2;
	p2 =	seq.s32 @!p0 s5, $0x0  }
0x1f: {  	s9 =	smul.u32 $0xF7A, s1;
	s8 =	simm.s32 @!p0 $0x1BF5;
	p2 =	por !p2, p0  }
0x20: {  	[sflag:s8] =	ssyncset.s32 @!p0 $0xFFFFF086;
	s6 =	sadd.s32 @!p0 s3, s7;
	s7 =	simm.s32 @!p0 $0x108  }
0x21: {  	s3 =	sadd.s32 s3, s9;
	s6 =	sadd.s32 @!p0 $0x88, s6;
	s7 =	simm.s32 @p2 $0x1082  }
0x22: {  	[simem:s7], [sflag:s8] =	dma.local @!p0 [hbm:s6], $0xF7A  }
0x23: {  	s9 =	sor.u32 $0xD0000000, s2;
	s6 =	simm.s32 $0x108;
	_ =	swait.ge @!p0 [sflag:s8], $0x0  }
0x24: {  	s3 =	sadd.s32 $0x88, s3;
	s6 =	simm.s32 @!p1 $0x1082;
	[sflag:s4] =	ssyncset.s32 $0xFFFFF086  }
0x25: {  	[simem:s6], [sflag:s4] =	dma.local [hbm:s3], $0xF7A  }
0x26: {  	[smem:$0x3F8E] =	sst s1;
	(tag) =	ssettag s2;
	_ =	strace s9  }
0x27: {  	s1 =	sld [smem:$0x3F9E]  }
0x28: {  	s2 =	sld [smem:$0x3F9F]  }
0x29: {  	s4 =	sld [smem:$0x3FA1]  }
0x2a: {  	p0 =	seq.s32 s5, $0x0;
	s5 =	sld [smem:$0x3FA2]  }
0x2b: {  	s6 =	sld [smem:$0x3FA3]  }
0x2c: {  	s7 =	sld [smem:$0x3FA4]  }
0x2d: {  	s3 =	simm.s32 $0x108;
	s8 =	sld [smem:$0x3FA5]  }
0x2e: {  	s3 =	simm.s32 @!p0 $0x1082;
	s9 =	sld [smem:$0x3FA6]  }
0x2f: {  	lr =	sadd.s32 s0, s3;
	s0 =	sld [smem:$0x3F9D]  }
0x30: {  	s3 =	sld [smem:$0x3FA0]  }
0x31: {  	[smem:$0x3FA9] =	sst s10  }
0x32: {  	s10 =	sld [smem:$0x3FA7];
	_ =	sdelay $0x3  }
0x33: {  	p0 =	seq.s32 s10, $0x1;
	s10 =	sld [smem:$0x3FA9];
	_ =	sdelay $0x3  }
0x34: {  	[smem:$0x3FA9] =	sst s10  }
0x35: {  	s10 =	sld [smem:$0x3FA8];
	_ =	sdelay $0x3  }
0x36: {  	p1 =	seq.s32 s10, $0x1;
	s10 =	sld [smem:$0x3FA9];
	_ =	sdelay $0x3  }
0x37: {  	[smem:$0x3FA9] =	sst s10  }
0x38: {  	s10 =	sld [smem:$0x3FAA]  }
0x39: {  	_ = 	snop;
	(pc) =	sbr.ind lr, $3  }
0x3a: {  	_ = 	snop  }
0x3b: {  	_ = 	snop  }
0x3c: {  	p2 =	seq.s32 s10, $0x1;
	s10 =	sld [smem:$0x3FA9]  }
0x3d: {  	_ =	shalt  }
0x3e: {  	_ =	shalt  }
0x3f: {  	_ =	shalt  }
0x40: {  	_ =	shalt  }
0x41: {  	_ =	shalt  }
0x42: {  	_ =	shalt  }
0x43: {  	_ =	shalt  }
0x44: {  	_ =	shalt  }
0x45: {  	_ =	shalt  }
0x46: {  	_ =	shalt  }
0x47: {  	_ =	shalt  }
0x48: {  	_ =	shalt  }
0x49: {  	_ =	shalt  }
0x4a: {  	_ =	shalt  }
0x4b: {  	_ =	shalt  }
0x4c: {  	_ =	shalt  }
0x4d: {  	_ =	shalt  }
0x4e: {  	_ =	shalt  }
0x4f: {  	_ =	shalt  }
0x50: {  	_ =	shalt  }
0x51: {  	_ =	shalt  }
0x52: {  	_ =	shalt  }
0x53: {  	_ =	shalt  }
0x54: {  	_ =	shalt  }
0x55: {  	_ =	shalt  }
0x56: {  	_ =	shalt  }
0x57: {  	_ =	shalt  }
0x58: {  	_ =	shalt  }
0x59: {  	_ =	shalt  }
0x5a: {  	_ =	shalt  }
0x5b: {  	_ =	shalt  }
0x5c: {  	_ =	shalt  }
0x5d: {  	_ =	shalt  }
0x5e: {  	_ =	shalt  }
0x5f: {  	_ =	shalt  }
0x60: {  	_ =	shalt  }
0x61: {  	_ =	shalt  }
0x62: {  	_ =	shalt  }
0x63: {  	_ =	shalt  }
0x64: {  	_ =	shalt  }
0x65: {  	_ =	shalt  }
0x66: {  	_ =	shalt  }
0x67: {  	_ =	shalt  }
0x68: {  	_ =	shalt  }
0x69: {  	_ =	shalt  }
0x6a: {  	_ =	shalt  }
0x6b: {  	_ =	shalt  }
0x6c: {  	_ =	shalt  }
0x6d: {  	_ =	shalt  }
0x6e: {  	_ =	shalt  }
0x6f: {  	_ =	shalt  }
0x70: {  	_ =	shalt  }
0x71: {  	_ =	shalt  }
0x72: {  	_ =	shalt  }
0x73: {  	_ =	shalt  }
0x74: {  	_ =	shalt  }
0x75: {  	_ =	shalt  }
0x76: {  	_ =	shalt  }
0x77: {  	_ =	shalt  }
0x78: {  	_ =	shalt  }
0x79: {  	_ =	shalt  }
0x7a: {  	_ =	shalt  }
0x7b: {  	_ =	shalt  }
0x7c: {  	_ =	shalt  }
0x7d: {  	_ =	shalt  }
0x7e: {  	_ =	shalt  }
0x7f: {  	_ =	shalt  }
0x80: {  	_ =	shalt  }
0x81: {  	_ =	shalt  }
0x82: {  	_ =	shalt  }
0x83: {  	_ =	shalt  }
0x84: {  	_ =	shalt  }
0x85: {  	_ =	shalt  }
0x86: {  	_ =	shalt  }
0x87: {  	_ =	shalt  }
.Lfunc_end0:
.L_simem_size_0:
called_computation.1_lowered:
.L_overlay_start_0:
0x88: {  	s2 =	sld [smem:$0x3FD9]  }
0x89: {  	s3 =	sld [smem:$0x3FFE];
	_ =	sdelay $0x1  }
0x8a: {  	s1 =	srdreg.scid  }
0x8b: {  	s0 =	sand.u32 $0x1, s1  }
0x8c: {  	s17 =	sshll.u32 s0, $0xA;
	s2 =	sadd.s32 s3, s2  }
0x8d: {  	s2 =	sadd.s32 s2, s17  }
0x8e: {  	[smem:$0x3FB5] =	sst s2  }
0x8f: {  	_ = 	snop  }
0x90: {  	(tm) =	ssettm $0x1  }
0x91: {  	s18 =	sld [smem:$0x3FFB];
	_ =	sdelay $0x3  }
0x92: {  	_ =	strace s18  }
0x93: {  	s2 =	sld [smem:$0x3FFC];
	_ =	sdelay $0x3  }
0x94: {  	_ =	strace s2  }
0x95: {  	s2 =	sld [smem:$0x3FFD];
	_ =	sdelay $0x3  }
0x96: {  	_ =	strace s2  }
0x97: {  	_ =	strace $0x8FFFFFFF  }
0x98: {  	s19 =	sld [smem:$0x3FDB];
	_ =	sdelay $0x1  }
0x99: {  	s20 =	simm.s32 $_scs_section_size  }
0x9a: {  	s4 =	simm.s32 $_size__tile_overlayer_lowered;
	s5 =	simm.s32 $_tile_overlayer_lowered  }
0x9b: {  	s6 =	simm.s32 $0x1BFF;
	s21 =	sshll.u32 s5, $0x1;
	s3 =	sadd.s32 s20, s19  }
0x9c: {  	s22 =	simm.s32 $0x0;
	s4 =	sshll.u32 s4, $0x1;
	s5 =	sadd.s32 s21, s3  }
0x9d: {  	[timem:s22], [sflag:s6] =	dma.local [hbm:s5], s4  }
0x9e: {  	_ =	swait.ge [sflag:s6], s4  }
0x9f: {  	s4 =	ssub.s32 $0x0, s4;
	[sflag:s6] =	ssyncset.done $0x0  }
0xa0: {  	[sflag:s6] =	ssyncadd.s32 s4;
	_ =	sdelay $0x1  }
0xa1: {  	s23 =	simm.s32 $0x1B8B  }
0xa2: {  	_ =	swait.ge [sflag:s23], $0x1  }
0xa3: {  	[sflag:s23] =	ssyncset.done $0x0  }
0xa4: {  	[sflag:s23] =	ssyncadd.s32 $0xFFFFFFFF  }
0xa5: {  	s4 =	sld [smem:$0x0]  }
0xa6: {  	s5 =	sand.u32 $0xFFFFFFFE, s1  }
0xa7: {  	p0 =	sne.s32 s1, s5  }
0xa8: {  	s5 =	sshll.u32 @p0 s5, $0xE  }
0xa9: {  	s5 =	sadd.s32 @p0 $0x11B8D, s5;
	s6 =	sshll.u32 @p0 s4, $0x11  }
0xaa: {  	s5 =	sor.u32 @p0 s6, s5  }
0xab: {  	[sflag:s5] =	ssyncadd.remote.s32 @p0 $0x1;
	_ =	sdelay $0x1  }
0xac: {  	s5 =	simm.s32 @p0 $0x1B8D  }
0xad: {  	_ =	swait.eq @p0 [sflag:s5], $0x1  }
0xae: {  	[sflag:s5] =	ssyncadd.s32 @p0 $0xFFFFFFFF  }
0xaf: {  	s6 =	sshll.u32 @!p0 s1, $0xE  }
0xb0: {  	s6 =	sor.u32 @!p0 $0x4000, s6;
	s5 =	simm.s32 @!p0 $0x1B8D  }
0xb1: {  	s4 =	sshll.u32 @!p0 s4, $0x11;
	s6 =	sadd.s32 @!p0 $0x11B8D, s6;
	_ =	swait.eq @!p0 [sflag:s5], $0x1  }
0xb2: {  	s4 =	sor.u32 @!p0 s4, s6;
	[sflag:s5] =	ssyncadd.s32 @!p0 $0xFFFFFFFF  }
0xb3: {  	s25 =	simm.s32 $0x1B8E;
	s24 =	sld [smem:$0x3FFE];
	[sflag:s4] =	ssyncadd.remote.s32 @!p0 $0x1  }
0xb4: {  	s26 =	simm.s32 $execute0_lowered;
	[smem:$0x3FD2] =	sst s25  }
0xb5: {  	s5 =	sshll.u32 s26, $0x1;
	_ =	strace $0x8000004C;
	[dreg:$0x1] =	wrdreg $0xFFFFFFFF  }
0xb6: {  	s28 =	simm.s32 $_size_execute0_lowered;
	s3 =	sadd.s32 s3, s5;
	[dreg:$0x0] =	wrdreg $0x0  }
0xb7: {  	s5 =	sshll.u32 s28, $0x1;
	[dreg:$0x2] =	wrdreg s3  }
0xb8: {  	[dreg:$0x3] =	wrdreg s5  }
0xb9: {  	[dreg:$0x4] =	wrdreg $0xC0  }
0xba: {  	_ =	task [dreg:s22], $0x5FFFF  }
0xbb: {  	[dreg:$0x1] =	wrdreg $0xFFFFFFFF  }
0xbc: {  	[dreg:$0x0] =	wrdreg $0x60  }
0xbd: {  	[dreg:$0x2] =	wrdreg s24  }
0xbe: {  	[dreg:$0x3] =	wrdreg $0xA  }
0xbf: {  	_ =	task.clear_ibuf [dreg:s22], $0x4FFFF;
	_ =	strace $0x9000004C  }
0xc0: {  	s29 =	simm.s32 $0xA;
	_ =	strace $0x8000004E  }
0xc1: {  	_ =	swait.ge [sflag:s29], $0x1  }
0xc2: {  	[sflag:s29] =	ssyncadd.s32 $0xFFFFFFFF  }
0xc3: {  	_ =	strace $0x9000004E  }
0xc4: {  	_ =	sfence  }
0xc5: {  	s30 =	sld [smem:$0x0];
	_ =	sdelay $0x2  }
0xc6: {  	s31 =	sshll.u32 s1, $0xD;
	s1 =	sshrl.u32 s1, $0x2  }
0xc7: {  	s4 =	sand.u32 $0x4000, s31;
	s1 =	sadd.s32 s1, s30  }
0xc8: {  	s0 =	sor.u32 s4, s0;
	s1 =	sshll.u32 s1, $0x11  }
0xc9: {  	s0 =	sor.u32 s1, s0  }
0xca: {  	s0 =	sadd.s32 $0x8F2B, s0  }
0xcb: {  	[sflag:s0] =	ssyncadd.remote.s32 $0x1  }
0xcc: {  	_ =	sfence.sel $0xFFFF  }
0xcd: {  	[dreg:$0x0] =	wrdreg $0xFFFFFFFF;
	(pc) =	sbr.abs _section_cstart, $3  }
0xce: {  	[dreg:$0x1] =	wrdreg $0xFFFFFFFF  }
0xcf: {  	_ =	task.clear_ibuf [dreg:s22], $0x2FFFF;
	_ =	strace $0x9FFFFFFF  }
0xd0: {  	(tm) =	ssettm $0x7FFFFFFF  }
0xd1: {  	_ =	shalt  }
tec
execute0_lowered:
.L_overlay_start_1:
0x0: {  	(tag) =	ssettag $0x1  }
0x1: {  	s1 =	srdreg.scid  }
0x2: {  	s0 =	rddreg [dreg:$0x0];
	s3 =	stileid.u32;
	s1 =	sand.u32 $0x1, s1  }
0x3: {  	s2 =	simm.s32 $0x0;
	s3 =	sshll.u32 s3, $0xC;
	s4 =	sshll.u32 s1, $0xB  }
0x4: {  	s28 =	simm.s32 $0x1800;
	[smem:$0x7FF] =	sst s2;
	s4 =	sor.u32 s4, s3  }
0x5: {  	s30 =	simm.s32 $0x5800;
	_ =	strace $0x8000004D;
	s3 =	sshrl.u32 s4, $0x3  }
0x6: {  	s4 =	sshll.u32 s4, $0x4;
	s5 =	sadd.s32 s3, s0;
	s3 =	sadd.s32 $0x10C00, s0  }
0x7: {  	s0 =	sadd.s32 s4, s0;
	s25 =	sadd.s32 $0xEC00, s5;
	s26 =	sadd.s32 $0xCC00, s5  }
0x8: {  	s23 =	simm.s32 $0x3;
	s6 =	sadd.s32 $0x314C00, s0;
	s7 =	sadd.s32 $0x315400, s0  }
0x9: {  	s31 =	simm.s32 $0x1;
	s8 =	sadd.s32 $0x31BC00, s0;
	s9 =	sadd.s32 $0x31C400, s0  }
0xa: {  	s1 =	ssub.s32 $0x2, s1;
	s10 =	sadd.s32 $0x315C00, s0;
	s11 =	sadd.s32 $0x316400, s0  }
0xb: {  	s29 =	sshrl.u32 s1, $0x1;
	s12 =	sadd.s32 $0x316C00, s0;
	s13 =	sadd.s32 $0x317400, s0  }
0xc: {  	s1 =	ssub.s32 s1, s29;
	s14 =	sadd.s32 $0x317C00, s0;
	s15 =	sadd.s32 $0x318400, s0  }
0xd: {  	s20 =	smax.u32 s1, $0x1;
	s16 =	sadd.s32 $0x318C00, s0;
	s17 =	sadd.s32 $0x319400, s0  }
0xe: {  	s1 =	simm.s32 $0x2;
	s18 =	sadd.s32 $0x319C00, s0;
	s19 =	sadd.s32 $0x31A400, s0  }
0xf: {  	s21 =	sadd.s32 $0x31AC00, s0;
	s22 =	sadd.s32 $0x31B400, s0;
	[dreg:$0x2] =	wrdreg s25  }
0x10: {  	[dreg:$0x3] =	wrdreg s26;
	s25 =	simm.s32 $0x80;
	s26 =	simm.s32 $0x0  }
.LBB2_1:
0x11: {  	s0 =	rddreg [dreg:$0x2]  }
0x12: {  	[tilespmem:s2], [sflag:$0x3] =	stream.linear.gather [hbm4b:s0+s2], $0x800, $0x38;
	[tilespmem:$0x9800] =	vst v63  }
0x13: {  	_ =	swait.ge [sflag:s23], $0x800  }
0x14: {  	[sflag:s23] =	ssyncset.done $0x0  }
0x15: {  	s4 =	simm.s32 $0x800;
	s24 =	rddreg [dreg:$0x3];
	[sflag:s23] =	ssyncadd.s32 $0xFFFFF800  }
0x16: {  	[tilespmem:s4], [sflag:$0x3] =	stream.linear.gather [hbm4b:s24+s2], $0x800, $0x38;
	[tilespmem:$0x9800] =	vst v63  }
0x17: {  	_ =	swait.ge [sflag:s23], $0x800  }
0x18: {  	[sflag:s23] =	ssyncset.done $0x0  }
0x19: {  	s29 =	simm.s32 $0x0;
	[sflag:s23] =	ssyncadd.s32 $0xFFFFF800  }
0x1a: {  	v0 =	vld [tilespmem:s29+$0x800];
	_ =	sdelay $0x1  }
0x1b: {  	v1 =	vld [tilespmem:s29+$0x0];
	_ =	sdelay $0x1  }
0x1c: {  	s0 =	simm.s32 $0x10  }
0x1d: {  	v2 =	vld [tilespmem:s0+$0x800];
	v0 =	vadd.f32 $1.000000000e+00, v0;
	_ =	sdelay $0x1  }
0x1e: {  	v1 =	vadd.f32 $1.000000000e+00, v1;
	v0 =	vmul.f32 $6.400000000e+01, v0;
	_ =	sdelay $0x1  }
0x1f: {  	v3 =	vld [tilespmem:s0+$0x0];
	v1 =	vmul.f32 $6.400000000e+01, v1;
	v0 =	vadd.f32 $-5.000000000e-01, v0  }
0x20: {  	v2 =	vadd.f32 $1.000000000e+00, v2  }
0x21: {  	v1 =	vadd.f32 $-5.000000000e-01, v1;
	v0 =	vadd.f32 $5.000000000e-01, v0  }
0x22: {  	s24 =	simm.s32 $0x20  }
0x23: {  	v4 =	vld [tilespmem:s24+$0x0];
	v2 =	vmul.f32 $6.400000000e+01, v2;
	v1 =	vadd.f32 $5.000000000e-01, v1;
	v0 =	vmax.f32 v0, $0.0e+00  }
0x24: {  	v5 =	vld [tilespmem:s24+$0x800];
	v3 =	vadd.f32 $1.000000000e+00, v3;
	v0 =	vtrunc.f32 v0  }
0x25: {  	v2 =	vadd.f32 $-5.000000000e-01, v2;
	v1 =	vmax.f32 v1, $0.0e+00;
	v6 =	vcvt.f32.s32 v0  }
0x26: {  	v3 =	vmul.f32 $6.400000000e+01, v3;
	v1 =	vtrunc.f32 v1  }
0x27: {  	v8 =	vadd.f32 $5.000000000e-01, v2;
	v7 =	vcvt.f32.s32 v1;
	vm0 =	vlt.s32 v6, $0x7F  }
0x28: {  	s4 =	simm.s32 $0x30;
	v0 =	vadd.f32 $1.000000000e+00, v4;
	v4 =	vadd.f32 $-5.000000000e-01, v3;
	v1 =	vnsel vm0, $0x7F, v6  }
0x29: {  	v2 =	vadd.f32 $1.000000000e+00, v5;
	vm15 =	vlt.s32 v7, $0x7F;
	v3 =	vmul.u32 $0x82, v1;
	v1 =	vld [tilespmem:s4+$0x0]  }
0x2a: {  	s5 =	simm.s32 $0x100;
	v5 =	vmax.f32 v8, $0.0e+00;
	v4 =	vadd.f32 $5.000000000e-01, v4;
	v6 =	vnsel vm15, $0x7F, v7  }
.LBB2_2:
0x2b: {  	p0 =	sne.s32 s5, $0x1FC0;
	v7 =	vld [tilespmem:s4+$0x800];
	v2 =	vmul.f32 $6.400000000e+01, v2;
	v5 =	vtrunc.f32 v5;
	v3 =	vadd.s32 v3, v6  }
0x2c: {  	v4 =	vmax.f32 v4, $0.0e+00;
	v5 =	vcvt.f32.s32 v5;
	v3 =	vadd.s32 $0x4100, v3  }
.Ltmp0:
0x2d: {  	v6 =	vmul.f32 $6.400000000e+01, v0;
	v2 =	vadd.f32 $-5.000000000e-01, v2;
	v4 =	vtrunc.f32 v4;
	[tilespmem:s29+$0x1000] =	vst v3;
	s29 =	smov.u32 s0;
	s0 =	smov.u32 s24;
	(pc) =	sbr.rel @p0 .LBB2_2-.Ltmp0, $4  }
0x2e: {  	s24 =	smov.u32 s4;
	v0 =	vadd.f32 $1.000000000e+00, v1;
	v8 =	vcvt.f32.s32 v4;
	vm0 =	vlt.s32 v5, $0x7F  }
0x2f: {  	s4 =	sshra.s32 s5, $0x2;
	v4 =	vadd.f32 $-5.000000000e-01, v6;
	v6 =	vadd.f32 $5.000000000e-01, v2;
	v3 =	vnsel vm0, $0x7F, v5  }
0x30: {  	v1 =	vld [tilespmem:s4+$0x0];
	v2 =	vadd.f32 $1.000000000e+00, v7;
	vm0 =	vlt.s32 v8, $0x7F;
	v3 =	vmul.u32 $0x82, v3  }
0x31: {  	s5 =	sadd.s32 $0x40, s5;
	v4 =	vadd.f32 $5.000000000e-01, v4;
	v5 =	vmax.f32 v6, $0.0e+00;
	v6 =	vnsel vm0, $0x7F, v8  }
0x32: {  	v7 =	vld [tilespmem:s4+$0x800];
	_ =	sdelay $0x3  }
0x33: {  	v2 =	vmul.f32 $6.400000000e+01, v2;
	v5 =	vtrunc.f32 v5;
	v3 =	vadd.s32 v3, v6  }
0x34: {  	v0 =	vmul.f32 $6.400000000e+01, v0;
	v4 =	vmax.f32 v4, $0.0e+00;
	v60 =	vadd.f32 $1.000000000e+00, v7  }
0x35: {  	v5 =	vcvt.f32.s32 v5;
	v3 =	vadd.s32 $0x4100, v3;
	v2 =	vadd.f32 $-5.000000000e-01, v2  }
0x36: {  	v4 =	vtrunc.f32 v4;
	v1 =	vadd.f32 $1.000000000e+00, v1;
	v6 =	vmul.f32 $6.400000000e+01, v60  }
0x37: {  	v0 =	vadd.f32 $-5.000000000e-01, v0;
	v4 =	vcvt.f32.s32 v4;
	vm0 =	vlt.s32 v5, $0x7F  }
0x38: {  	v2 =	vadd.f32 $5.000000000e-01, v2;
	v1 =	vmul.f32 $6.400000000e+01, v1;
	v6 =	vadd.f32 $-5.000000000e-01, v6  }
0x39: {  	v5 =	vnsel vm0, $0x7F, v5;
	v0 =	vadd.f32 $5.000000000e-01, v0;
	vm11 =	vlt.s32 v4, $0x7F  }
0x3a: {  	v5 =	vmul.u32 $0x82, v5;
	v1 =	vadd.f32 $-5.000000000e-01, v1;
	v6 =	vadd.f32 $5.000000000e-01, v6  }
0x3b: {  	v2 =	vmax.f32 v2, $0.0e+00;
	v4 =	vnsel vm11, $0x7F, v4;
	v0 =	vmax.f32 v0, $0.0e+00  }
0x3c: {  	v2 =	vtrunc.f32 v2;
	v1 =	vadd.f32 $5.000000000e-01, v1;
	v61 =	vmax.f32 v6, $0.0e+00  }
0x3d: {  	v4 =	vadd.s32 v5, v4;
	v2 =	vcvt.f32.s32 v2;
	v5 =	vtrunc.f32 v61  }
0x3e: {  	v0 =	vtrunc.f32 v0;
	v1 =	vmax.f32 v1, $0.0e+00;
	v5 =	vcvt.f32.s32 v5  }
0x3f: {  	v0 =	vcvt.f32.s32 v0;
	vm12 =	vlt.s32 v2, $0x7F;
	v1 =	vtrunc.f32 v1  }
0x40: {  	v2 =	vnsel vm12, $0x7F, v2;
	v1 =	vcvt.f32.s32 v1;
	vm13 =	vlt.s32 v5, $0x7F  }
0x41: {  	vm14 =	vlt.s32 v0, $0x7F;
	v2 =	vmul.u32 $0x82, v2;
	v5 =	vnsel vm13, $0x7F, v5  }
0x42: {  	v0 =	vnsel vm14, $0x7F, v0;
	vm15 =	vlt.s32 v1, $0x7F;
	v5 =	vmul.u32 $0x82, v5  }
0x43: {  	[tilespmem:s29+$0x1000] =	vst v3;
	v62 =	vadd.s32 $0x4100, v4;
	v0 =	vadd.s32 v2, v0;
	v1 =	vnsel vm15, $0x7F, v1  }
0x44: {  	[tilespmem:s0+$0x1000] =	vst v62;
	v0 =	vadd.s32 $0x4100, v0;
	v1 =	vadd.s32 v5, v1  }
0x45: {  	[tilespmem:s24+$0x1000] =	vst v0;
	v63 =	vadd.s32 $0x4100, v1  }
0x46: {  	[tilespmem:s4+$0x1000] =	vst v63;
	s4 =	simm.s32 $0x1000  }
0x47: {  	[tilespmem:s28], [sflag:$0x1] =	stream.indirect.gather [hbm4b:s3+s25], $0x80, s4, s25, $0xb8;
	[tilespmem:$0x9800] =	vst v63  }
0x48: {  	s5 =	simm.s32 $0x1080  }
0x49: {  	[tilespmem:s30], [sflag:$0x2] =	stream.indirect.gather [hbm4b:s3+s25], $0x80, s5, s25, $0xb8;
	[tilespmem:$0x9800] =	vst v63  }
0x4a: {  	_ =	swait.ge [sflag:s31], $0x4000  }
0x4b: {  	[sflag:s31] =	ssyncset.done $0x0  }
0x4c: {  	[sflag:s31] =	ssyncadd.s32 $0xFFFFC000  }
0x4d: {  	[hbm4b:s6+s2] =	stream.linear.scatter [tilespmem:s28], [sflag:$0x3], $0x4000, $0x38;
	[tilespmem:$0x9800] =	vst v63  }
0x4e: {  	_ =	swait.ge [sflag:s23], $0x4000  }
0x4f: {  	[sflag:s23] =	ssyncset.done $0x0  }
0x50: {  	s24 =	simm.s32 $0x1100;
	[sflag:s23] =	ssyncadd.s32 $0xFFFFC000  }
0x51: {  	[tilespmem:s28], [sflag:$0x1] =	stream.indirect.gather [hbm4b:s3+s25], $0x80, s24, s25, $0xb8;
	[tilespmem:$0x9800] =	vst v63  }
0x52: {  	_ =	swait.ge [sflag:s1], $0x4000  }
0x53: {  	[sflag:s1] =	ssyncset.done $0x0  }
0x54: {  	[sflag:s1] =	ssyncadd.s32 $0xFFFFC000  }
0x55: {  	[hbm4b:s7+s2] =	stream.linear.scatter [tilespmem:s30], [sflag:$0x3], $0x4000, $0x38;
	[tilespmem:$0x9800] =	vst v63  }
0x56: {  	_ =	swait.ge [sflag:s23], $0x4000  }
0x57: {  	[sflag:s23] =	ssyncset.done $0x0  }
0x58: {  	s29 =	simm.s32 $0x1180;
	[sflag:s23] =	ssyncadd.s32 $0xFFFFC000  }
0x59: {  	[tilespmem:s30], [sflag:$0x2] =	stream.indirect.gather [hbm4b:s3+s25], $0x80, s29, s25, $0xb8;
	[tilespmem:$0x9800] =	vst v63  }
0x5a: {  	_ =	swait.ge [sflag:s31], $0x4000  }
0x5b: {  	[sflag:s31] =	ssyncset.done $0x0  }
0x5c: {  	[sflag:s31] =	ssyncadd.s32 $0xFFFFC000  }
0x5d: {  	[hbm4b:s10+s2] =	stream.linear.scatter [tilespmem:s28], [sflag:$0x3], $0x4000, $0x38;
	[tilespmem:$0x9800] =	vst v63  }
0x5e: {  	_ =	swait.ge [sflag:s23], $0x4000  }
0x5f: {  	[sflag:s23] =	ssyncset.done $0x0  }
0x60: {  	s4 =	simm.s32 $0x1200;
	[sflag:s23] =	ssyncadd.s32 $0xFFFFC000  }
0x61: {  	[tilespmem:s28], [sflag:$0x1] =	stream.indirect.gather [hbm4b:s3+s25], $0x80, s4, s25, $0xb8;
	[tilespmem:$0x9800] =	vst v63  }
0x62: {  	_ =	swait.ge [sflag:s1], $0x4000  }
0x63: {  	[sflag:s1] =	ssyncset.done $0x0  }
0x64: {  	[sflag:s1] =	ssyncadd.s32 $0xFFFFC000  }
0x65: {  	[hbm4b:s11+s2] =	stream.linear.scatter [tilespmem:s30], [sflag:$0x3], $0x4000, $0x38;
	[tilespmem:$0x9800] =	vst v63  }
0x66: {  	_ =	swait.ge [sflag:s23], $0x4000  }
0x67: {  	[sflag:s23] =	ssyncset.done $0x0  }
0x68: {  	s5 =	simm.s32 $0x1280;
	[sflag:s23] =	ssyncadd.s32 $0xFFFFC000  }
0x69: {  	[tilespmem:s30], [sflag:$0x2] =	stream.indirect.gather [hbm4b:s3+s25], $0x80, s5, s25, $0xb8;
	[tilespmem:$0x9800] =	vst v63  }
0x6a: {  	_ =	swait.ge [sflag:s31], $0x4000  }
0x6b: {  	[sflag:s31] =	ssyncset.done $0x0  }
0x6c: {  	[sflag:s31] =	ssyncadd.s32 $0xFFFFC000  }
0x6d: {  	[hbm4b:s12+s2] =	stream.linear.scatter [tilespmem:s28], [sflag:$0x3], $0x4000, $0x38;
	[tilespmem:$0x9800] =	vst v63  }
0x6e: {  	_ =	swait.ge [sflag:s23], $0x4000  }
0x6f: {  	[sflag:s23] =	ssyncset.done $0x0  }
0x70: {  	s24 =	simm.s32 $0x1300;
	[sflag:s23] =	ssyncadd.s32 $0xFFFFC000  }
0x71: {  	[tilespmem:s28], [sflag:$0x1] =	stream.indirect.gather [hbm4b:s3+s25], $0x80, s24, s25, $0xb8;
	[tilespmem:$0x9800] =	vst v63  }
0x72: {  	_ =	swait.ge [sflag:s1], $0x4000  }
0x73: {  	[sflag:s1] =	ssyncset.done $0x0  }
0x74: {  	[sflag:s1] =	ssyncadd.s32 $0xFFFFC000  }
0x75: {  	[hbm4b:s13+s2] =	stream.linear.scatter [tilespmem:s30], [sflag:$0x3], $0x4000, $0x38;
	[tilespmem:$0x9800] =	vst v63  }
0x76: {  	_ =	swait.ge [sflag:s23], $0x4000  }
0x77: {  	[sflag:s23] =	ssyncset.done $0x0  }
0x78: {  	s29 =	simm.s32 $0x1380;
	[sflag:s23] =	ssyncadd.s32 $0xFFFFC000  }
0x79: {  	[tilespmem:s30], [sflag:$0x2] =	stream.indirect.gather [hbm4b:s3+s25], $0x80, s29, s25, $0xb8;
	[tilespmem:$0x9800] =	vst v63  }
0x7a: {  	_ =	swait.ge [sflag:s31], $0x4000  }
0x7b: {  	[sflag:s31] =	ssyncset.done $0x0  }
0x7c: {  	[sflag:s31] =	ssyncadd.s32 $0xFFFFC000  }
0x7d: {  	[hbm4b:s14+s2] =	stream.linear.scatter [tilespmem:s28], [sflag:$0x3], $0x4000, $0x38;
	[tilespmem:$0x9800] =	vst v63  }
0x7e: {  	_ =	swait.ge [sflag:s23], $0x4000  }
0x7f: {  	[sflag:s23] =	ssyncset.done $0x0  }
0x80: {  	s4 =	simm.s32 $0x1400;
	[sflag:s23] =	ssyncadd.s32 $0xFFFFC000  }
0x81: {  	[tilespmem:s28], [sflag:$0x1] =	stream.indirect.gather [hbm4b:s3+s25], $0x80, s4, s25, $0xb8;
	[tilespmem:$0x9800] =	vst v63  }
0x82: {  	_ =	swait.ge [sflag:s1], $0x4000  }
0x83: {  	[sflag:s1] =	ssyncset.done $0x0  }
0x84: {  	[sflag:s1] =	ssyncadd.s32 $0xFFFFC000  }
0x85: {  	[hbm4b:s15+s2] =	stream.linear.scatter [tilespmem:s30], [sflag:$0x3], $0x4000, $0x38;
	[tilespmem:$0x9800] =	vst v63  }
0x86: {  	_ =	swait.ge [sflag:s23], $0x4000  }
0x87: {  	[sflag:s23] =	ssyncset.done $0x0  }
0x88: {  	s5 =	simm.s32 $0x1480;
	[sflag:s23] =	ssyncadd.s32 $0xFFFFC000  }
0x89: {  	[tilespmem:s30], [sflag:$0x2] =	stream.indirect.gather [hbm4b:s3+s25], $0x80, s5, s25, $0xb8;
	[tilespmem:$0x9800] =	vst v63  }
0x8a: {  	_ =	swait.ge [sflag:s31], $0x4000  }
0x8b: {  	[sflag:s31] =	ssyncset.done $0x0  }
0x8c: {  	[sflag:s31] =	ssyncadd.s32 $0xFFFFC000  }
0x8d: {  	[hbm4b:s16+s2] =	stream.linear.scatter [tilespmem:s28], [sflag:$0x3], $0x4000, $0x38;
	[tilespmem:$0x9800] =	vst v63  }
0x8e: {  	_ =	swait.ge [sflag:s23], $0x4000  }
0x8f: {  	[sflag:s23] =	ssyncset.done $0x0  }
0x90: {  	s24 =	simm.s32 $0x1500;
	[sflag:s23] =	ssyncadd.s32 $0xFFFFC000  }
0x91: {  	[tilespmem:s28], [sflag:$0x1] =	stream.indirect.gather [hbm4b:s3+s25], $0x80, s24, s25, $0xb8;
	[tilespmem:$0x9800] =	vst v63  }
0x92: {  	_ =	swait.ge [sflag:s1], $0x4000  }
0x93: {  	[sflag:s1] =	ssyncset.done $0x0  }
0x94: {  	[sflag:s1] =	ssyncadd.s32 $0xFFFFC000  }
0x95: {  	[hbm4b:s17+s2] =	stream.linear.scatter [tilespmem:s30], [sflag:$0x3], $0x4000, $0x38;
	[tilespmem:$0x9800] =	vst v63  }
0x96: {  	_ =	swait.ge [sflag:s23], $0x4000  }
0x97: {  	[sflag:s23] =	ssyncset.done $0x0  }
0x98: {  	s29 =	simm.s32 $0x1580;
	[sflag:s23] =	ssyncadd.s32 $0xFFFFC000  }
0x99: {  	[tilespmem:s30], [sflag:$0x2] =	stream.indirect.gather [hbm4b:s3+s25], $0x80, s29, s25, $0xb8;
	[tilespmem:$0x9800] =	vst v63  }
0x9a: {  	_ =	swait.ge [sflag:s31], $0x4000  }
0x9b: {  	[sflag:s31] =	ssyncset.done $0x0  }
0x9c: {  	[sflag:s31] =	ssyncadd.s32 $0xFFFFC000  }
0x9d: {  	[hbm4b:s18+s2] =	stream.linear.scatter [tilespmem:s28], [sflag:$0x3], $0x4000, $0x38;
	[tilespmem:$0x9800] =	vst v63  }
0x9e: {  	_ =	swait.ge [sflag:s23], $0x4000  }
0x9f: {  	[sflag:s23] =	ssyncset.done $0x0  }
0xa0: {  	s4 =	simm.s32 $0x1600;
	[sflag:s23] =	ssyncadd.s32 $0xFFFFC000  }
0xa1: {  	[tilespmem:s28], [sflag:$0x1] =	stream.indirect.gather [hbm4b:s3+s25], $0x80, s4, s25, $0xb8;
	[tilespmem:$0x9800] =	vst v63  }
0xa2: {  	_ =	swait.ge [sflag:s1], $0x4000  }
0xa3: {  	[sflag:s1] =	ssyncset.done $0x0  }
0xa4: {  	[sflag:s1] =	ssyncadd.s32 $0xFFFFC000  }
0xa5: {  	[hbm4b:s19+s2] =	stream.linear.scatter [tilespmem:s30], [sflag:$0x3], $0x4000, $0x38;
	[tilespmem:$0x9800] =	vst v63  }
0xa6: {  	_ =	swait.ge [sflag:s23], $0x4000  }
0xa7: {  	[sflag:s23] =	ssyncset.done $0x0  }
0xa8: {  	s5 =	simm.s32 $0x1680;
	[sflag:s23] =	ssyncadd.s32 $0xFFFFC000  }
0xa9: {  	[tilespmem:s30], [sflag:$0x2] =	stream.indirect.gather [hbm4b:s3+s25], $0x80, s5, s25, $0xb8;
	[tilespmem:$0x9800] =	vst v63  }
0xaa: {  	_ =	swait.ge [sflag:s31], $0x4000  }
0xab: {  	[sflag:s31] =	ssyncset.done $0x0  }
0xac: {  	[sflag:s31] =	ssyncadd.s32 $0xFFFFC000  }
0xad: {  	[hbm4b:s21+s2] =	stream.linear.scatter [tilespmem:s28], [sflag:$0x3], $0x4000, $0x38;
	[tilespmem:$0x9800] =	vst v63  }
0xae: {  	_ =	swait.ge [sflag:s23], $0x4000  }
0xaf: {  	[sflag:s23] =	ssyncset.done $0x0  }
0xb0: {  	s24 =	simm.s32 $0x1700;
	[sflag:s23] =	ssyncadd.s32 $0xFFFFC000  }
0xb1: {  	[tilespmem:s28], [sflag:$0x1] =	stream.indirect.gather [hbm4b:s3+s25], $0x80, s24, s25, $0xb8;
	[tilespmem:$0x9800] =	vst v63  }
0xb2: {  	_ =	swait.ge [sflag:s1], $0x4000  }
0xb3: {  	[sflag:s1] =	ssyncset.done $0x0  }
0xb4: {  	[sflag:s1] =	ssyncadd.s32 $0xFFFFC000  }
0xb5: {  	[hbm4b:s22+s2] =	stream.linear.scatter [tilespmem:s30], [sflag:$0x3], $0x4000, $0x38;
	[tilespmem:$0x9800] =	vst v63  }
0xb6: {  	_ =	swait.ge [sflag:s23], $0x4000  }
0xb7: {  	[sflag:s23] =	ssyncset.done $0x0  }
0xb8: {  	s29 =	simm.s32 $0x1780;
	[sflag:s23] =	ssyncadd.s32 $0xFFFFC000  }
0xb9: {  	[tilespmem:s30], [sflag:$0x2] =	stream.indirect.gather [hbm4b:s3+s25], $0x80, s29, s25, $0xb8;
	[tilespmem:$0x9800] =	vst v63  }
0xba: {  	_ =	swait.ge [sflag:s31], $0x4000  }
0xbb: {  	[sflag:s31] =	ssyncset.done $0x0  }
0xbc: {  	[sflag:s31] =	ssyncadd.s32 $0xFFFFC000  }
0xbd: {  	[hbm4b:s8+s2] =	stream.linear.scatter [tilespmem:s28], [sflag:$0x3], $0x4000, $0x38;
	[tilespmem:$0x9800] =	vst v63  }
0xbe: {  	_ =	swait.ge [sflag:s23], $0x4000  }
0xbf: {  	[sflag:s23] =	ssyncset.done $0x0  }
0xc0: {  	[sflag:s23] =	ssyncadd.s32 $0xFFFFC000  }
0xc1: {  	s26 =	sadd.s32 $0x1, s26;
	_ =	swait.ge [sflag:s1], $0x4000  }
0xc2: {  	p0 =	sne.s32 s26, s20;
	[sflag:s1] =	ssyncset.done $0x0  }
.Ltmp1:
0xc3: {  	[sflag:s1] =	ssyncadd.s32 $0xFFFFC000;
	(pc) =	sbr.rel @p0 .LBB2_1-.Ltmp1, $4  }
0xc4: {  	[hbm4b:s9+s2] =	stream.linear.scatter [tilespmem:s30], [sflag:$0x3], $0x4000, $0x38;
	[tilespmem:$0x9800] =	vst v63  }
0xc5: {  	_ =	swait.ge [sflag:s23], $0x4000  }
0xc6: {  	[sflag:s23] =	ssyncset.done $0x0  }
0xc7: {  	[sflag:s23] =	ssyncadd.s32 $0xFFFFC000  }
0xc8: {  	_ =	sfence.sel $0x180000  }
0xc9: {  	[bflag:$0x0] =	sbarrier.arrive $0xFFFF  }
0xca: {  	_ =	strace $0x9000004D  }
0xcb: {  	s0 =	stileid.u32;
	[bflag:$0x2] =	sbarrier.arrive $0xFFFF  }
0xcc: {  	p0 =	sne.s32 s0, $0x0;
	s0 =	rddreg [dreg:$0x1]  }
0xcd: {  	s0 =	sadd.s32 @!p0 $0x100000, s0  }
0xce: {  	[sflag:s0] =	ssyncadd.tile.s32 @!p0 $0x1;
	_ =	shalt  }
.Lfunc_end2:
_tile_overlayer_lowered:
.L_overlay_start_2:
0xcf: {  	(tag) =	ssettag $0x2  }
0xd0: {  	s0 =	rddreg [dreg:$0x0];
	s2 =	stileid.u32  }
0xd1: {  	s1 =	rddreg [dreg:$0x1];
	p0 =	sne.s32 s2, $0x0  }
0xd2: {  	s3 =	rddreg [dreg:$0x2];
	[bflag:$0x3] =	sbarrier.arrive $0xFFFF;
	s2 =	simm.s32 @!p0 $0x1C03  }
0xd3: {  	[timem:s3], [sflag:s2] =	dma.local @!p0 [hbm:s0], s1  }
0xd4: {  	s0 =	simm.s32 @!p0 $0x3  }
0xd5: {  	_ =	swait.ge @!p0 [sflag:s0], s1  }
0xd6: {  	s1 =	ssub.s32 @!p0 $0x0, s1;
	[sflag:s0] =	ssyncset.done @!p0 $0x0  }
0xd7: {  	[sflag:s0] =	ssyncadd.s32 @!p0 s1  }
0xd8: {  	[bflag:$0x3] =	sbarrier.arrive $0xFFFF  }
0xd9: {  	_ =	shalt  }

// kernel: kernel.17.cloned.1.call-start
scs
__scs_entry_jumppad:
0x0: {  	(pc) =	sbr.rel $0x88, $3  }
0x1: {  	(tag) =	ssettag $0x0;
	lr =	simm.s32 $0x1  }
0x2: {  	[smem:$0x3F8E] =	sst lr;
	_ =	strace $0xD0000000  }
0x3: {  	_ = 	snop  }
0x4: {  	_ = 	snop  }
0x5: {  	_ = 	snop  }
0x6: {  	_ = 	snop  }
0x7: {  	_ = 	snop  }
__scs_overlays_trampoline_lowered:
0x8: {  	[smem:$0x3F9D] =	sst s0  }
0x9: {  	[smem:$0x3F9E] =	sst s1  }
0xa: {  	[smem:$0x3F9F] =	sst s2  }
0xb: {  	[smem:$0x3FA0] =	sst s3  }
0xc: {  	[smem:$0x3FA1] =	sst s4  }
0xd: {  	[smem:$0x3FA2] =	sst s5  }
0xe: {  	[smem:$0x3FA3] =	sst s6  }
0xf: {  	[smem:$0x3FA4] =	sst s7  }
0x10: {  	[smem:$0x3FA5] =	sst s8  }
0x11: {  	[smem:$0x3FA6] =	sst s9;
	s0 =	simm.s32 @!p0 $0x0  }
0x12: {  	s1 =	sld [smem:$0x3F8C];
	s0 =	simm.s32 @p0 $0x1  }
0x13: {  	[smem:$0x3FA7] =	sst s0;
	s0 =	simm.s32 @!p1 $0x0  }
0x14: {  	s2 =	sld [smem:$0x3F8B];
	s0 =	simm.s32 @p1 $0x1  }
0x15: {  	[smem:$0x3FA8] =	sst s0;
	s0 =	simm.s32 @!p2 $0x0  }
0x16: {  	s3 =	sld [smem:$0x3FDB];
	s0 =	simm.s32 @p2 $0x1  }
0x17: {  	s4 =	simm.s32 $0x1BF5;
	[smem:$0x3FAA] =	sst s0  }
0x18: {  	s0 =	sld [smem:$0x3F8D];
	_ =	swait.ge [sflag:s4], $0x0  }
0x19: {  	s7 =	sld [smem:$0x3F8E]  }
0x1a: {  	s8 =	sadd.s32 $0xFFFFE003, lr  }
0x1b: {  	s9 =	sadd.s32 $0xFFFFFEF7, lr;
	s5 =	simm.s32 $0xFFFFFFFF;
	p2 =	slt.u32 s8, $0xFFFFF086  }
0x1c: {  	p1 =	slt.u32 s9, $0xF7A;
	s5 =	simm.s32 @!p2 $0x0  }
0x1d: {  	s5 =	simm.s32 @p1 $0x1;
	p0 =	seq.s32 s7, s2  }
0x1e: {  	s7 =	smul.u32 @!p0 $0xF7A, s2;
	p2 =	seq.s32 @!p0 s5, $0x0  }
0x1f: {  	s9 =	smul.u32 $0xF7A, s1;
	s8 =	simm.s32 @!p0 $0x1BF5;
	p2 =	por !p2, p0  }
0x20: {  	[sflag:s8] =	ssyncset.s32 @!p0 $0xFFFFF086;
	s6 =	sadd.s32 @!p0 s3, s7;
	s7 =	simm.s32 @!p0 $0x108  }
0x21: {  	s3 =	sadd.s32 s3, s9;
	s6 =	sadd.s32 @!p0 $0x88, s6;
	s7 =	simm.s32 @p2 $0x1082  }
0x22: {  	[simem:s7], [sflag:s8] =	dma.local @!p0 [hbm:s6], $0xF7A  }
0x23: {  	s9 =	sor.u32 $0xD0000000, s2;
	s6 =	simm.s32 $0x108;
	_ =	swait.ge @!p0 [sflag:s8], $0x0  }
0x24: {  	s3 =	sadd.s32 $0x88, s3;
	s6 =	simm.s32 @!p1 $0x1082;
	[sflag:s4] =	ssyncset.s32 $0xFFFFF086  }
0x25: {  	[simem:s6], [sflag:s4] =	dma.local [hbm:s3], $0xF7A  }
0x26: {  	[smem:$0x3F8E] =	sst s1;
	(tag) =	ssettag s2;
	_ =	strace s9  }
0x27: {  	s1 =	sld [smem:$0x3F9E]  }
0x28: {  	s2 =	sld [smem:$0x3F9F]  }
0x29: {  	s4 =	sld [smem:$0x3FA1]  }
0x2a: {  	p0 =	seq.s32 s5, $0x0;
	s5 =	sld [smem:$0x3FA2]  }
0x2b: {  	s6 =	sld [smem:$0x3FA3]  }
0x2c: {  	s7 =	sld [smem:$0x3FA4]  }
0x2d: {  	s3 =	simm.s32 $0x108;
	s8 =	sld [smem:$0x3FA5]  }
0x2e: {  	s3 =	simm.s32 @!p0 $0x1082;
	s9 =	sld [smem:$0x3FA6]  }
0x2f: {  	lr =	sadd.s32 s0, s3;
	s0 =	sld [smem:$0x3F9D]  }
0x30: {  	s3 =	sld [smem:$0x3FA0]  }
0x31: {  	[smem:$0x3FA9] =	sst s10  }
0x32: {  	s10 =	sld [smem:$0x3FA7];
	_ =	sdelay $0x3  }
0x33: {  	p0 =	seq.s32 s10, $0x1;
	s10 =	sld [smem:$0x3FA9];
	_ =	sdelay $0x3  }
0x34: {  	[smem:$0x3FA9] =	sst s10  }
0x35: {  	s10 =	sld [smem:$0x3FA8];
	_ =	sdelay $0x3  }
0x36: {  	p1 =	seq.s32 s10, $0x1;
	s10 =	sld [smem:$0x3FA9];
	_ =	sdelay $0x3  }
0x37: {  	[smem:$0x3FA9] =	sst s10  }
0x38: {  	s10 =	sld [smem:$0x3FAA]  }
0x39: {  	_ = 	snop;
	(pc) =	sbr.ind lr, $3  }
0x3a: {  	_ = 	snop  }
0x3b: {  	_ = 	snop  }
0x3c: {  	p2 =	seq.s32 s10, $0x1;
	s10 =	sld [smem:$0x3FA9]  }
0x3d: {  	_ =	shalt  }
0x3e: {  	_ =	shalt  }
0x3f: {  	_ =	shalt  }
0x40: {  	_ =	shalt  }
0x41: {  	_ =	shalt  }
0x42: {  	_ =	shalt  }
0x43: {  	_ =	shalt  }
0x44: {  	_ =	shalt  }
0x45: {  	_ =	shalt  }
0x46: {  	_ =	shalt  }
0x47: {  	_ =	shalt  }
0x48: {  	_ =	shalt  }
0x49: {  	_ =	shalt  }
0x4a: {  	_ =	shalt  }
0x4b: {  	_ =	shalt  }
0x4c: {  	_ =	shalt  }
0x4d: {  	_ =	shalt  }
0x4e: {  	_ =	shalt  }
0x4f: {  	_ =	shalt  }
0x50: {  	_ =	shalt  }
0x51: {  	_ =	shalt  }
0x52: {  	_ =	shalt  }
0x53: {  	_ =	shalt  }
0x54: {  	_ =	shalt  }
0x55: {  	_ =	shalt  }
0x56: {  	_ =	shalt  }
0x57: {  	_ =	shalt  }
0x58: {  	_ =	shalt  }
0x59: {  	_ =	shalt  }
0x5a: {  	_ =	shalt  }
0x5b: {  	_ =	shalt  }
0x5c: {  	_ =	shalt  }
0x5d: {  	_ =	shalt  }
0x5e: {  	_ =	shalt  }
0x5f: {  	_ =	shalt  }
0x60: {  	_ =	shalt  }
0x61: {  	_ =	shalt  }
0x62: {  	_ =	shalt  }
0x63: {  	_ =	shalt  }
0x64: {  	_ =	shalt  }
0x65: {  	_ =	shalt  }
0x66: {  	_ =	shalt  }
0x67: {  	_ =	shalt  }
0x68: {  	_ =	shalt  }
0x69: {  	_ =	shalt  }
0x6a: {  	_ =	shalt  }
0x6b: {  	_ =	shalt  }
0x6c: {  	_ =	shalt  }
0x6d: {  	_ =	shalt  }
0x6e: {  	_ =	shalt  }
0x6f: {  	_ =	shalt  }
0x70: {  	_ =	shalt  }
0x71: {  	_ =	shalt  }
0x72: {  	_ =	shalt  }
0x73: {  	_ =	shalt  }
0x74: {  	_ =	shalt  }
0x75: {  	_ =	shalt  }
0x76: {  	_ =	shalt  }
0x77: {  	_ =	shalt  }
0x78: {  	_ =	shalt  }
0x79: {  	_ =	shalt  }
0x7a: {  	_ =	shalt  }
0x7b: {  	_ =	shalt  }
0x7c: {  	_ =	shalt  }
0x7d: {  	_ =	shalt  }
0x7e: {  	_ =	shalt  }
0x7f: {  	_ =	shalt  }
0x80: {  	_ =	shalt  }
0x81: {  	_ =	shalt  }
0x82: {  	_ =	shalt  }
0x83: {  	_ =	shalt  }
0x84: {  	_ =	shalt  }
0x85: {  	_ =	shalt  }
0x86: {  	_ =	shalt  }
0x87: {  	_ =	shalt  }
.Lfunc_end0:
.L_simem_size_0:
called_computation.2_lowered:
.L_overlay_start_0:
0x88: {  	s2 =	sld [smem:$0x3FD9]  }
0x89: {  	s3 =	sld [smem:$0x3FFE];
	_ =	sdelay $0x1  }
0x8a: {  	s1 =	srdreg.scid  }
0x8b: {  	s0 =	sand.u32 $0x1, s1  }
0x8c: {  	s17 =	sshll.u32 s0, $0xA;
	s2 =	sadd.s32 s3, s2  }
0x8d: {  	s2 =	sadd.s32 s2, s17  }
0x8e: {  	[smem:$0x3FB5] =	sst s2  }
0x8f: {  	_ = 	snop  }
0x90: {  	(tm) =	ssettm $0x1  }
0x91: {  	s18 =	sld [smem:$0x3FFB];
	_ =	sdelay $0x3  }
0x92: {  	_ =	strace s18  }
0x93: {  	s2 =	sld [smem:$0x3FFC];
	_ =	sdelay $0x3  }
0x94: {  	_ =	strace s2  }
0x95: {  	s2 =	sld [smem:$0x3FFD];
	_ =	sdelay $0x3  }
0x96: {  	_ =	strace s2  }
0x97: {  	_ =	strace $0x8FFFFFFF  }
0x98: {  	s19 =	sld [smem:$0x3FDB];
	_ =	sdelay $0x1  }
0x99: {  	s20 =	simm.s32 $_scs_section_size  }
0x9a: {  	s4 =	simm.s32 $_size__tile_overlayer_lowered;
	s5 =	simm.s32 $_tile_overlayer_lowered  }
0x9b: {  	s6 =	simm.s32 $0x1BFF;
	s21 =	sshll.u32 s5, $0x1;
	s3 =	sadd.s32 s20, s19  }
0x9c: {  	s22 =	simm.s32 $0x0;
	s4 =	sshll.u32 s4, $0x1;
	s5 =	sadd.s32 s21, s3  }
0x9d: {  	[timem:s22], [sflag:s6] =	dma.local [hbm:s5], s4  }
0x9e: {  	_ =	swait.ge [sflag:s6], s4  }
0x9f: {  	s4 =	ssub.s32 $0x0, s4;
	[sflag:s6] =	ssyncset.done $0x0  }
0xa0: {  	[sflag:s6] =	ssyncadd.s32 s4;
	_ =	sdelay $0x1  }
0xa1: {  	s23 =	simm.s32 $0x1B8B  }
0xa2: {  	_ =	swait.ge [sflag:s23], $0x1  }
0xa3: {  	[sflag:s23] =	ssyncset.done $0x0  }
0xa4: {  	[sflag:s23] =	ssyncadd.s32 $0xFFFFFFFF  }
0xa5: {  	s4 =	sld [smem:$0x0]  }
0xa6: {  	s5 =	sand.u32 $0xFFFFFFFE, s1  }
0xa7: {  	p0 =	sne.s32 s1, s5  }
0xa8: {  	s5 =	sshll.u32 @p0 s5, $0xE  }
0xa9: {  	s5 =	sadd.s32 @p0 $0x11B8D, s5;
	s6 =	sshll.u32 @p0 s4, $0x11  }
0xaa: {  	s5 =	sor.u32 @p0 s6, s5  }
0xab: {  	[sflag:s5] =	ssyncadd.remote.s32 @p0 $0x1;
	_ =	sdelay $0x1  }
0xac: {  	s5 =	simm.s32 @p0 $0x1B8D  }
0xad: {  	_ =	swait.eq @p0 [sflag:s5], $0x1  }
0xae: {  	[sflag:s5] =	ssyncadd.s32 @p0 $0xFFFFFFFF  }
0xaf: {  	s6 =	sshll.u32 @!p0 s1, $0xE  }
0xb0: {  	s6 =	sor.u32 @!p0 $0x4000, s6;
	s5 =	simm.s32 @!p0 $0x1B8D  }
0xb1: {  	s4 =	sshll.u32 @!p0 s4, $0x11;
	s6 =	sadd.s32 @!p0 $0x11B8D, s6;
	_ =	swait.eq @!p0 [sflag:s5], $0x1  }
0xb2: {  	s4 =	sor.u32 @!p0 s4, s6;
	[sflag:s5] =	ssyncadd.s32 @!p0 $0xFFFFFFFF  }
0xb3: {  	s25 =	simm.s32 $0x1B8E;
	s24 =	sld [smem:$0x3FFE];
	[sflag:s4] =	ssyncadd.remote.s32 @!p0 $0x1  }
0xb4: {  	s26 =	simm.s32 $execute0_lowered;
	[smem:$0x3FD2] =	sst s25  }
0xb5: {  	s5 =	sshll.u32 s26, $0x1;
	_ =	strace $0x80000049;
	[dreg:$0x1] =	wrdreg $0xFFFFFFFF  }
0xb6: {  	s28 =	simm.s32 $_size_execute0_lowered;
	s3 =	sadd.s32 s3, s5;
	[dreg:$0x0] =	wrdreg $0x0  }
0xb7: {  	s5 =	sshll.u32 s28, $0x1;
	[dreg:$0x2] =	wrdreg s3  }
0xb8: {  	[dreg:$0x3] =	wrdreg s5  }
0xb9: {  	[dreg:$0x4] =	wrdreg $0xC0  }
0xba: {  	_ =	task [dreg:s22], $0x5FFFF  }
0xbb: {  	[dreg:$0x1] =	wrdreg $0xFFFFFFFF  }
0xbc: {  	[dreg:$0x0] =	wrdreg $0x60  }
0xbd: {  	[dreg:$0x2] =	wrdreg s24  }
0xbe: {  	[dreg:$0x3] =	wrdreg $0xB  }
0xbf: {  	_ =	task.clear_ibuf [dreg:s22], $0x4FFFF;
	_ =	strace $0x90000049  }
0xc0: {  	s29 =	simm.s32 $0xB;
	_ =	strace $0x8000004B  }
0xc1: {  	_ =	swait.ge [sflag:s29], $0x1  }
0xc2: {  	[sflag:s29] =	ssyncadd.s32 $0xFFFFFFFF  }
0xc3: {  	_ =	strace $0x9000004B  }
0xc4: {  	_ =	sfence  }
0xc5: {  	s30 =	sld [smem:$0x0];
	_ =	sdelay $0x2  }
0xc6: {  	s31 =	sshll.u32 s1, $0xD;
	s1 =	sshrl.u32 s1, $0x2  }
0xc7: {  	s4 =	sand.u32 $0x4000, s31;
	s1 =	sadd.s32 s1, s30  }
0xc8: {  	s0 =	sor.u32 s4, s0;
	s1 =	sshll.u32 s1, $0x11  }
0xc9: {  	s0 =	sor.u32 s1, s0  }
0xca: {  	s0 =	sadd.s32 $0x8F2B, s0  }
0xcb: {  	[sflag:s0] =	ssyncadd.remote.s32 $0x1  }
0xcc: {  	_ =	sfence.sel $0xFFFF  }
0xcd: {  	[dreg:$0x0] =	wrdreg $0xFFFFFFFF;
	(pc) =	sbr.abs _section_cstart, $3  }
0xce: {  	[dreg:$0x1] =	wrdreg $0xFFFFFFFF  }
0xcf: {  	_ =	task.clear_ibuf [dreg:s22], $0x2FFFF;
	_ =	strace $0x9FFFFFFF  }
0xd0: {  	(tm) =	ssettm $0x7FFFFFFF  }
0xd1: {  	_ =	shalt  }
tec
execute0_lowered:
.L_overlay_start_1:
0x0: {  	(tag) =	ssettag $0x1  }
0x1: {  	s0 =	srdreg.scid  }
0x2: {  	s2 =	stileid.u32;
	s1 =	rddreg [dreg:$0x0];
	s0 =	sand.u32 $0x1, s0  }
0x3: {  	s23 =	simm.s32 $0x3;
	s3 =	sshll.u32 s2, $0xC;
	s4 =	sshll.u32 s0, $0xB  }
0x4: {  	s28 =	simm.s32 $0x1800;
	s2 =	simm.s32 $0x0;
	s3 =	sor.u32 s4, s3  }
0x5: {  	s30 =	simm.s32 $0x5800;
	[smem:$0x7FF] =	sst s2;
	s4 =	sshrl.u32 s3, $0x3  }
0x6: {  	_ =	strace $0x8000004A;
	s5 =	sshll.u32 s3, $0x4;
	s4 =	sadd.s32 s4, s1  }
0x7: {  	s3 =	sadd.s32 $0x10C00, s1;
	s1 =	sadd.s32 s5, s1;
	s25 =	sadd.s32 $0xAC00, s4  }
0x8: {  	s31 =	simm.s32 $0x1;
	s26 =	sadd.s32 $0x214C00, s1;
	s6 =	sadd.s32 $0x215400, s1  }
0x9: {  	s0 =	ssub.s32 $0x2, s0;
	s7 =	sadd.s32 $0x21BC00, s1;
	s8 =	sadd.s32 $0x21C400, s1  }
0xa: {  	s29 =	sshrl.u32 s0, $0x1;
	s9 =	sadd.s32 $0x215C00, s1;
	s10 =	sadd.s32 $0x216400, s1  }
0xb: {  	s0 =	ssub.s32 s0, s29;
	s11 =	sadd.s32 $0x216C00, s1;
	s12 =	sadd.s32 $0x217400, s1  }
0xc: {  	s20 =	smax.u32 s0, $0x1;
	s13 =	sadd.s32 $0x217C00, s1;
	s14 =	sadd.s32 $0x218400, s1  }
0xd: {  	s15 =	sadd.s32 $0x8C00, s4;
	s16 =	sadd.s32 $0x218C00, s1;
	s17 =	sadd.s32 $0x219400, s1  }
0xe: {  	s0 =	simm.s32 $0x2;
	s18 =	sadd.s32 $0x219C00, s1;
	s19 =	sadd.s32 $0x21A400, s1  }
0xf: {  	s21 =	sadd.s32 $0x21AC00, s1;
	s22 =	sadd.s32 $0x21B400, s1;
	[dreg:$0x2] =	wrdreg s25  }
0x10: {  	[dreg:$0x3] =	wrdreg s26;
	s25 =	simm.s32 $0x80;
	s26 =	simm.s32 $0x0  }
.LBB2_1:
0x11: {  	s1 =	rddreg [dreg:$0x2]  }
0x12: {  	[tilespmem:s2], [sflag:$0x3] =	stream.linear.gather [hbm4b:s1+s2], $0x800, $0x38;
	[tilespmem:$0x9800] =	vst v63  }
0x13: {  	_ =	swait.ge [sflag:s23], $0x800  }
0x14: {  	[sflag:s23] =	ssyncset.done $0x0  }
0x15: {  	s24 =	simm.s32 $0x800;
	[sflag:s23] =	ssyncadd.s32 $0xFFFFF800  }
0x16: {  	[tilespmem:s24], [sflag:$0x3] =	stream.linear.gather [hbm4b:s15+s2], $0x800, $0x38;
	[tilespmem:$0x9800] =	vst v63  }
0x17: {  	_ =	swait.ge [sflag:s23], $0x800  }
0x18: {  	[sflag:s23] =	ssyncset.done $0x0  }
0x19: {  	s29 =	simm.s32 $0x0;
	[sflag:s23] =	ssyncadd.s32 $0xFFFFF800  }
0x1a: {  	v0 =	vld [tilespmem:s29+$0x800];
	_ =	sdelay $0x1  }
0x1b: {  	v1 =	vld [tilespmem:s29+$0x0];
	_ =	sdelay $0x1  }
0x1c: {  	s1 =	simm.s32 $0x10  }
0x1d: {  	v2 =	vld [tilespmem:s1+$0x800];
	v0 =	vadd.f32 $1.000000000e+00, v0;
	_ =	sdelay $0x1  }
0x1e: {  	v1 =	vadd.f32 $1.000000000e+00, v1;
	v0 =	vmul.f32 $6.400000000e+01, v0;
	_ =	sdelay $0x1  }
0x1f: {  	v3 =	vld [tilespmem:s1+$0x0];
	v1 =	vmul.f32 $6.400000000e+01, v1;
	v0 =	vadd.f32 $-5.000000000e-01, v0  }
0x20: {  	v2 =	vadd.f32 $1.000000000e+00, v2  }
0x21: {  	v1 =	vadd.f32 $-5.000000000e-01, v1;
	v0 =	vadd.f32 $5.000000000e-01, v0  }
0x22: {  	s24 =	simm.s32 $0x20  }
0x23: {  	v4 =	vld [tilespmem:s24+$0x0];
	v2 =	vmul.f32 $6.400000000e+01, v2;
	v1 =	vadd.f32 $5.000000000e-01, v1;
	v0 =	vmax.f32 v0, $0.0e+00  }
0x24: {  	v5 =	vld [tilespmem:s24+$0x800];
	v3 =	vadd.f32 $1.000000000e+00, v3;
	v0 =	vtrunc.f32 v0  }
0x25: {  	v2 =	vadd.f32 $-5.000000000e-01, v2;
	v1 =	vmax.f32 v1, $0.0e+00;
	v6 =	vcvt.f32.s32 v0  }
0x26: {  	v3 =	vmul.f32 $6.400000000e+01, v3;
	v1 =	vtrunc.f32 v1  }
0x27: {  	v8 =	vadd.f32 $5.000000000e-01, v2;
	v7 =	vcvt.f32.s32 v1;
	vm0 =	vlt.s32 v6, $0x7F  }
0x28: {  	s4 =	simm.s32 $0x30;
	v0 =	vadd.f32 $1.000000000e+00, v4;
	v4 =	vadd.f32 $-5.000000000e-01, v3;
	v1 =	vnsel vm0, $0x7F, v6  }
0x29: {  	v2 =	vadd.f32 $1.000000000e+00, v5;
	vm15 =	vlt.s32 v7, $0x7F;
	v3 =	vmul.u32 $0x82, v1;
	v1 =	vld [tilespmem:s4+$0x0]  }
0x2a: {  	s5 =	simm.s32 $0x100;
	v5 =	vmax.f32 v8, $0.0e+00;
	v4 =	vadd.f32 $5.000000000e-01, v4;
	v6 =	vnsel vm15, $0x7F, v7  }
.LBB2_2:
0x2b: {  	p0 =	sne.s32 s5, $0x1FC0;
	v7 =	vld [tilespmem:s4+$0x800];
	v2 =	vmul.f32 $6.400000000e+01, v2;
	v5 =	vtrunc.f32 v5;
	v3 =	vadd.s32 v3, v6  }
0x2c: {  	v4 =	vmax.f32 v4, $0.0e+00;
	v5 =	vcvt.f32.s32 v5;
	v3 =	vadd.s32 $0x8200, v3  }
.Ltmp0:
0x2d: {  	v6 =	vmul.f32 $6.400000000e+01, v0;
	v2 =	vadd.f32 $-5.000000000e-01, v2;
	v4 =	vtrunc.f32 v4;
	[tilespmem:s29+$0x1000] =	vst v3;
	s29 =	smov.u32 s1;
	s1 =	smov.u32 s24;
	(pc) =	sbr.rel @p0 .LBB2_2-.Ltmp0, $4  }
0x2e: {  	s24 =	smov.u32 s4;
	v0 =	vadd.f32 $1.000000000e+00, v1;
	v8 =	vcvt.f32.s32 v4;
	vm0 =	vlt.s32 v5, $0x7F  }
0x2f: {  	s4 =	sshra.s32 s5, $0x2;
	v4 =	vadd.f32 $-5.000000000e-01, v6;
	v6 =	vadd.f32 $5.000000000e-01, v2;
	v3 =	vnsel vm0, $0x7F, v5  }
0x30: {  	v1 =	vld [tilespmem:s4+$0x0];
	v2 =	vadd.f32 $1.000000000e+00, v7;
	vm0 =	vlt.s32 v8, $0x7F;
	v3 =	vmul.u32 $0x82, v3  }
0x31: {  	s5 =	sadd.s32 $0x40, s5;
	v4 =	vadd.f32 $5.000000000e-01, v4;
	v5 =	vmax.f32 v6, $0.0e+00;
	v6 =	vnsel vm0, $0x7F, v8  }
0x32: {  	v7 =	vld [tilespmem:s4+$0x800];
	_ =	sdelay $0x3  }
0x33: {  	v2 =	vmul.f32 $6.400000000e+01, v2;
	v5 =	vtrunc.f32 v5;
	v3 =	vadd.s32 v3, v6  }
0x34: {  	v0 =	vmul.f32 $6.400000000e+01, v0;
	v4 =	vmax.f32 v4, $0.0e+00;
	v60 =	vadd.f32 $1.000000000e+00, v7  }
0x35: {  	v5 =	vcvt.f32.s32 v5;
	v3 =	vadd.s32 $0x8200, v3;
	v2 =	vadd.f32 $-5.000000000e-01, v2  }
0x36: {  	v4 =	vtrunc.f32 v4;
	v1 =	vadd.f32 $1.000000000e+00, v1;
	v6 =	vmul.f32 $6.400000000e+01, v60  }
0x37: {  	v0 =	vadd.f32 $-5.000000000e-01, v0;
	v4 =	vcvt.f32.s32 v4;
	vm0 =	vlt.s32 v5, $0x7F  }
0x38: {  	v2 =	vadd.f32 $5.000000000e-01, v2;
	v1 =	vmul.f32 $6.400000000e+01, v1;
	v6 =	vadd.f32 $-5.000000000e-01, v6  }
0x39: {  	v5 =	vnsel vm0, $0x7F, v5;
	v0 =	vadd.f32 $5.000000000e-01, v0;
	vm11 =	vlt.s32 v4, $0x7F  }
0x3a: {  	v5 =	vmul.u32 $0x82, v5;
	v1 =	vadd.f32 $-5.000000000e-01, v1;
	v6 =	vadd.f32 $5.000000000e-01, v6  }
0x3b: {  	v2 =	vmax.f32 v2, $0.0e+00;
	v4 =	vnsel vm11, $0x7F, v4;
	v0 =	vmax.f32 v0, $0.0e+00  }
0x3c: {  	v2 =	vtrunc.f32 v2;
	v1 =	vadd.f32 $5.000000000e-01, v1;
	v61 =	vmax.f32 v6, $0.0e+00  }
0x3d: {  	v4 =	vadd.s32 v5, v4;
	v2 =	vcvt.f32.s32 v2;
	v5 =	vtrunc.f32 v61  }
0x3e: {  	v0 =	vtrunc.f32 v0;
	v1 =	vmax.f32 v1, $0.0e+00;
	v5 =	vcvt.f32.s32 v5  }
0x3f: {  	v0 =	vcvt.f32.s32 v0;
	vm12 =	vlt.s32 v2, $0x7F;
	v1 =	vtrunc.f32 v1  }
0x40: {  	v2 =	vnsel vm12, $0x7F, v2;
	v1 =	vcvt.f32.s32 v1;
	vm13 =	vlt.s32 v5, $0x7F  }
0x41: {  	vm14 =	vlt.s32 v0, $0x7F;
	v2 =	vmul.u32 $0x82, v2;
	v5 =	vnsel vm13, $0x7F, v5  }
0x42: {  	v0 =	vnsel vm14, $0x7F, v0;
	vm15 =	vlt.s32 v1, $0x7F;
	v5 =	vmul.u32 $0x82, v5  }
0x43: {  	[tilespmem:s29+$0x1000] =	vst v3;
	v62 =	vadd.s32 $0x8200, v4;
	v0 =	vadd.s32 v2, v0;
	v1 =	vnsel vm15, $0x7F, v1  }
0x44: {  	[tilespmem:s1+$0x1000] =	vst v62;
	v0 =	vadd.s32 $0x8200, v0;
	v1 =	vadd.s32 v5, v1  }
0x45: {  	[tilespmem:s24+$0x1000] =	vst v0;
	v63 =	vadd.s32 $0x8200, v1  }
0x46: {  	s29 =	simm.s32 $0x1000;
	[tilespmem:s4+$0x1000] =	vst v63  }
0x47: {  	[tilespmem:s28], [sflag:$0x1] =	stream.indirect.gather [hbm4b:s3+s25], $0x80, s29, s25, $0xb8;
	[tilespmem:$0x9800] =	vst v63  }
0x48: {  	s4 =	simm.s32 $0x1080  }
0x49: {  	[tilespmem:s30], [sflag:$0x2] =	stream.indirect.gather [hbm4b:s3+s25], $0x80, s4, s25, $0xb8;
	[tilespmem:$0x9800] =	vst v63  }
0x4a: {  	_ =	swait.ge [sflag:s31], $0x4000  }
0x4b: {  	[sflag:s31] =	ssyncset.done $0x0  }
0x4c: {  	s5 =	rddreg [dreg:$0x3];
	[sflag:s31] =	ssyncadd.s32 $0xFFFFC000  }
0x4d: {  	[hbm4b:s5+s2] =	stream.linear.scatter [tilespmem:s28], [sflag:$0x3], $0x4000, $0x38;
	[tilespmem:$0x9800] =	vst v63  }
0x4e: {  	_ =	swait.ge [sflag:s23], $0x4000  }
0x4f: {  	[sflag:s23] =	ssyncset.done $0x0  }
0x50: {  	s24 =	simm.s32 $0x1100;
	[sflag:s23] =	ssyncadd.s32 $0xFFFFC000  }
0x51: {  	[tilespmem:s28], [sflag:$0x1] =	stream.indirect.gather [hbm4b:s3+s25], $0x80, s24, s25, $0xb8;
	[tilespmem:$0x9800] =	vst v63  }
0x52: {  	_ =	swait.ge [sflag:s0], $0x4000  }
0x53: {  	[sflag:s0] =	ssyncset.done $0x0  }
0x54: {  	[sflag:s0] =	ssyncadd.s32 $0xFFFFC000  }
0x55: {  	[hbm4b:s6+s2] =	stream.linear.scatter [tilespmem:s30], [sflag:$0x3], $0x4000, $0x38;
	[tilespmem:$0x9800] =	vst v63  }
0x56: {  	_ =	swait.ge [sflag:s23], $0x4000  }
0x57: {  	[sflag:s23] =	ssyncset.done $0x0  }
0x58: {  	s29 =	simm.s32 $0x1180;
	[sflag:s23] =	ssyncadd.s32 $0xFFFFC000  }
0x59: {  	[tilespmem:s30], [sflag:$0x2] =	stream.indirect.gather [hbm4b:s3+s25], $0x80, s29, s25, $0xb8;
	[tilespmem:$0x9800] =	vst v63  }
0x5a: {  	_ =	swait.ge [sflag:s31], $0x4000  }
0x5b: {  	[sflag:s31] =	ssyncset.done $0x0  }
0x5c: {  	[sflag:s31] =	ssyncadd.s32 $0xFFFFC000  }
0x5d: {  	[hbm4b:s9+s2] =	stream.linear.scatter [tilespmem:s28], [sflag:$0x3], $0x4000, $0x38;
	[tilespmem:$0x9800] =	vst v63  }
0x5e: {  	_ =	swait.ge [sflag:s23], $0x4000  }
0x5f: {  	[sflag:s23] =	ssyncset.done $0x0  }
0x60: {  	s4 =	simm.s32 $0x1200;
	[sflag:s23] =	ssyncadd.s32 $0xFFFFC000  }
0x61: {  	[tilespmem:s28], [sflag:$0x1] =	stream.indirect.gather [hbm4b:s3+s25], $0x80, s4, s25, $0xb8;
	[tilespmem:$0x9800] =	vst v63  }
0x62: {  	_ =	swait.ge [sflag:s0], $0x4000  }
0x63: {  	[sflag:s0] =	ssyncset.done $0x0  }
0x64: {  	[sflag:s0] =	ssyncadd.s32 $0xFFFFC000  }
0x65: {  	[hbm4b:s10+s2] =	stream.linear.scatter [tilespmem:s30], [sflag:$0x3], $0x4000, $0x38;
	[tilespmem:$0x9800] =	vst v63  }
0x66: {  	_ =	swait.ge [sflag:s23], $0x4000  }
0x67: {  	[sflag:s23] =	ssyncset.done $0x0  }
0x68: {  	s5 =	simm.s32 $0x1280;
	[sflag:s23] =	ssyncadd.s32 $0xFFFFC000  }
0x69: {  	[tilespmem:s30], [sflag:$0x2] =	stream.indirect.gather [hbm4b:s3+s25], $0x80, s5, s25, $0xb8;
	[tilespmem:$0x9800] =	vst v63  }
0x6a: {  	_ =	swait.ge [sflag:s31], $0x4000  }
0x6b: {  	[sflag:s31] =	ssyncset.done $0x0  }
0x6c: {  	[sflag:s31] =	ssyncadd.s32 $0xFFFFC000  }
0x6d: {  	[hbm4b:s11+s2] =	stream.linear.scatter [tilespmem:s28], [sflag:$0x3], $0x4000, $0x38;
	[tilespmem:$0x9800] =	vst v63  }
0x6e: {  	_ =	swait.ge [sflag:s23], $0x4000  }
0x6f: {  	[sflag:s23] =	ssyncset.done $0x0  }
0x70: {  	s24 =	simm.s32 $0x1300;
	[sflag:s23] =	ssyncadd.s32 $0xFFFFC000  }
0x71: {  	[tilespmem:s28], [sflag:$0x1] =	stream.indirect.gather [hbm4b:s3+s25], $0x80, s24, s25, $0xb8;
	[tilespmem:$0x9800] =	vst v63  }
0x72: {  	_ =	swait.ge [sflag:s0], $0x4000  }
0x73: {  	[sflag:s0] =	ssyncset.done $0x0  }
0x74: {  	[sflag:s0] =	ssyncadd.s32 $0xFFFFC000  }
0x75: {  	[hbm4b:s12+s2] =	stream.linear.scatter [tilespmem:s30], [sflag:$0x3], $0x4000, $0x38;
	[tilespmem:$0x9800] =	vst v63  }
0x76: {  	_ =	swait.ge [sflag:s23], $0x4000  }
0x77: {  	[sflag:s23] =	ssyncset.done $0x0  }
0x78: {  	s29 =	simm.s32 $0x1380;
	[sflag:s23] =	ssyncadd.s32 $0xFFFFC000  }
0x79: {  	[tilespmem:s30], [sflag:$0x2] =	stream.indirect.gather [hbm4b:s3+s25], $0x80, s29, s25, $0xb8;
	[tilespmem:$0x9800] =	vst v63  }
0x7a: {  	_ =	swait.ge [sflag:s31], $0x4000  }
0x7b: {  	[sflag:s31] =	ssyncset.done $0x0  }
0x7c: {  	[sflag:s31] =	ssyncadd.s32 $0xFFFFC000  }
0x7d: {  	[hbm4b:s13+s2] =	stream.linear.scatter [tilespmem:s28], [sflag:$0x3], $0x4000, $0x38;
	[tilespmem:$0x9800] =	vst v63  }
0x7e: {  	_ =	swait.ge [sflag:s23], $0x4000  }
0x7f: {  	[sflag:s23] =	ssyncset.done $0x0  }
0x80: {  	s4 =	simm.s32 $0x1400;
	[sflag:s23] =	ssyncadd.s32 $0xFFFFC000  }
0x81: {  	[tilespmem:s28], [sflag:$0x1] =	stream.indirect.gather [hbm4b:s3+s25], $0x80, s4, s25, $0xb8;
	[tilespmem:$0x9800] =	vst v63  }
0x82: {  	_ =	swait.ge [sflag:s0], $0x4000  }
0x83: {  	[sflag:s0] =	ssyncset.done $0x0  }
0x84: {  	[sflag:s0] =	ssyncadd.s32 $0xFFFFC000  }
0x85: {  	[hbm4b:s14+s2] =	stream.linear.scatter [tilespmem:s30], [sflag:$0x3], $0x4000, $0x38;
	[tilespmem:$0x9800] =	vst v63  }
0x86: {  	_ =	swait.ge [sflag:s23], $0x4000  }
0x87: {  	[sflag:s23] =	ssyncset.done $0x0  }
0x88: {  	s5 =	simm.s32 $0x1480;
	[sflag:s23] =	ssyncadd.s32 $0xFFFFC000  }
0x89: {  	[tilespmem:s30], [sflag:$0x2] =	stream.indirect.gather [hbm4b:s3+s25], $0x80, s5, s25, $0xb8;
	[tilespmem:$0x9800] =	vst v63  }
0x8a: {  	_ =	swait.ge [sflag:s31], $0x4000  }
0x8b: {  	[sflag:s31] =	ssyncset.done $0x0  }
0x8c: {  	[sflag:s31] =	ssyncadd.s32 $0xFFFFC000  }
0x8d: {  	[hbm4b:s16+s2] =	stream.linear.scatter [tilespmem:s28], [sflag:$0x3], $0x4000, $0x38;
	[tilespmem:$0x9800] =	vst v63  }
0x8e: {  	_ =	swait.ge [sflag:s23], $0x4000  }
0x8f: {  	[sflag:s23] =	ssyncset.done $0x0  }
0x90: {  	s24 =	simm.s32 $0x1500;
	[sflag:s23] =	ssyncadd.s32 $0xFFFFC000  }
0x91: {  	[tilespmem:s28], [sflag:$0x1] =	stream.indirect.gather [hbm4b:s3+s25], $0x80, s24, s25, $0xb8;
	[tilespmem:$0x9800] =	vst v63  }
0x92: {  	_ =	swait.ge [sflag:s0], $0x4000  }
0x93: {  	[sflag:s0] =	ssyncset.done $0x0  }
0x94: {  	[sflag:s0] =	ssyncadd.s32 $0xFFFFC000  }
0x95: {  	[hbm4b:s17+s2] =	stream.linear.scatter [tilespmem:s30], [sflag:$0x3], $0x4000, $0x38;
	[tilespmem:$0x9800] =	vst v63  }
0x96: {  	_ =	swait.ge [sflag:s23], $0x4000  }
0x97: {  	[sflag:s23] =	ssyncset.done $0x0  }
0x98: {  	s29 =	simm.s32 $0x1580;
	[sflag:s23] =	ssyncadd.s32 $0xFFFFC000  }
0x99: {  	[tilespmem:s30], [sflag:$0x2] =	stream.indirect.gather [hbm4b:s3+s25], $0x80, s29, s25, $0xb8;
	[tilespmem:$0x9800] =	vst v63  }
0x9a: {  	_ =	swait.ge [sflag:s31], $0x4000  }
0x9b: {  	[sflag:s31] =	ssyncset.done $0x0  }
0x9c: {  	[sflag:s31] =	ssyncadd.s32 $0xFFFFC000  }
0x9d: {  	[hbm4b:s18+s2] =	stream.linear.scatter [tilespmem:s28], [sflag:$0x3], $0x4000, $0x38;
	[tilespmem:$0x9800] =	vst v63  }
0x9e: {  	_ =	swait.ge [sflag:s23], $0x4000  }
0x9f: {  	[sflag:s23] =	ssyncset.done $0x0  }
0xa0: {  	s4 =	simm.s32 $0x1600;
	[sflag:s23] =	ssyncadd.s32 $0xFFFFC000  }
0xa1: {  	[tilespmem:s28], [sflag:$0x1] =	stream.indirect.gather [hbm4b:s3+s25], $0x80, s4, s25, $0xb8;
	[tilespmem:$0x9800] =	vst v63  }
0xa2: {  	_ =	swait.ge [sflag:s0], $0x4000  }
0xa3: {  	[sflag:s0] =	ssyncset.done $0x0  }
0xa4: {  	[sflag:s0] =	ssyncadd.s32 $0xFFFFC000  }
0xa5: {  	[hbm4b:s19+s2] =	stream.linear.scatter [tilespmem:s30], [sflag:$0x3], $0x4000, $0x38;
	[tilespmem:$0x9800] =	vst v63  }
0xa6: {  	_ =	swait.ge [sflag:s23], $0x4000  }
0xa7: {  	[sflag:s23] =	ssyncset.done $0x0  }
0xa8: {  	s5 =	simm.s32 $0x1680;
	[sflag:s23] =	ssyncadd.s32 $0xFFFFC000  }
0xa9: {  	[tilespmem:s30], [sflag:$0x2] =	stream.indirect.gather [hbm4b:s3+s25], $0x80, s5, s25, $0xb8;
	[tilespmem:$0x9800] =	vst v63  }
0xaa: {  	_ =	swait.ge [sflag:s31], $0x4000  }
0xab: {  	[sflag:s31] =	ssyncset.done $0x0  }
0xac: {  	[sflag:s31] =	ssyncadd.s32 $0xFFFFC000  }
0xad: {  	[hbm4b:s21+s2] =	stream.linear.scatter [tilespmem:s28], [sflag:$0x3], $0x4000, $0x38;
	[tilespmem:$0x9800] =	vst v63  }
0xae: {  	_ =	swait.ge [sflag:s23], $0x4000  }
0xaf: {  	[sflag:s23] =	ssyncset.done $0x0  }
0xb0: {  	s24 =	simm.s32 $0x1700;
	[sflag:s23] =	ssyncadd.s32 $0xFFFFC000  }
0xb1: {  	[tilespmem:s28], [sflag:$0x1] =	stream.indirect.gather [hbm4b:s3+s25], $0x80, s24, s25, $0xb8;
	[tilespmem:$0x9800] =	vst v63  }
0xb2: {  	_ =	swait.ge [sflag:s0], $0x4000  }
0xb3: {  	[sflag:s0] =	ssyncset.done $0x0  }
0xb4: {  	[sflag:s0] =	ssyncadd.s32 $0xFFFFC000  }
0xb5: {  	[hbm4b:s22+s2] =	stream.linear.scatter [tilespmem:s30], [sflag:$0x3], $0x4000, $0x38;
	[tilespmem:$0x9800] =	vst v63  }
0xb6: {  	_ =	swait.ge [sflag:s23], $0x4000  }
0xb7: {  	[sflag:s23] =	ssyncset.done $0x0  }
0xb8: {  	s29 =	simm.s32 $0x1780;
	[sflag:s23] =	ssyncadd.s32 $0xFFFFC000  }
0xb9: {  	[tilespmem:s30], [sflag:$0x2] =	stream.indirect.gather [hbm4b:s3+s25], $0x80, s29, s25, $0xb8;
	[tilespmem:$0x9800] =	vst v63  }
0xba: {  	_ =	swait.ge [sflag:s31], $0x4000  }
0xbb: {  	[sflag:s31] =	ssyncset.done $0x0  }
0xbc: {  	[sflag:s31] =	ssyncadd.s32 $0xFFFFC000  }
0xbd: {  	[hbm4b:s7+s2] =	stream.linear.scatter [tilespmem:s28], [sflag:$0x3], $0x4000, $0x38;
	[tilespmem:$0x9800] =	vst v63  }
0xbe: {  	_ =	swait.ge [sflag:s23], $0x4000  }
0xbf: {  	[sflag:s23] =	ssyncset.done $0x0  }
0xc0: {  	[sflag:s23] =	ssyncadd.s32 $0xFFFFC000  }
0xc1: {  	s26 =	sadd.s32 $0x1, s26;
	_ =	swait.ge [sflag:s0], $0x4000  }
0xc2: {  	p0 =	sne.s32 s26, s20;
	[sflag:s0] =	ssyncset.done $0x0  }
.Ltmp1:
0xc3: {  	[sflag:s0] =	ssyncadd.s32 $0xFFFFC000;
	(pc) =	sbr.rel @p0 .LBB2_1-.Ltmp1, $4  }
0xc4: {  	[hbm4b:s8+s2] =	stream.linear.scatter [tilespmem:s30], [sflag:$0x3], $0x4000, $0x38;
	[tilespmem:$0x9800] =	vst v63  }
0xc5: {  	_ =	swait.ge [sflag:s23], $0x4000  }
0xc6: {  	[sflag:s23] =	ssyncset.done $0x0  }
0xc7: {  	[sflag:s23] =	ssyncadd.s32 $0xFFFFC000  }
0xc8: {  	_ =	sfence.sel $0x180000  }
0xc9: {  	[bflag:$0x0] =	sbarrier.arrive $0xFFFF  }
0xca: {  	_ =	strace $0x9000004A  }
0xcb: {  	s0 =	stileid.u32;
	[bflag:$0x2] =	sbarrier.arrive $0xFFFF  }
0xcc: {  	p0 =	sne.s32 s0, $0x0;
	s0 =	rddreg [dreg:$0x1]  }
0xcd: {  	s0 =	sadd.s32 @!p0 $0x100000, s0  }
0xce: {  	[sflag:s0] =	ssyncadd.tile.s32 @!p0 $0x1;
	_ =	shalt  }
.Lfunc_end2:
_tile_overlayer_lowered:
.L_overlay_start_2:
0xcf: {  	(tag) =	ssettag $0x2  }
0xd0: {  	s0 =	rddreg [dreg:$0x0];
	s2 =	stileid.u32  }
0xd1: {  	s1 =	rddreg [dreg:$0x1];
	p0 =	sne.s32 s2, $0x0  }
0xd2: {  	s3 =	rddreg [dreg:$0x2];
	[bflag:$0x3] =	sbarrier.arrive $0xFFFF;
	s2 =	simm.s32 @!p0 $0x1C03  }
0xd3: {  	[timem:s3], [sflag:s2] =	dma.local @!p0 [hbm:s0], s1  }
0xd4: {  	s0 =	simm.s32 @!p0 $0x3  }
0xd5: {  	_ =	swait.ge @!p0 [sflag:s0], s1  }
0xd6: {  	s1 =	ssub.s32 @!p0 $0x0, s1;
	[sflag:s0] =	ssyncset.done @!p0 $0x0  }
0xd7: {  	[sflag:s0] =	ssyncadd.s32 @!p0 s1  }
0xd8: {  	[bflag:$0x3] =	sbarrier.arrive $0xFFFF  }
0xd9: {  	_ =	shalt  }

// kernel: kernel.20.cloned.1.call-start
scs
__scs_entry_jumppad:
0x0: {  	(pc) =	sbr.rel $0x88, $3  }
0x1: {  	(tag) =	ssettag $0x0;
	lr =	simm.s32 $0x1  }
0x2: {  	[smem:$0x3F8E] =	sst lr;
	_ =	strace $0xD0000000  }
0x3: {  	_ = 	snop  }
0x4: {  	_ = 	snop  }
0x5: {  	_ = 	snop  }
0x6: {  	_ = 	snop  }
0x7: {  	_ = 	snop  }
__scs_overlays_trampoline_lowered:
0x8: {  	[smem:$0x3F9D] =	sst s0  }
0x9: {  	[smem:$0x3F9E] =	sst s1  }
0xa: {  	[smem:$0x3F9F] =	sst s2  }
0xb: {  	[smem:$0x3FA0] =	sst s3  }
0xc: {  	[smem:$0x3FA1] =	sst s4  }
0xd: {  	[smem:$0x3FA2] =	sst s5  }
0xe: {  	[smem:$0x3FA3] =	sst s6  }
0xf: {  	[smem:$0x3FA4] =	sst s7  }
0x10: {  	[smem:$0x3FA5] =	sst s8  }
0x11: {  	[smem:$0x3FA6] =	sst s9;
	s0 =	simm.s32 @!p0 $0x0  }
0x12: {  	s1 =	sld [smem:$0x3F8C];
	s0 =	simm.s32 @p0 $0x1  }
0x13: {  	[smem:$0x3FA7] =	sst s0;
	s0 =	simm.s32 @!p1 $0x0  }
0x14: {  	s2 =	sld [smem:$0x3F8B];
	s0 =	simm.s32 @p1 $0x1  }
0x15: {  	[smem:$0x3FA8] =	sst s0;
	s0 =	simm.s32 @!p2 $0x0  }
0x16: {  	s3 =	sld [smem:$0x3FDB];
	s0 =	simm.s32 @p2 $0x1  }
0x17: {  	s4 =	simm.s32 $0x1BF5;
	[smem:$0x3FAA] =	sst s0  }
0x18: {  	s0 =	sld [smem:$0x3F8D];
	_ =	swait.ge [sflag:s4], $0x0  }
0x19: {  	s7 =	sld [smem:$0x3F8E]  }
0x1a: {  	s8 =	sadd.s32 $0xFFFFE003, lr  }
0x1b: {  	s9 =	sadd.s32 $0xFFFFFEF7, lr;
	s5 =	simm.s32 $0xFFFFFFFF;
	p2 =	slt.u32 s8, $0xFFFFF086  }
0x1c: {  	p1 =	slt.u32 s9, $0xF7A;
	s5 =	simm.s32 @!p2 $0x0  }
0x1d: {  	s5 =	simm.s32 @p1 $0x1;
	p0 =	seq.s32 s7, s2  }
0x1e: {  	s7 =	smul.u32 @!p0 $0xF7A, s2;
	p2 =	seq.s32 @!p0 s5, $0x0  }
0x1f: {  	s9 =	smul.u32 $0xF7A, s1;
	s8 =	simm.s32 @!p0 $0x1BF5;
	p2 =	por !p2, p0  }
0x20: {  	[sflag:s8] =	ssyncset.s32 @!p0 $0xFFFFF086;
	s6 =	sadd.s32 @!p0 s3, s7;
	s7 =	simm.s32 @!p0 $0x108  }
0x21: {  	s3 =	sadd.s32 s3, s9;
	s6 =	sadd.s32 @!p0 $0x88, s6;
	s7 =	simm.s32 @p2 $0x1082  }
0x22: {  	[simem:s7], [sflag:s8] =	dma.local @!p0 [hbm:s6], $0xF7A  }
0x23: {  	s9 =	sor.u32 $0xD0000000, s2;
	s6 =	simm.s32 $0x108;
	_ =	swait.ge @!p0 [sflag:s8], $0x0  }
0x24: {  	s3 =	sadd.s32 $0x88, s3;
	s6 =	simm.s32 @!p1 $0x1082;
	[sflag:s4] =	ssyncset.s32 $0xFFFFF086  }
0x25: {  	[simem:s6], [sflag:s4] =	dma.local [hbm:s3], $0xF7A  }
0x26: {  	[smem:$0x3F8E] =	sst s1;
	(tag) =	ssettag s2;
	_ =	strace s9  }
0x27: {  	s1 =	sld [smem:$0x3F9E]  }
0x28: {  	s2 =	sld [smem:$0x3F9F]  }
0x29: {  	s4 =	sld [smem:$0x3FA1]  }
0x2a: {  	p0 =	seq.s32 s5, $0x0;
	s5 =	sld [smem:$0x3FA2]  }
0x2b: {  	s6 =	sld [smem:$0x3FA3]  }
0x2c: {  	s7 =	sld [smem:$0x3FA4]  }
0x2d: {  	s3 =	simm.s32 $0x108;
	s8 =	sld [smem:$0x3FA5]  }
0x2e: {  	s3 =	simm.s32 @!p0 $0x1082;
	s9 =	sld [smem:$0x3FA6]  }
0x2f: {  	lr =	sadd.s32 s0, s3;
	s0 =	sld [smem:$0x3F9D]  }
0x30: {  	s3 =	sld [smem:$0x3FA0]  }
0x31: {  	[smem:$0x3FA9] =	sst s10  }
0x32: {  	s10 =	sld [smem:$0x3FA7];
	_ =	sdelay $0x3  }
0x33: {  	p0 =	seq.s32 s10, $0x1;
	s10 =	sld [smem:$0x3FA9];
	_ =	sdelay $0x3  }
0x34: {  	[smem:$0x3FA9] =	sst s10  }
0x35: {  	s10 =	sld [smem:$0x3FA8];
	_ =	sdelay $0x3  }
0x36: {  	p1 =	seq.s32 s10, $0x1;
	s10 =	sld [smem:$0x3FA9];
	_ =	sdelay $0x3  }
0x37: {  	[smem:$0x3FA9] =	sst s10  }
0x38: {  	s10 =	sld [smem:$0x3FAA]  }
0x39: {  	_ = 	snop;
	(pc) =	sbr.ind lr, $3  }
0x3a: {  	_ = 	snop  }
0x3b: {  	_ = 	snop  }
0x3c: {  	p2 =	seq.s32 s10, $0x1;
	s10 =	sld [smem:$0x3FA9]  }
0x3d: {  	_ =	shalt  }
0x3e: {  	_ =	shalt  }
0x3f: {  	_ =	shalt  }
0x40: {  	_ =	shalt  }
0x41: {  	_ =	shalt  }
0x42: {  	_ =	shalt  }
0x43: {  	_ =	shalt  }
0x44: {  	_ =	shalt  }
0x45: {  	_ =	shalt  }
0x46: {  	_ =	shalt  }
0x47: {  	_ =	shalt  }
0x48: {  	_ =	shalt  }
0x49: {  	_ =	shalt  }
0x4a: {  	_ =	shalt  }
0x4b: {  	_ =	shalt  }
0x4c: {  	_ =	shalt  }
0x4d: {  	_ =	shalt  }
0x4e: {  	_ =	shalt  }
0x4f: {  	_ =	shalt  }
0x50: {  	_ =	shalt  }
0x51: {  	_ =	shalt  }
0x52: {  	_ =	shalt  }
0x53: {  	_ =	shalt  }
0x54: {  	_ =	shalt  }
0x55: {  	_ =	shalt  }
0x56: {  	_ =	shalt  }
0x57: {  	_ =	shalt  }
0x58: {  	_ =	shalt  }
0x59: {  	_ =	shalt  }
0x5a: {  	_ =	shalt  }
0x5b: {  	_ =	shalt  }
0x5c: {  	_ =	shalt  }
0x5d: {  	_ =	shalt  }
0x5e: {  	_ =	shalt  }
0x5f: {  	_ =	shalt  }
0x60: {  	_ =	shalt  }
0x61: {  	_ =	shalt  }
0x62: {  	_ =	shalt  }
0x63: {  	_ =	shalt  }
0x64: {  	_ =	shalt  }
0x65: {  	_ =	shalt  }
0x66: {  	_ =	shalt  }
0x67: {  	_ =	shalt  }
0x68: {  	_ =	shalt  }
0x69: {  	_ =	shalt  }
0x6a: {  	_ =	shalt  }
0x6b: {  	_ =	shalt  }
0x6c: {  	_ =	shalt  }
0x6d: {  	_ =	shalt  }
0x6e: {  	_ =	shalt  }
0x6f: {  	_ =	shalt  }
0x70: {  	_ =	shalt  }
0x71: {  	_ =	shalt  }
0x72: {  	_ =	shalt  }
0x73: {  	_ =	shalt  }
0x74: {  	_ =	shalt  }
0x75: {  	_ =	shalt  }
0x76: {  	_ =	shalt  }
0x77: {  	_ =	shalt  }
0x78: {  	_ =	shalt  }
0x79: {  	_ =	shalt  }
0x7a: {  	_ =	shalt  }
0x7b: {  	_ =	shalt  }
0x7c: {  	_ =	shalt  }
0x7d: {  	_ =	shalt  }
0x7e: {  	_ =	shalt  }
0x7f: {  	_ =	shalt  }
0x80: {  	_ =	shalt  }
0x81: {  	_ =	shalt  }
0x82: {  	_ =	shalt  }
0x83: {  	_ =	shalt  }
0x84: {  	_ =	shalt  }
0x85: {  	_ =	shalt  }
0x86: {  	_ =	shalt  }
0x87: {  	_ =	shalt  }
.Lfunc_end0:
.L_simem_size_0:
called_computation.3_lowered:
.L_overlay_start_0:
0x88: {  	s2 =	sld [smem:$0x3FD9]  }
0x89: {  	s3 =	sld [smem:$0x3FFE];
	_ =	sdelay $0x1  }
0x8a: {  	s1 =	srdreg.scid  }
0x8b: {  	s0 =	sand.u32 $0x1, s1  }
0x8c: {  	s16 =	sshll.u32 s0, $0xA;
	s2 =	sadd.s32 s3, s2  }
0x8d: {  	s2 =	sadd.s32 s2, s16  }
0x8e: {  	[smem:$0x3FB5] =	sst s2  }
0x8f: {  	_ = 	snop  }
0x90: {  	(tm) =	ssettm $0x1  }
0x91: {  	s17 =	sld [smem:$0x3FFB];
	_ =	sdelay $0x3  }
0x92: {  	_ =	strace s17  }
0x93: {  	s2 =	sld [smem:$0x3FFC];
	_ =	sdelay $0x3  }
0x94: {  	_ =	strace s2  }
0x95: {  	s2 =	sld [smem:$0x3FFD];
	_ =	sdelay $0x3  }
0x96: {  	_ =	strace s2  }
0x97: {  	_ =	strace $0x8FFFFFFF  }
0x98: {  	s18 =	sld [smem:$0x3FDB];
	_ =	sdelay $0x1  }
0x99: {  	s19 =	simm.s32 $_scs_section_size  }
0x9a: {  	s4 =	simm.s32 $_size__tile_overlayer_lowered;
	s5 =	simm.s32 $_tile_overlayer_lowered  }
0x9b: {  	s22 =	simm.s32 $0x1BFF;
	s21 =	sshll.u32 s5, $0x1;
	s2 =	sadd.s32 s19, s18  }
0x9c: {  	s6 =	simm.s32 $0x0;
	s20 =	sshll.u32 s4, $0x1;
	s4 =	sadd.s32 s21, s2  }
0x9d: {  	[timem:s6], [sflag:s22] =	dma.local [hbm:s4], s20  }
0x9e: {  	_ =	swait.ge [sflag:s22], s20  }
0x9f: {  	s3 =	ssub.s32 $0x0, s20;
	[sflag:s22] =	ssyncset.done $0x0  }
0xa0: {  	[sflag:s22] =	ssyncadd.s32 s3;
	_ =	sdelay $0x1  }
0xa1: {  	s23 =	simm.s32 $0x1B8B  }
0xa2: {  	_ =	swait.ge [sflag:s23], $0x1  }
0xa3: {  	[sflag:s23] =	ssyncset.done $0x0  }
0xa4: {  	s25 =	simm.s32 $0x1B8E;
	s24 =	sld [smem:$0x3FFE];
	[sflag:s23] =	ssyncadd.s32 $0xFFFFFFFF  }
0xa5: {  	s26 =	simm.s32 $execute0_lowered;
	[smem:$0x3FD2] =	sst s25  }
0xa6: {  	s4 =	sshll.u32 s26, $0x1;
	_ =	strace $0x80000046;
	[dreg:$0x1] =	wrdreg $0xFFFFFFFF  }
0xa7: {  	s28 =	simm.s32 $_size_execute0_lowered;
	s2 =	sadd.s32 s2, s4;
	[dreg:$0x0] =	wrdreg $0x0  }
0xa8: {  	s4 =	sshll.u32 s28, $0x1;
	[dreg:$0x2] =	wrdreg s2  }
0xa9: {  	[dreg:$0x3] =	wrdreg s4  }
0xaa: {  	[dreg:$0x4] =	wrdreg $0xC0  }
0xab: {  	_ =	task [dreg:s6], $0x5FFFF  }
0xac: {  	[dreg:$0x1] =	wrdreg $0xFFFFFFFF  }
0xad: {  	[dreg:$0x0] =	wrdreg $0x60  }
0xae: {  	[dreg:$0x2] =	wrdreg s24  }
0xaf: {  	[dreg:$0x3] =	wrdreg $0xC  }
0xb0: {  	_ =	task.clear_ibuf [dreg:s6], $0x4FFFF;
	_ =	strace $0x90000046  }
0xb1: {  	s29 =	simm.s32 $0xC;
	_ =	strace $0x80000048  }
0xb2: {  	_ =	swait.ge [sflag:s29], $0x1  }
0xb3: {  	[sflag:s29] =	ssyncadd.s32 $0xFFFFFFFF  }
0xb4: {  	_ =	strace $0x90000048  }
0xb5: {  	_ =	sfence  }
0xb6: {  	s30 =	sld [smem:$0x0];
	_ =	sdelay $0x2  }
0xb7: {  	s31 =	sshll.u32 s1, $0xD;
	s1 =	sshrl.u32 s1, $0x2  }
0xb8: {  	s3 =	sand.u32 $0x4000, s31;
	s1 =	sadd.s32 s1, s30  }
0xb9: {  	s0 =	sor.u32 s3, s0;
	s1 =	sshll.u32 s1, $0x11  }
0xba: {  	s0 =	sor.u32 s1, s0  }
0xbb: {  	s0 =	sadd.s32 $0x8F2B, s0  }
0xbc: {  	[sflag:s0] =	ssyncadd.remote.s32 $0x1  }
0xbd: {  	_ =	sfence.sel $0xFFFF  }
0xbe: {  	[dreg:$0x0] =	wrdreg $0xFFFFFFFF;
	(pc) =	sbr.abs _section_cstart, $3  }
0xbf: {  	[dreg:$0x1] =	wrdreg $0xFFFFFFFF  }
0xc0: {  	_ =	task.clear_ibuf [dreg:s6], $0x2FFFF;
	_ =	strace $0x9FFFFFFF  }
0xc1: {  	(tm) =	ssettm $0x7FFFFFFF  }
tec
execute0_lowered:
.L_overlay_start_1:
0x0: {  	(tag) =	ssettag $0x1  }
0x1: {  	s0 =	rddreg [dreg:$0x0]  }
0x2: {  	s1 =	srdreg.scid;
	s3 =	stileid.u32;
	s2 =	simm.s32 $0x0  }
0x3: {  	s23 =	simm.s32 $0x3;
	s28 =	simm.s32 $0x1800;
	s1 =	sand.u32 $0x1, s1  }
0x4: {  	s30 =	simm.s32 $0x5800;
	s3 =	sshll.u32 s3, $0xC;
	s4 =	sshll.u32 s1, $0xB  }
0x5: {  	s31 =	simm.s32 $0x1;
	[smem:$0x7FF] =	sst s2;
	s3 =	sor.u32 s4, s3  }
0x6: {  	_ =	strace $0x80000047;
	s4 =	sshrl.u32 s3, $0x3;
	s5 =	sshll.u32 s3, $0x4  }
0x7: {  	s3 =	sadd.s32 $0x10C00, s0;
	s4 =	sadd.s32 s4, s0;
	s0 =	sadd.s32 s5, s0  }
0x8: {  	s25 =	sadd.s32 $0x4C00, s4;
	s26 =	sadd.s32 $0x114C00, s0;
	s6 =	sadd.s32 $0x115400, s0  }
0x9: {  	s1 =	ssub.s32 $0x2, s1;
	s7 =	sadd.s32 $0x11BC00, s0;
	s8 =	sadd.s32 $0x11C400, s0  }
0xa: {  	s29 =	sshrl.u32 s1, $0x1;
	s9 =	sadd.s32 $0x115C00, s0;
	s10 =	sadd.s32 $0x116400, s0  }
0xb: {  	s11 =	sadd.s32 $0x6C00, s4;
	s12 =	sadd.s32 $0x116C00, s0;
	s13 =	sadd.s32 $0x117400, s0  }
0xc: {  	s1 =	ssub.s32 s1, s29;
	s14 =	sadd.s32 $0x117C00, s0;
	s15 =	sadd.s32 $0x118400, s0  }
0xd: {  	s20 =	smax.u32 s1, $0x1;
	s16 =	sadd.s32 $0x118C00, s0;
	s17 =	sadd.s32 $0x119400, s0  }
0xe: {  	s1 =	simm.s32 $0x2;
	s18 =	sadd.s32 $0x119C00, s0;
	s19 =	sadd.s32 $0x11A400, s0  }
0xf: {  	s21 =	sadd.s32 $0x11AC00, s0;
	s22 =	sadd.s32 $0x11B400, s0;
	[dreg:$0x2] =	wrdreg s25  }
0x10: {  	[dreg:$0x3] =	wrdreg s26;
	s25 =	simm.s32 $0x80;
	s26 =	simm.s32 $0x0  }
.LBB2_1:
0x11: {  	[tilespmem:s2], [sflag:$0x3] =	stream.linear.gather [hbm4b:s11+s2], $0x800, $0x38;
	[tilespmem:$0x9800] =	vst v63  }
0x12: {  	_ =	swait.ge [sflag:s23], $0x800  }
0x13: {  	[sflag:s23] =	ssyncset.done $0x0  }
0x14: {  	s4 =	simm.s32 $0x800;
	s0 =	rddreg [dreg:$0x2];
	[sflag:s23] =	ssyncadd.s32 $0xFFFFF800  }
0x15: {  	[tilespmem:s4], [sflag:$0x3] =	stream.linear.gather [hbm4b:s0+s2], $0x800, $0x38;
	[tilespmem:$0x9800] =	vst v63  }
0x16: {  	_ =	swait.ge [sflag:s23], $0x800  }
0x17: {  	[sflag:s23] =	ssyncset.done $0x0  }
0x18: {  	s29 =	simm.s32 $0x0;
	[sflag:s23] =	ssyncadd.s32 $0xFFFFF800  }
0x19: {  	v0 =	vld [tilespmem:s29+$0x800];
	_ =	sdelay $0x1  }
0x1a: {  	v1 =	vld [tilespmem:s29+$0x0];
	_ =	sdelay $0x1  }
0x1b: {  	s0 =	simm.s32 $0x10  }
0x1c: {  	v2 =	vld [tilespmem:s0+$0x800];
	v0 =	vadd.f32 $1.000000000e+00, v0;
	_ =	sdelay $0x1  }
0x1d: {  	v1 =	vadd.f32 $1.000000000e+00, v1;
	v0 =	vmul.f32 $6.400000000e+01, v0;
	_ =	sdelay $0x1  }
0x1e: {  	v3 =	vld [tilespmem:s0+$0x0];
	v1 =	vmul.f32 $6.400000000e+01, v1;
	v0 =	vadd.f32 $-5.000000000e-01, v0  }
0x1f: {  	v2 =	vadd.f32 $1.000000000e+00, v2  }
0x20: {  	v1 =	vadd.f32 $-5.000000000e-01, v1;
	v0 =	vadd.f32 $5.000000000e-01, v0  }
0x21: {  	s24 =	simm.s32 $0x20  }
0x22: {  	v4 =	vld [tilespmem:s24+$0x0];
	v2 =	vmul.f32 $6.400000000e+01, v2;
	v1 =	vadd.f32 $5.000000000e-01, v1;
	v0 =	vmax.f32 v0, $0.0e+00  }
0x23: {  	v5 =	vld [tilespmem:s24+$0x800];
	v3 =	vadd.f32 $1.000000000e+00, v3;
	v0 =	vtrunc.f32 v0  }
0x24: {  	v2 =	vadd.f32 $-5.000000000e-01, v2;
	v1 =	vmax.f32 v1, $0.0e+00;
	v6 =	vcvt.f32.s32 v0  }
0x25: {  	v3 =	vmul.f32 $6.400000000e+01, v3;
	v1 =	vtrunc.f32 v1  }
0x26: {  	v8 =	vadd.f32 $5.000000000e-01, v2;
	v7 =	vcvt.f32.s32 v1;
	vm0 =	vlt.s32 v6, $0x7F  }
0x27: {  	s4 =	simm.s32 $0x30;
	v0 =	vadd.f32 $1.000000000e+00, v4;
	v4 =	vadd.f32 $-5.000000000e-01, v3;
	v1 =	vnsel vm0, $0x7F, v6  }
0x28: {  	v2 =	vadd.f32 $1.000000000e+00, v5;
	vm15 =	vlt.s32 v7, $0x7F;
	v3 =	vmul.u32 $0x82, v1;
	v1 =	vld [tilespmem:s4+$0x0]  }
0x29: {  	s5 =	simm.s32 $0x100;
	v5 =	vmax.f32 v8, $0.0e+00;
	v4 =	vadd.f32 $5.000000000e-01, v4;
	v6 =	vnsel vm15, $0x7F, v7  }
.LBB2_2:
0x2a: {  	p0 =	sne.s32 s5, $0x1FC0;
	v7 =	vld [tilespmem:s4+$0x800];
	v2 =	vmul.f32 $6.400000000e+01, v2;
	v5 =	vtrunc.f32 v5;
	v3 =	vadd.s32 v3, v6  }
0x2b: {  	v4 =	vmax.f32 v4, $0.0e+00;
	v5 =	vcvt.f32.s32 v5;
	v3 =	vadd.s32 $0xC300, v3  }
.Ltmp0:
0x2c: {  	v6 =	vmul.f32 $6.400000000e+01, v0;
	v2 =	vadd.f32 $-5.000000000e-01, v2;
	v4 =	vtrunc.f32 v4;
	[tilespmem:s29+$0x1000] =	vst v3;
	s29 =	smov.u32 s0;
	s0 =	smov.u32 s24;
	(pc) =	sbr.rel @p0 .LBB2_2-.Ltmp0, $4  }
0x2d: {  	s24 =	smov.u32 s4;
	v0 =	vadd.f32 $1.000000000e+00, v1;
	v8 =	vcvt.f32.s32 v4;
	vm0 =	vlt.s32 v5, $0x7F  }
0x2e: {  	s4 =	sshra.s32 s5, $0x2;
	v4 =	vadd.f32 $-5.000000000e-01, v6;
	v6 =	vadd.f32 $5.000000000e-01, v2;
	v3 =	vnsel vm0, $0x7F, v5  }
0x2f: {  	v1 =	vld [tilespmem:s4+$0x0];
	v2 =	vadd.f32 $1.000000000e+00, v7;
	vm0 =	vlt.s32 v8, $0x7F;
	v3 =	vmul.u32 $0x82, v3  }
0x30: {  	s5 =	sadd.s32 $0x40, s5;
	v4 =	vadd.f32 $5.000000000e-01, v4;
	v5 =	vmax.f32 v6, $0.0e+00;
	v6 =	vnsel vm0, $0x7F, v8  }
0x31: {  	v7 =	vld [tilespmem:s4+$0x800];
	_ =	sdelay $0x3  }
0x32: {  	v2 =	vmul.f32 $6.400000000e+01, v2;
	v5 =	vtrunc.f32 v5;
	v3 =	vadd.s32 v3, v6  }
0x33: {  	v0 =	vmul.f32 $6.400000000e+01, v0;
	v4 =	vmax.f32 v4, $0.0e+00;
	v60 =	vadd.f32 $1.000000000e+00, v7  }
0x34: {  	v5 =	vcvt.f32.s32 v5;
	v3 =	vadd.s32 $0xC300, v3;
	v2 =	vadd.f32 $-5.000000000e-01, v2  }
0x35: {  	v4 =	vtrunc.f32 v4;
	v1 =	vadd.f32 $1.000000000e+00, v1;
	v6 =	vmul.f32 $6.400000000e+01, v60  }
0x36: {  	v0 =	vadd.f32 $-5.000000000e-01, v0;
	v4 =	vcvt.f32.s32 v4;
	vm0 =	vlt.s32 v5, $0x7F  }
0x37: {  	v2 =	vadd.f32 $5.000000000e-01, v2;
	v1 =	vmul.f32 $6.400000000e+01, v1;
	v6 =	vadd.f32 $-5.000000000e-01, v6  }
0x38: {  	v5 =	vnsel vm0, $0x7F, v5;
	v0 =	vadd.f32 $5.000000000e-01, v0;
	vm11 =	vlt.s32 v4, $0x7F  }
0x39: {  	v5 =	vmul.u32 $0x82, v5;
	v1 =	vadd.f32 $-5.000000000e-01, v1;
	v6 =	vadd.f32 $5.000000000e-01, v6  }
0x3a: {  	v2 =	vmax.f32 v2, $0.0e+00;
	v4 =	vnsel vm11, $0x7F, v4;
	v0 =	vmax.f32 v0, $0.0e+00  }
0x3b: {  	v2 =	vtrunc.f32 v2;
	v1 =	vadd.f32 $5.000000000e-01, v1;
	v61 =	vmax.f32 v6, $0.0e+00  }
0x3c: {  	v4 =	vadd.s32 v5, v4;
	v2 =	vcvt.f32.s32 v2;
	v5 =	vtrunc.f32 v61  }
0x3d: {  	v0 =	vtrunc.f32 v0;
	v1 =	vmax.f32 v1, $0.0e+00;
	v5 =	vcvt.f32.s32 v5  }
0x3e: {  	v0 =	vcvt.f32.s32 v0;
	vm12 =	vlt.s32 v2, $0x7F;
	v1 =	vtrunc.f32 v1  }
0x3f: {  	v2 =	vnsel vm12, $0x7F, v2;
	v1 =	vcvt.f32.s32 v1;
	vm13 =	vlt.s32 v5, $0x7F  }
0x40: {  	vm14 =	vlt.s32 v0, $0x7F;
	v2 =	vmul.u32 $0x82, v2;
	v5 =	vnsel vm13, $0x7F, v5  }
0x41: {  	v0 =	vnsel vm14, $0x7F, v0;
	vm15 =	vlt.s32 v1, $0x7F;
	v5 =	vmul.u32 $0x82, v5  }
0x42: {  	[tilespmem:s29+$0x1000] =	vst v3;
	v62 =	vadd.s32 $0xC300, v4;
	v0 =	vadd.s32 v2, v0;
	v1 =	vnsel vm15, $0x7F, v1  }
0x43: {  	[tilespmem:s0+$0x1000] =	vst v62;
	v0 =	vadd.s32 $0xC300, v0;
	v1 =	vadd.s32 v5, v1  }
0x44: {  	[tilespmem:s24+$0x1000] =	vst v0;
	v63 =	vadd.s32 $0xC300, v1  }
0x45: {  	s29 =	simm.s32 $0x1000;
	[tilespmem:s4+$0x1000] =	vst v63  }
0x46: {  	[tilespmem:s28], [sflag:$0x1] =	stream.indirect.gather [hbm4b:s3+s25], $0x80, s29, s25, $0xb8;
	[tilespmem:$0x9800] =	vst v63  }
0x47: {  	s4 =	simm.s32 $0x1080  }
0x48: {  	[tilespmem:s30], [sflag:$0x2] =	stream.indirect.gather [hbm4b:s3+s25], $0x80, s4, s25, $0xb8;
	[tilespmem:$0x9800] =	vst v63  }
0x49: {  	_ =	swait.ge [sflag:s31], $0x4000  }
0x4a: {  	[sflag:s31] =	ssyncset.done $0x0  }
0x4b: {  	s5 =	rddreg [dreg:$0x3];
	[sflag:s31] =	ssyncadd.s32 $0xFFFFC000  }
0x4c: {  	[hbm4b:s5+s2] =	stream.linear.scatter [tilespmem:s28], [sflag:$0x3], $0x4000, $0x38;
	[tilespmem:$0x9800] =	vst v63  }
0x4d: {  	_ =	swait.ge [sflag:s23], $0x4000  }
0x4e: {  	[sflag:s23] =	ssyncset.done $0x0  }
0x4f: {  	s24 =	simm.s32 $0x1100;
	[sflag:s23] =	ssyncadd.s32 $0xFFFFC000  }
0x50: {  	[tilespmem:s28], [sflag:$0x1] =	stream.indirect.gather [hbm4b:s3+s25], $0x80, s24, s25, $0xb8;
	[tilespmem:$0x9800] =	vst v63  }
0x51: {  	_ =	swait.ge [sflag:s1], $0x4000  }
0x52: {  	[sflag:s1] =	ssyncset.done $0x0  }
0x53: {  	[sflag:s1] =	ssyncadd.s32 $0xFFFFC000  }
0x54: {  	[hbm4b:s6+s2] =	stream.linear.scatter [tilespmem:s30], [sflag:$0x3], $0x4000, $0x38;
	[tilespmem:$0x9800] =	vst v63  }
0x55: {  	_ =	swait.ge [sflag:s23], $0x4000  }
0x56: {  	[sflag:s23] =	ssyncset.done $0x0  }
0x57: {  	s29 =	simm.s32 $0x1180;
	[sflag:s23] =	ssyncadd.s32 $0xFFFFC000  }
0x58: {  	[tilespmem:s30], [sflag:$0x2] =	stream.indirect.gather [hbm4b:s3+s25], $0x80, s29, s25, $0xb8;
	[tilespmem:$0x9800] =	vst v63  }
0x59: {  	_ =	swait.ge [sflag:s31], $0x4000  }
0x5a: {  	[sflag:s31] =	ssyncset.done $0x0  }
0x5b: {  	[sflag:s31] =	ssyncadd.s32 $0xFFFFC000  }
0x5c: {  	[hbm4b:s9+s2] =	stream.linear.scatter [tilespmem:s28], [sflag:$0x3], $0x4000, $0x38;
	[tilespmem:$0x9800] =	vst v63  }
0x5d: {  	_ =	swait.ge [sflag:s23], $0x4000  }
0x5e: {  	[sflag:s23] =	ssyncset.done $0x0  }
0x5f: {  	s4 =	simm.s32 $0x1200;
	[sflag:s23] =	ssyncadd.s32 $0xFFFFC000  }
0x60: {  	[tilespmem:s28], [sflag:$0x1] =	stream.indirect.gather [hbm4b:s3+s25], $0x80, s4, s25, $0xb8;
	[tilespmem:$0x9800] =	vst v63  }
0x61: {  	_ =	swait.ge [sflag:s1], $0x4000  }
0x62: {  	[sflag:s1] =	ssyncset.done $0x0  }
0x63: {  	[sflag:s1] =	ssyncadd.s32 $0xFFFFC000  }
0x64: {  	[hbm4b:s10+s2] =	stream.linear.scatter [tilespmem:s30], [sflag:$0x3], $0x4000, $0x38;
	[tilespmem:$0x9800] =	vst v63  }
0x65: {  	_ =	swait.ge [sflag:s23], $0x4000  }
0x66: {  	[sflag:s23] =	ssyncset.done $0x0  }
0x67: {  	s5 =	simm.s32 $0x1280;
	[sflag:s23] =	ssyncadd.s32 $0xFFFFC000  }
0x68: {  	[tilespmem:s30], [sflag:$0x2] =	stream.indirect.gather [hbm4b:s3+s25], $0x80, s5, s25, $0xb8;
	[tilespmem:$0x9800] =	vst v63  }
0x69: {  	_ =	swait.ge [sflag:s31], $0x4000  }
0x6a: {  	[sflag:s31] =	ssyncset.done $0x0  }
0x6b: {  	[sflag:s31] =	ssyncadd.s32 $0xFFFFC000  }
0x6c: {  	[hbm4b:s12+s2] =	stream.linear.scatter [tilespmem:s28], [sflag:$0x3], $0x4000, $0x38;
	[tilespmem:$0x9800] =	vst v63  }
0x6d: {  	_ =	swait.ge [sflag:s23], $0x4000  }
0x6e: {  	[sflag:s23] =	ssyncset.done $0x0  }
0x6f: {  	s24 =	simm.s32 $0x1300;
	[sflag:s23] =	ssyncadd.s32 $0xFFFFC000  }
0x70: {  	[tilespmem:s28], [sflag:$0x1] =	stream.indirect.gather [hbm4b:s3+s25], $0x80, s24, s25, $0xb8;
	[tilespmem:$0x9800] =	vst v63  }
0x71: {  	_ =	swait.ge [sflag:s1], $0x4000  }
0x72: {  	[sflag:s1] =	ssyncset.done $0x0  }
0x73: {  	[sflag:s1] =	ssyncadd.s32 $0xFFFFC000  }
0x74: {  	[hbm4b:s13+s2] =	stream.linear.scatter [tilespmem:s30], [sflag:$0x3], $0x4000, $0x38;
	[tilespmem:$0x9800] =	vst v63  }
0x75: {  	_ =	swait.ge [sflag:s23], $0x4000  }
0x76: {  	[sflag:s23] =	ssyncset.done $0x0  }
0x77: {  	s29 =	simm.s32 $0x1380;
	[sflag:s23] =	ssyncadd.s32 $0xFFFFC000  }
0x78: {  	[tilespmem:s30], [sflag:$0x2] =	stream.indirect.gather [hbm4b:s3+s25], $0x80, s29, s25, $0xb8;
	[tilespmem:$0x9800] =	vst v63  }
0x79: {  	_ =	swait.ge [sflag:s31], $0x4000  }
0x7a: {  	[sflag:s31] =	ssyncset.done $0x0  }
0x7b: {  	[sflag:s31] =	ssyncadd.s32 $0xFFFFC000  }
0x7c: {  	[hbm4b:s14+s2] =	stream.linear.scatter [tilespmem:s28], [sflag:$0x3], $0x4000, $0x38;
	[tilespmem:$0x9800] =	vst v63  }
0x7d: {  	_ =	swait.ge [sflag:s23], $0x4000  }
0x7e: {  	[sflag:s23] =	ssyncset.done $0x0  }
0x7f: {  	s4 =	simm.s32 $0x1400;
	[sflag:s23] =	ssyncadd.s32 $0xFFFFC000  }
0x80: {  	[tilespmem:s28], [sflag:$0x1] =	stream.indirect.gather [hbm4b:s3+s25], $0x80, s4, s25, $0xb8;
	[tilespmem:$0x9800] =	vst v63  }
0x81: {  	_ =	swait.ge [sflag:s1], $0x4000  }
0x82: {  	[sflag:s1] =	ssyncset.done $0x0  }
0x83: {  	[sflag:s1] =	ssyncadd.s32 $0xFFFFC000  }
0x84: {  	[hbm4b:s15+s2] =	stream.linear.scatter [tilespmem:s30], [sflag:$0x3], $0x4000, $0x38;
	[tilespmem:$0x9800] =	vst v63  }
0x85: {  	_ =	swait.ge [sflag:s23], $0x4000  }
0x86: {  	[sflag:s23] =	ssyncset.done $0x0  }
0x87: {  	s5 =	simm.s32 $0x1480;
	[sflag:s23] =	ssyncadd.s32 $0xFFFFC000  }
0x88: {  	[tilespmem:s30], [sflag:$0x2] =	stream.indirect.gather [hbm4b:s3+s25], $0x80, s5, s25, $0xb8;
	[tilespmem:$0x9800] =	vst v63  }
0x89: {  	_ =	swait.ge [sflag:s31], $0x4000  }
0x8a: {  	[sflag:s31] =	ssyncset.done $0x0  }
0x8b: {  	[sflag:s31] =	ssyncadd.s32 $0xFFFFC000  }
0x8c: {  	[hbm4b:s16+s2] =	stream.linear.scatter [tilespmem:s28], [sflag:$0x3], $0x4000, $0x38;
	[tilespmem:$0x9800] =	vst v63  }
0x8d: {  	_ =	swait.ge [sflag:s23], $0x4000  }
0x8e: {  	[sflag:s23] =	ssyncset.done $0x0  }
0x8f: {  	s24 =	simm.s32 $0x1500;
	[sflag:s23] =	ssyncadd.s32 $0xFFFFC000  }
0x90: {  	[tilespmem:s28], [sflag:$0x1] =	stream.indirect.gather [hbm4b:s3+s25], $0x80, s24, s25, $0xb8;
	[tilespmem:$0x9800] =	vst v63  }
0x91: {  	_ =	swait.ge [sflag:s1], $0x4000  }
0x92: {  	[sflag:s1] =	ssyncset.done $0x0  }
0x93: {  	[sflag:s1] =	ssyncadd.s32 $0xFFFFC000  }
0x94: {  	[hbm4b:s17+s2] =	stream.linear.scatter [tilespmem:s30], [sflag:$0x3], $0x4000, $0x38;
	[tilespmem:$0x9800] =	vst v63  }
0x95: {  	_ =	swait.ge [sflag:s23], $0x4000  }
0x96: {  	[sflag:s23] =	ssyncset.done $0x0  }
0x97: {  	s29 =	simm.s32 $0x1580;
	[sflag:s23] =	ssyncadd.s32 $0xFFFFC000  }
0x98: {  	[tilespmem:s30], [sflag:$0x2] =	stream.indirect.gather [hbm4b:s3+s25], $0x80, s29, s25, $0xb8;
	[tilespmem:$0x9800] =	vst v63  }
0x99: {  	_ =	swait.ge [sflag:s31], $0x4000  }
0x9a: {  	[sflag:s31] =	ssyncset.done $0x0  }
0x9b: {  	[sflag:s31] =	ssyncadd.s32 $0xFFFFC000  }
0x9c: {  	[hbm4b:s18+s2] =	stream.linear.scatter [tilespmem:s28], [sflag:$0x3], $0x4000, $0x38;
	[tilespmem:$0x9800] =	vst v63  }
0x9d: {  	_ =	swait.ge [sflag:s23], $0x4000  }
0x9e: {  	[sflag:s23] =	ssyncset.done $0x0  }
0x9f: {  	s4 =	simm.s32 $0x1600;
	[sflag:s23] =	ssyncadd.s32 $0xFFFFC000  }
0xa0: {  	[tilespmem:s28], [sflag:$0x1] =	stream.indirect.gather [hbm4b:s3+s25], $0x80, s4, s25, $0xb8;
	[tilespmem:$0x9800] =	vst v63  }
0xa1: {  	_ =	swait.ge [sflag:s1], $0x4000  }
0xa2: {  	[sflag:s1] =	ssyncset.done $0x0  }
0xa3: {  	[sflag:s1] =	ssyncadd.s32 $0xFFFFC000  }
0xa4: {  	[hbm4b:s19+s2] =	stream.linear.scatter [tilespmem:s30], [sflag:$0x3], $0x4000, $0x38;
	[tilespmem:$0x9800] =	vst v63  }
0xa5: {  	_ =	swait.ge [sflag:s23], $0x4000  }
0xa6: {  	[sflag:s23] =	ssyncset.done $0x0  }
0xa7: {  	s5 =	simm.s32 $0x1680;
	[sflag:s23] =	ssyncadd.s32 $0xFFFFC000  }
0xa8: {  	[tilespmem:s30], [sflag:$0x2] =	stream.indirect.gather [hbm4b:s3+s25], $0x80, s5, s25, $0xb8;
	[tilespmem:$0x9800] =	vst v63  }
0xa9: {  	_ =	swait.ge [sflag:s31], $0x4000  }
0xaa: {  	[sflag:s31] =	ssyncset.done $0x0  }
0xab: {  	[sflag:s31] =	ssyncadd.s32 $0xFFFFC000  }
0xac: {  	[hbm4b:s21+s2] =	stream.linear.scatter [tilespmem:s28], [sflag:$0x3], $0x4000, $0x38;
	[tilespmem:$0x9800] =	vst v63  }
0xad: {  	_ =	swait.ge [sflag:s23], $0x4000  }
0xae: {  	[sflag:s23] =	ssyncset.done $0x0  }
0xaf: {  	s24 =	simm.s32 $0x1700;
	[sflag:s23] =	ssyncadd.s32 $0xFFFFC000  }
0xb0: {  	[tilespmem:s28], [sflag:$0x1] =	stream.indirect.gather [hbm4b:s3+s25], $0x80, s24, s25, $0xb8;
	[tilespmem:$0x9800] =	vst v63  }
0xb1: {  	_ =	swait.ge [sflag:s1], $0x4000  }
0xb2: {  	[sflag:s1] =	ssyncset.done $0x0  }
0xb3: {  	[sflag:s1] =	ssyncadd.s32 $0xFFFFC000  }
0xb4: {  	[hbm4b:s22+s2] =	stream.linear.scatter [tilespmem:s30], [sflag:$0x3], $0x4000, $0x38;
	[tilespmem:$0x9800] =	vst v63  }
0xb5: {  	_ =	swait.ge [sflag:s23], $0x4000  }
0xb6: {  	[sflag:s23] =	ssyncset.done $0x0  }
0xb7: {  	s29 =	simm.s32 $0x1780;
	[sflag:s23] =	ssyncadd.s32 $0xFFFFC000  }
0xb8: {  	[tilespmem:s30], [sflag:$0x2] =	stream.indirect.gather [hbm4b:s3+s25], $0x80, s29, s25, $0xb8;
	[tilespmem:$0x9800] =	vst v63  }
0xb9: {  	_ =	swait.ge [sflag:s31], $0x4000  }
0xba: {  	[sflag:s31] =	ssyncset.done $0x0  }
0xbb: {  	[sflag:s31] =	ssyncadd.s32 $0xFFFFC000  }
0xbc: {  	[hbm4b:s7+s2] =	stream.linear.scatter [tilespmem:s28], [sflag:$0x3], $0x4000, $0x38;
	[tilespmem:$0x9800] =	vst v63  }
0xbd: {  	_ =	swait.ge [sflag:s23], $0x4000  }
0xbe: {  	[sflag:s23] =	ssyncset.done $0x0  }
0xbf: {  	[sflag:s23] =	ssyncadd.s32 $0xFFFFC000  }
0xc0: {  	s26 =	sadd.s32 $0x1, s26;
	_ =	swait.ge [sflag:s1], $0x4000  }
0xc1: {  	p0 =	sne.s32 s26, s20;
	[sflag:s1] =	ssyncset.done $0x0  }
.Ltmp1:
0xc2: {  	[sflag:s1] =	ssyncadd.s32 $0xFFFFC000;
	(pc) =	sbr.rel @p0 .LBB2_1-.Ltmp1, $4  }
0xc3: {  	[hbm4b:s8+s2] =	stream.linear.scatter [tilespmem:s30], [sflag:$0x3], $0x4000, $0x38;
	[tilespmem:$0x9800] =	vst v63  }
0xc4: {  	_ =	swait.ge [sflag:s23], $0x4000  }
0xc5: {  	[sflag:s23] =	ssyncset.done $0x0  }
0xc6: {  	[sflag:s23] =	ssyncadd.s32 $0xFFFFC000  }
0xc7: {  	_ =	sfence.sel $0x180000  }
0xc8: {  	[bflag:$0x0] =	sbarrier.arrive $0xFFFF  }
0xc9: {  	_ =	strace $0x90000047  }
0xca: {  	s0 =	stileid.u32;
	[bflag:$0x2] =	sbarrier.arrive $0xFFFF  }
0xcb: {  	p0 =	sne.s32 s0, $0x0;
	s0 =	rddreg [dreg:$0x1]  }
0xcc: {  	s0 =	sadd.s32 @!p0 $0x100000, s0  }
0xcd: {  	[sflag:s0] =	ssyncadd.tile.s32 @!p0 $0x1;
	_ =	shalt  }
.Lfunc_end2:
_tile_overlayer_lowered:
.L_overlay_start_2:
0xce: {  	(tag) =	ssettag $0x2  }
0xcf: {  	s0 =	rddreg [dreg:$0x0];
	s2 =	stileid.u32  }
0xd0: {  	s1 =	rddreg [dreg:$0x1];
	p0 =	sne.s32 s2, $0x0  }
0xd1: {  	s3 =	rddreg [dreg:$0x2];
	[bflag:$0x3] =	sbarrier.arrive $0xFFFF;
	s2 =	simm.s32 @!p0 $0x1C03  }
0xd2: {  	[timem:s3], [sflag:s2] =	dma.local @!p0 [hbm:s0], s1  }
0xd3: {  	s0 =	simm.s32 @!p0 $0x3  }
0xd4: {  	_ =	swait.ge @!p0 [sflag:s0], s1  }
0xd5: {  	s1 =	ssub.s32 @!p0 $0x0, s1;
	[sflag:s0] =	ssyncset.done @!p0 $0x0  }
0xd6: {  	[sflag:s0] =	ssyncadd.s32 @!p0 s1  }
0xd7: {  	[bflag:$0x3] =	sbarrier.arrive $0xFFFF  }
0xd8: {  	_ =	shalt  }

</sc_bundles>
